<compile_context>
chip_gen: v7x
topology: tpu7x:2x2x1
jax: 0.10.2.dev20260603
libtpu: 0.0.44.dev20260713+nightly
codegen_flags: <defaults>
</compile_context>

<pallas_src>
import functools

import jax
import jax.numpy as jnp
from jax.experimental import pallas as pl
from jax.experimental.pallas import tpu as pltpu
from jax.experimental.pallas import tpu_sc as plsc

B = 16384
N_CAT = 26
VOCAB = 100000
EMB = 32
N_NUM = 13
CAT_H = 128
NUM_H = 128
HEAD_H = CAT_H + NUM_H
OUT = 64
EPS = 1e-5

N_TOTAL = B * N_CAT
SC_CORES = 2
SC_SUBCORES = 16
NW = SC_CORES * SC_SUBCORES
ROWS_W = B // NW
CAT_W = 896
N_FILL = (CAT_W - N_CAT * EMB) // EMB
BLK = 1024
NB = B // BLK


def _leaky(x):
    return jnp.where(x >= 0, x, 0.01 * x)


def _sc_gather(emb_tables, idx_T):
    mesh = plsc.VectorSubcoreMesh(core_axis_name="c", subcore_axis_name="s")

    @functools.partial(
        pl.kernel, mesh=mesh,
        out_type=jax.ShapeDtypeStruct((B, CAT_W), emb_tables.dtype),
        scratch_types=[
            pltpu.VMEM((ROWS_W,), jnp.int32),
            pltpu.VMEM((ROWS_W, EMB), jnp.float32),
            pltpu.SemaphoreType.DMA,
        ],
        compiler_params=pltpu.CompilerParams(use_tc_tiling_on_sc=False),
    )
    def kern(table_hbm, idx_hbm, out_hbm, idx_v, rows_v, sem):
        wid = jax.lax.axis_index("s") * SC_CORES + jax.lax.axis_index("c")
        b0 = wid * ROWS_W

        for ff in range(N_CAT + N_FILL):
            f = ff if ff < N_CAT else 0
            pltpu.sync_copy(idx_hbm.at[f, pl.ds(b0, ROWS_W)], idx_v)
            pltpu.async_copy(table_hbm.at[f].at[idx_v], rows_v, sem).wait()
            pltpu.sync_copy(rows_v,
                            out_hbm.at[pl.ds(b0, ROWS_W),
                                       pl.ds(ff * EMB, EMB)])

    return kern(emb_tables, idx_T)


def _num_tower_body(x_ref, w1_ref, b1_ref, w2_ref, b2_ref,
                    bn0g_ref, bn0b_ref, bn1g_ref, bn1b_ref,
                    bn2g_ref, bn2b_ref, o_ref):
    x = x_ref[...]
    mu = jnp.mean(x, axis=0, keepdims=True)
    var = jnp.mean((x - mu) ** 2, axis=0, keepdims=True)
    h = bn0g_ref[...] * (x - mu) / jnp.sqrt(var + EPS) + bn0b_ref[...]
    h = jnp.dot(h, w1_ref[...], preferred_element_type=jnp.float32) + b1_ref[...]
    mu = jnp.mean(h, axis=0, keepdims=True)
    var = jnp.mean((h - mu) ** 2, axis=0, keepdims=True)
    h = _leaky(bn1g_ref[...] * (h - mu) / jnp.sqrt(var + EPS) + bn1b_ref[...])
    h = jnp.dot(h, w2_ref[...], preferred_element_type=jnp.float32) + b2_ref[...]
    mu = jnp.mean(h, axis=0, keepdims=True)
    var = jnp.mean((h - mu) ** 2, axis=0, keepdims=True)
    o_ref[...] = _leaky(bn2g_ref[...] * (h - mu) / jnp.sqrt(var + EPS)
                        + bn2b_ref[...])


def _mid_body(g_ref, n_ref, wcat_ref, bcat_ref, lng_ref, lnb_ref,
              wh1_ref, bh1_ref, e1_ref, stats_ref):
    i = pl.program_id(0)
    c = jnp.dot(g_ref[...], wcat_ref[...],
                preferred_element_type=jnp.float32) + bcat_ref[...]
    mu = jnp.mean(c, axis=-1, keepdims=True)
    var = jnp.mean((c - mu) ** 2, axis=-1, keepdims=True)
    c = lng_ref[...] * (c - mu) / jnp.sqrt(var + EPS) + lnb_ref[...]
    e1 = (jnp.dot(n_ref[...], wh1_ref[0:NUM_H, :],
                  preferred_element_type=jnp.float32)
          + jnp.dot(c, wh1_ref[NUM_H:HEAD_H, :],
                    preferred_element_type=jnp.float32)
          + bh1_ref[...])
    e1_ref[...] = e1
    s = jnp.sum(e1, axis=0, keepdims=True)
    s2 = jnp.sum(e1 * e1, axis=0, keepdims=True)
    st = jnp.concatenate([s, s2], axis=0)

    @pl.when(i == 0)
    def _():
        stats_ref[...] = st

    @pl.when(i > 0)
    def _():
        stats_ref[...] += st


def _head_body(e1_ref, stats_ref, wh2_ref, bh2_ref, bnhg_ref, bnhb_ref, o_ref):
    st = stats_ref[...]
    mu = st[0:1, :] * (1.0 / B)
    var = st[1:2, :] * (1.0 / B) - mu * mu
    e = _leaky(bnhg_ref[...] * (e1_ref[...] - mu) / jnp.sqrt(var + EPS)
               + bnhb_ref[...])
    e = jnp.dot(e, wh2_ref[...], preferred_element_type=jnp.float32) + bh2_ref[...]
    o_ref[...] = e / jnp.sqrt(jnp.sum(e * e, axis=-1, keepdims=True))


def kernel(num_features, cat_features, emb_tables, W_cat, b_cat, ln_g, ln_b,
           bn0_g, bn0_b, W_n1, b_n1, bn1_g, bn1_b, W_n2, b_n2, bn2_g, bn2_b,
           W_h1, b_h1, bnh_g, bnh_b, W_h2, b_h2):
    f32 = jnp.float32
    r2 = lambda v: v.reshape(1, -1)

    idx_T = cat_features.astype(jnp.int32).T
    gathered = _sc_gather(emb_tables, idx_T)

    W_cat_pad = jnp.zeros((CAT_W, CAT_H), f32).at[0:N_CAT * EMB, :].set(W_cat)

    num_embs = pl.pallas_call(
        _num_tower_body,
        out_shape=jax.ShapeDtypeStruct((B, NUM_H), f32),
    )(num_features, W_n1, r2(b_n1), W_n2, r2(b_n2),
      r2(bn0_g), r2(bn0_b), r2(bn1_g), r2(bn1_b), r2(bn2_g), r2(bn2_b))

    row_blk = lambda i: (i, 0)
    whole = lambda i: (0, 0)
    e1, stats = pl.pallas_call(
        _mid_body,
        grid=(NB,),
        in_specs=[
            pl.BlockSpec((BLK, CAT_W), row_blk),
            pl.BlockSpec((BLK, NUM_H), row_blk),
            pl.BlockSpec((CAT_W, CAT_H), whole),
            pl.BlockSpec((1, CAT_H), whole),
            pl.BlockSpec((1, CAT_H), whole),
            pl.BlockSpec((1, CAT_H), whole),
            pl.BlockSpec((HEAD_H, HEAD_H), whole),
            pl.BlockSpec((1, HEAD_H), whole),
        ],
        out_specs=[
            pl.BlockSpec((BLK, HEAD_H), row_blk),
            pl.BlockSpec((2, HEAD_H), whole),
        ],
        out_shape=[
            jax.ShapeDtypeStruct((B, HEAD_H), f32),
            jax.ShapeDtypeStruct((2, HEAD_H), f32),
        ],
    )(gathered, num_embs, W_cat_pad, r2(b_cat), r2(ln_g), r2(ln_b),
      W_h1, r2(b_h1))

    out = pl.pallas_call(
        _head_body,
        grid=(NB,),
        in_specs=[
            pl.BlockSpec((BLK, HEAD_H), row_blk),
            pl.BlockSpec((2, HEAD_H), whole),
            pl.BlockSpec((HEAD_H, OUT), whole),
            pl.BlockSpec((1, OUT), whole),
            pl.BlockSpec((1, HEAD_H), whole),
            pl.BlockSpec((1, HEAD_H), whole),
        ],
        out_specs=pl.BlockSpec((BLK, OUT), row_blk),
        out_shape=jax.ShapeDtypeStruct((B, OUT), f32),
    )(e1, stats, W_h2, r2(b_h2), r2(bnh_g), r2(bnh_b))

    return out

# --- scband reference (transcript-rebuilt; emitter-appended) ---
"""Pipeline reference for scband-user-embedding-model-40544491274283 (READ-ONLY COPY).

The authoritative reference and input builder live on the scoring server;
editing this copy changes nothing except your own understanding.
"""

import jax, jax.numpy as jnp
import numpy as np

B = 16384
N_CAT = 26
VOCAB = 100000
EMB = 32
N_NUM = 13
CAT_H = 128
NUM_H = 128
HEAD_H = CAT_H + NUM_H
OUT = 64
EPS = 1e-5


def _bn(x, g, b):
    mu = jnp.mean(x, axis=0, keepdims=True)
    var = jnp.var(x, axis=0, keepdims=True)
    return g * (x - mu) / jnp.sqrt(var + EPS) + b


def _ln(x, g, b):
    mu = jnp.mean(x, axis=-1, keepdims=True)
    var = jnp.var(x, axis=-1, keepdims=True)
    return g * (x - mu) / jnp.sqrt(var + EPS) + b


def _leaky(x):
    return jnp.where(x >= 0, x, 0.01 * x)


def setup_inputs(seed: int = 0) -> dict:
    key = jax.random.key(seed)
    ks = jax.random.split(key, 10)
    inp = {}
    inp['num_features'] = jax.random.normal(ks[0], (B, N_NUM), dtype=jnp.float32)
    inp['cat_features'] = jax.random.randint(ks[1], (B, N_CAT), 0, VOCAB)
    tbl = jax.random.normal(ks[2], (N_CAT, VOCAB, EMB), dtype=jnp.float32) * 0.02
    inp['emb_tables'] = tbl.at[:, 0, :].set(0.0)  # padding_idx=0
    inp['W_cat'] = jax.random.normal(ks[3], (N_CAT * EMB, CAT_H), dtype=jnp.float32) * 0.02
    inp['b_cat'] = jnp.zeros((CAT_H,), jnp.float32)
    inp['ln_g'] = jnp.ones((CAT_H,), jnp.float32)
    inp['ln_b'] = jnp.zeros((CAT_H,), jnp.float32)
    inp['bn0_g'] = jnp.ones((N_NUM,), jnp.float32)
    inp['bn0_b'] = jnp.zeros((N_NUM,), jnp.float32)
    inp['W_n1'] = jax.random.normal(ks[4], (N_NUM, NUM_H), dtype=jnp.float32) * 0.02
    inp['b_n1'] = jnp.zeros((NUM_H,), jnp.float32)
    inp['bn1_g'] = jnp.ones((NUM_H,), jnp.float32)
    inp['bn1_b'] = jnp.zeros((NUM_H,), jnp.float32)
    inp['W_n2'] = jax.random.normal(ks[5], (NUM_H, NUM_H), dtype=jnp.float32) * 0.02
    inp['b_n2'] = jnp.zeros((NUM_H,), jnp.float32)
    inp['bn2_g'] = jnp.ones((NUM_H,), jnp.float32)
    inp['bn2_b'] = jnp.zeros((NUM_H,), jnp.float32)
    inp['W_h1'] = jax.random.normal(ks[6], (HEAD_H, HEAD_H), dtype=jnp.float32) * 0.02
    inp['b_h1'] = jnp.zeros((HEAD_H,), jnp.float32)
    inp['bnh_g'] = jnp.ones((HEAD_H,), jnp.float32)
    inp['bnh_b'] = jnp.zeros((HEAD_H,), jnp.float32)
    inp['W_h2'] = jax.random.normal(ks[7], (HEAD_H, OUT), dtype=jnp.float32) * 0.02
    inp['b_h2'] = jnp.zeros((OUT,), jnp.float32)
    return inp


def reference(num_features, cat_features, emb_tables, W_cat, b_cat, ln_g, ln_b,
              bn0_g, bn0_b, W_n1, b_n1, bn1_g, bn1_b, W_n2, b_n2, bn2_g, bn2_b,
              W_h1, b_h1, bnh_g, bnh_b, W_h2, b_h2):
    # numeric tower: BN -> Linear -> BN -> LeakyReLU -> Linear -> BN -> LeakyReLU
    h = _bn(num_features, bn0_g, bn0_b)
    h = h @ W_n1 + b_n1
    h = _leaky(_bn(h, bn1_g, bn1_b))
    h = h @ W_n2 + b_n2
    num_embs = _leaky(_bn(h, bn2_g, bn2_b))
    # categorical tower: per-field embedding lookup (gather) -> concat -> Linear -> LayerNorm
    cat_embs = emb_tables[jnp.arange(N_CAT)[None, :], cat_features]  # [B, N_CAT, EMB]
    cat_embs = cat_embs.reshape(cat_features.shape[0], N_CAT * EMB)
    cat_embs = _ln(cat_embs @ W_cat + b_cat, ln_g, ln_b)
    # head: Linear -> BN -> LeakyReLU -> Linear, then L2 normalize
    concat = jnp.concatenate([num_embs, cat_embs], axis=1)
    e = concat @ W_h1 + b_h1
    e = _leaky(_bn(e, bnh_g, bnh_b))
    e = e @ W_h2 + b_h2
    return e / jnp.linalg.norm(e, axis=-1, keepdims=True)

if __name__ == "__main__":
    import jax
    _d = setup_inputs()
    print(jax.jit(kernel)(*tuple(_d.values())))

</pallas_src>

<mosaic_0001>
#map = affine_map<(d0, d1) -> (0, 0, 0)>
#map1 = affine_map<(d0, d1) -> (0, 0)>
module attributes {stable_mosaic.version = 14 : i64} {
  func.func @kern(%arg0: i32, %arg1: i32, %arg2: memref<26x100000x32xf32, #tpu.memory_space<hbm>>, %arg3: memref<26x16384xi32, #tpu.memory_space<hbm>>, %arg4: memref<16384x896xf32, #tpu.memory_space<hbm>>, %arg5: memref<512xi32, #tpu.memory_space<vmem>>, %arg6: memref<512x32xf32, #tpu.memory_space<vmem>>, %arg7: memref<!tpu.dma_semaphore, #tpu.memory_space<semaphore_mem>>) attributes {dimension_semantics = [#tpu.dimension_semantics<core_parallel>, #tpu.dimension_semantics<subcore_parallel>], iteration_bounds = array<i64: 2, 16>, scalar_prefetch = 0 : i64, scratch_operands = 3 : i64, tpu.core_type = #tpu.core_type<sc_vector_subcore>, window_params = [{transform_indices = #map}, {transform_indices = #map1}, {transform_indices = #map1}]} {
    %mul3A = arith.constant 2 : i32
    %mul3A_0 = arith.muli %arg1, %mul3A : i32
    %add3A = arith.addi %mul3A_0, %arg0 : i32
    %mul3A_1 = arith.constant 512 : i32
    %mul3A_2 = arith.muli %add3A, %mul3A_1 : i32
    %run_scoped3A = arith.constant 0 : i32
    "tpu.region"() ({
      %run_scoped3A_476 = tpu.sem_alloc : memref<!tpu.dma_semaphore, #tpu.memory_space<semaphore_mem>>
      %dma_start3A_477 = tpu.memref_slice %arg3[%run_scoped3A, %mul3A_2] : memref<26x16384xi32, #tpu.memory_space<hbm>> -> memref<1x512xi32, #tpu.memory_space<hbm>>
      %dma_start3A_478 = tpu.memref_squeeze %dma_start3A_477 : memref<1x512xi32, #tpu.memory_space<hbm>> -> memref<512xi32, #tpu.memory_space<hbm>>
      %dma_start3A_479 = tpu.memref_slice %arg3[%run_scoped3A, %mul3A_2] : memref<26x16384xi32, #tpu.memory_space<hbm>> -> memref<1x512xi32, #tpu.memory_space<hbm>>
      %dma_start3A_480 = tpu.memref_squeeze %dma_start3A_479 : memref<1x512xi32, #tpu.memory_space<hbm>> -> memref<512xi32, #tpu.memory_space<hbm>>
      tpu.enqueue_dma source(%dma_start3A_480 : memref<512xi32, #tpu.memory_space<hbm>>) target(%arg5 : memref<512xi32, #tpu.memory_space<vmem>>) target_semaphore(%run_scoped3A_476 : memref<!tpu.dma_semaphore, #tpu.memory_space<semaphore_mem>>)
      %dma_wait3A_481 = tpu.memref_slice %arg3[%run_scoped3A, %mul3A_2] : memref<26x16384xi32, #tpu.memory_space<hbm>> -> memref<1x512xi32, #tpu.memory_space<hbm>>
      %dma_wait3A_482 = tpu.memref_squeeze %dma_wait3A_481 : memref<1x512xi32, #tpu.memory_space<hbm>> -> memref<512xi32, #tpu.memory_space<hbm>>
      %dma_wait3A_483 = tpu.memref_slice %arg3[%run_scoped3A, %mul3A_2] : memref<26x16384xi32, #tpu.memory_space<hbm>> -> memref<1x512xi32, #tpu.memory_space<hbm>>
      %dma_wait3A_484 = tpu.memref_squeeze %dma_wait3A_483 : memref<1x512xi32, #tpu.memory_space<hbm>> -> memref<512xi32, #tpu.memory_space<hbm>>
      tpu.wait_dma2 semaphore(%run_scoped3A_476 : memref<!tpu.dma_semaphore, #tpu.memory_space<semaphore_mem>>) src(%dma_wait3A_484 : memref<512xi32, #tpu.memory_space<hbm>>) dst(%arg5 : memref<512xi32, #tpu.memory_space<vmem>>)
      tpu.yield
    }) : () -> ()
    %dma_start3A = arith.constant 0 : i32
    %dma_start3A_3 = arith.constant 0 : i32
    %dma_start3A_4 = arith.constant 0 : i32
    %dma_start3A_5 = tpu.memref_slice %arg2[%dma_start3A, %dma_start3A_3, %dma_start3A_4] : memref<26x100000x32xf32, #tpu.memory_space<hbm>> -> memref<1x100000x32xf32, #tpu.memory_space<hbm>>
    %dma_start3A_6 = tpu.memref_squeeze %dma_start3A_5 : memref<1x100000x32xf32, #tpu.memory_space<hbm>> -> memref<100000x32xf32, #tpu.memory_space<hbm>>
    %dma_start3A_7 = arith.constant 0 : i32
    %dma_start3A_8 = arith.constant 0 : i32
    %dma_start3A_9 = tpu.memref_slice %dma_start3A_6[%dma_start3A_7, %dma_start3A_8] : memref<100000x32xf32, #tpu.memory_space<hbm>> -> memref<100000x32xf32, #tpu.memory_space<hbm>>
    tpu.enqueue_indirect_dma source(%dma_start3A_9 : memref<100000x32xf32, #tpu.memory_space<hbm>>) target(%arg6 : memref<512x32xf32, #tpu.memory_space<vmem>>) offsets(%arg5 : memref<512xi32, #tpu.memory_space<vmem>>) semaphore(%arg7 : memref<!tpu.dma_semaphore, #tpu.memory_space<semaphore_mem>>)
    %dma_wait3A = arith.constant 0 : i32
    %dma_wait3A_10 = arith.constant 0 : i32
    %dma_wait3A_11 = arith.constant 0 : i32
    %dma_wait3A_12 = tpu.memref_slice %arg2[%dma_wait3A, %dma_wait3A_10, %dma_wait3A_11] : memref<26x100000x32xf32, #tpu.memory_space<hbm>> -> memref<1x100000x32xf32, #tpu.memory_space<hbm>>
    %dma_wait3A_13 = tpu.memref_squeeze %dma_wait3A_12 : memref<1x100000x32xf32, #tpu.memory_space<hbm>> -> memref<100000x32xf32, #tpu.memory_space<hbm>>
    %dma_wait3A_14 = arith.constant 0 : i32
    %dma_wait3A_15 = arith.constant 0 : i32
    %dma_wait3A_16 = tpu.memref_slice %dma_wait3A_13[%dma_wait3A_14, %dma_wait3A_15] : memref<100000x32xf32, #tpu.memory_space<hbm>> -> memref<100000x32xf32, #tpu.memory_space<hbm>>
    tpu.wait_indirect_dma semaphore(%arg7 : memref<!tpu.dma_semaphore, #tpu.memory_space<semaphore_mem>>) src(%dma_wait3A_16 : memref<100000x32xf32, #tpu.memory_space<hbm>>) dst(%arg6 : memref<512x32xf32, #tpu.memory_space<vmem>>)
    "tpu.region"() ({
      %run_scoped3A_476 = tpu.sem_alloc : memref<!tpu.dma_semaphore, #tpu.memory_space<semaphore_mem>>
      %dma_start3A_477 = arith.constant 0 : i32
      %dma_start3A_478 = tpu.memref_slice %arg4[%mul3A_2, %dma_start3A_477] : memref<16384x896xf32, #tpu.memory_space<hbm>> -> memref<512x32xf32, #tpu.memory_space<hbm>>
      %dma_start3A_479 = arith.constant 0 : i32
      %dma_start3A_480 = tpu.memref_slice %arg4[%mul3A_2, %dma_start3A_479] : memref<16384x896xf32, #tpu.memory_space<hbm>> -> memref<512x32xf32, #tpu.memory_space<hbm>>
      tpu.enqueue_dma source(%arg6 : memref<512x32xf32, #tpu.memory_space<vmem>>) target(%dma_start3A_480 : memref<512x32xf32, #tpu.memory_space<hbm>>) target_semaphore(%run_scoped3A_476 : memref<!tpu.dma_semaphore, #tpu.memory_space<semaphore_mem>>)
      %dma_wait3A_481 = arith.constant 0 : i32
      %dma_wait3A_482 = tpu.memref_slice %arg4[%mul3A_2, %dma_wait3A_481] : memref<16384x896xf32, #tpu.memory_space<hbm>> -> memref<512x32xf32, #tpu.memory_space<hbm>>
      %dma_wait3A_483 = arith.constant 0 : i32
      %dma_wait3A_484 = tpu.memref_slice %arg4[%mul3A_2, %dma_wait3A_483] : memref<16384x896xf32, #tpu.memory_space<hbm>> -> memref<512x32xf32, #tpu.memory_space<hbm>>
      tpu.wait_dma2 semaphore(%run_scoped3A_476 : memref<!tpu.dma_semaphore, #tpu.memory_space<semaphore_mem>>) src(%arg6 : memref<512x32xf32, #tpu.memory_space<vmem>>) dst(%dma_wait3A_484 : memref<512x32xf32, #tpu.memory_space<hbm>>)
      tpu.yield
    }) : () -> ()
    %run_scoped3A_17 = arith.constant 1 : i32
    "tpu.region"() ({
      %run_scoped3A_476 = tpu.sem_alloc : memref<!tpu.dma_semaphore, #tpu.memory_space<semaphore_mem>>
      %dma_start3A_477 = tpu.memref_slice %arg3[%run_scoped3A_17, %mul3A_2] : memref<26x16384xi32, #tpu.memory_space<hbm>> -> memref<1x512xi32, #tpu.memory_space<hbm>>
      %dma_start3A_478 = tpu.memref_squeeze %dma_start3A_477 : memref<1x512xi32, #tpu.memory_space<hbm>> -> memref<512xi32, #tpu.memory_space<hbm>>
      %dma_start3A_479 = tpu.memref_slice %arg3[%run_scoped3A_17, %mul3A_2] : memref<26x16384xi32, #tpu.memory_space<hbm>> -> memref<1x512xi32, #tpu.memory_space<hbm>>
      %dma_start3A_480 = tpu.memref_squeeze %dma_start3A_479 : memref<1x512xi32, #tpu.memory_space<hbm>> -> memref<512xi32, #tpu.memory_space<hbm>>
      tpu.enqueue_dma source(%dma_start3A_480 : memref<512xi32, #tpu.memory_space<hbm>>) target(%arg5 : memref<512xi32, #tpu.memory_space<vmem>>) target_semaphore(%run_scoped3A_476 : memref<!tpu.dma_semaphore, #tpu.memory_space<semaphore_mem>>)
      %dma_wait3A_481 = tpu.memref_slice %arg3[%run_scoped3A_17, %mul3A_2] : memref<26x16384xi32, #tpu.memory_space<hbm>> -> memref<1x512xi32, #tpu.memory_space<hbm>>
      %dma_wait3A_482 = tpu.memref_squeeze %dma_wait3A_481 : memref<1x512xi32, #tpu.memory_space<hbm>> -> memref<512xi32, #tpu.memory_space<hbm>>
      %dma_wait3A_483 = tpu.memref_slice %arg3[%run_scoped3A_17, %mul3A_2] : memref<26x16384xi32, #tpu.memory_space<hbm>> -> memref<1x512xi32, #tpu.memory_space<hbm>>
      %dma_wait3A_484 = tpu.memref_squeeze %dma_wait3A_483 : memref<1x512xi32, #tpu.memory_space<hbm>> -> memref<512xi32, #tpu.memory_space<hbm>>
      tpu.wait_dma2 semaphore(%run_scoped3A_476 : memref<!tpu.dma_semaphore, #tpu.memory_space<semaphore_mem>>) src(%dma_wait3A_484 : memref<512xi32, #tpu.memory_space<hbm>>) dst(%arg5 : memref<512xi32, #tpu.memory_space<vmem>>)
      tpu.yield
    }) : () -> ()
    %dma_start3A_18 = arith.constant 1 : i32
    %dma_start3A_19 = arith.constant 0 : i32
    %dma_start3A_20 = arith.constant 0 : i32
    %dma_start3A_21 = tpu.memref_slice %arg2[%dma_start3A_18, %dma_start3A_19, %dma_start3A_20] : memref<26x100000x32xf32, #tpu.memory_space<hbm>> -> memref<1x100000x32xf32, #tpu.memory_space<hbm>>
    %dma_start3A_22 = tpu.memref_squeeze %dma_start3A_21 : memref<1x100000x32xf32, #tpu.memory_space<hbm>> -> memref<100000x32xf32, #tpu.memory_space<hbm>>
    %dma_start3A_23 = arith.constant 0 : i32
    %dma_start3A_24 = arith.constant 0 : i32
    %dma_start3A_25 = tpu.memref_slice %dma_start3A_22[%dma_start3A_23, %dma_start3A_24] : memref<100000x32xf32, #tpu.memory_space<hbm>> -> memref<100000x32xf32, #tpu.memory_space<hbm>>
    tpu.enqueue_indirect_dma source(%dma_start3A_25 : memref<100000x32xf32, #tpu.memory_space<hbm>>) target(%arg6 : memref<512x32xf32, #tpu.memory_space<vmem>>) offsets(%arg5 : memref<512xi32, #tpu.memory_space<vmem>>) semaphore(%arg7 : memref<!tpu.dma_semaphore, #tpu.memory_space<semaphore_mem>>)
    %dma_wait3A_26 = arith.constant 1 : i32
    %dma_wait3A_27 = arith.constant 0 : i32
    %dma_wait3A_28 = arith.constant 0 : i32
    %dma_wait3A_29 = tpu.memref_slice %arg2[%dma_wait3A_26, %dma_wait3A_27, %dma_wait3A_28] : memref<26x100000x32xf32, #tpu.memory_space<hbm>> -> memref<1x100000x32xf32, #tpu.memory_space<hbm>>
    %dma_wait3A_30 = tpu.memref_squeeze %dma_wait3A_29 : memref<1x100000x32xf32, #tpu.memory_space<hbm>> -> memref<100000x32xf32, #tpu.memory_space<hbm>>
    %dma_wait3A_31 = arith.constant 0 : i32
    %dma_wait3A_32 = arith.constant 0 : i32
    %dma_wait3A_33 = tpu.memref_slice %dma_wait3A_30[%dma_wait3A_31, %dma_wait3A_32] : memref<100000x32xf32, #tpu.memory_space<hbm>> -> memref<100000x32xf32, #tpu.memory_space<hbm>>
    tpu.wait_indirect_dma semaphore(%arg7 : memref<!tpu.dma_semaphore, #tpu.memory_space<semaphore_mem>>) src(%dma_wait3A_33 : memref<100000x32xf32, #tpu.memory_space<hbm>>) dst(%arg6 : memref<512x32xf32, #tpu.memory_space<vmem>>)
    "tpu.region"() ({
      %run_scoped3A_476 = tpu.sem_alloc : memref<!tpu.dma_semaphore, #tpu.memory_space<semaphore_mem>>
      %dma_start3A_477 = arith.constant 32 : i32
      %dma_start3A_478 = tpu.memref_slice %arg4[%mul3A_2, %dma_start3A_477] : memref<16384x896xf32, #tpu.memory_space<hbm>> -> memref<512x32xf32, #tpu.memory_space<hbm>>
      %dma_start3A_479 = arith.constant 32 : i32
      %dma_start3A_480 = tpu.memref_slice %arg4[%mul3A_2, %dma_start3A_479] : memref<16384x896xf32, #tpu.memory_space<hbm>> -> memref<512x32xf32, #tpu.memory_space<hbm>>
      tpu.enqueue_dma source(%arg6 : memref<512x32xf32, #tpu.memory_space<vmem>>) target(%dma_start3A_480 : memref<512x32xf32, #tpu.memory_space<hbm>>) target_semaphore(%run_scoped3A_476 : memref<!tpu.dma_semaphore, #tpu.memory_space<semaphore_mem>>)
      %dma_wait3A_481 = arith.constant 32 : i32
      %dma_wait3A_482 = tpu.memref_slice %arg4[%mul3A_2, %dma_wait3A_481] : memref<16384x896xf32, #tpu.memory_space<hbm>> -> memref<512x32xf32, #tpu.memory_space<hbm>>
      %dma_wait3A_483 = arith.constant 32 : i32
      %dma_wait3A_484 = tpu.memref_slice %arg4[%mul3A_2, %dma_wait3A_483] : memref<16384x896xf32, #tpu.memory_space<hbm>> -> memref<512x32xf32, #tpu.memory_space<hbm>>
      tpu.wait_dma2 semaphore(%run_scoped3A_476 : memref<!tpu.dma_semaphore, #tpu.memory_space<semaphore_mem>>) src(%arg6 : memref<512x32xf32, #tpu.memory_space<vmem>>) dst(%dma_wait3A_484 : memref<512x32xf32, #tpu.memory_space<hbm>>)
      tpu.yield
    }) : () -> ()
    %run_scoped3A_34 = arith.constant 2 : i32
    "tpu.region"() ({
      %run_scoped3A_476 = tpu.sem_alloc : memref<!tpu.dma_semaphore, #tpu.memory_space<semaphore_mem>>
      %dma_start3A_477 = tpu.memref_slice %arg3[%run_scoped3A_34, %mul3A_2] : memref<26x16384xi32, #tpu.memory_space<hbm>> -> memref<1x512xi32, #tpu.memory_space<hbm>>
      %dma_start3A_478 = tpu.memref_squeeze %dma_start3A_477 : memref<1x512xi32, #tpu.memory_space<hbm>> -> memref<512xi32, #tpu.memory_space<hbm>>
      %dma_start3A_479 = tpu.memref_slice %arg3[%run_scoped3A_34, %mul3A_2] : memref<26x16384xi32, #tpu.memory_space<hbm>> -> memref<1x512xi32, #tpu.memory_space<hbm>>
      %dma_start3A_480 = tpu.memref_squeeze %dma_start3A_479 : memref<1x512xi32, #tpu.memory_space<hbm>> -> memref<512xi32, #tpu.memory_space<hbm>>
      tpu.enqueue_dma source(%dma_start3A_480 : memref<512xi32, #tpu.memory_space<hbm>>) target(%arg5 : memref<512xi32, #tpu.memory_space<vmem>>) target_semaphore(%run_scoped3A_476 : memref<!tpu.dma_semaphore, #tpu.memory_space<semaphore_mem>>)
      %dma_wait3A_481 = tpu.memref_slice %arg3[%run_scoped3A_34, %mul3A_2] : memref<26x16384xi32, #tpu.memory_space<hbm>> -> memref<1x512xi32, #tpu.memory_space<hbm>>
      %dma_wait3A_482 = tpu.memref_squeeze %dma_wait3A_481 : memref<1x512xi32, #tpu.memory_space<hbm>> -> memref<512xi32, #tpu.memory_space<hbm>>
      %dma_wait3A_483 = tpu.memref_slice %arg3[%run_scoped3A_34, %mul3A_2] : memref<26x16384xi32, #tpu.memory_space<hbm>> -> memref<1x512xi32, #tpu.memory_space<hbm>>
      %dma_wait3A_484 = tpu.memref_squeeze %dma_wait3A_483 : memref<1x512xi32, #tpu.memory_space<hbm>> -> memref<512xi32, #tpu.memory_space<hbm>>
      tpu.wait_dma2 semaphore(%run_scoped3A_476 : memref<!tpu.dma_semaphore, #tpu.memory_space<semaphore_mem>>) src(%dma_wait3A_484 : memref<512xi32, #tpu.memory_space<hbm>>) dst(%arg5 : memref<512xi32, #tpu.memory_space<vmem>>)
      tpu.yield
    }) : () -> ()
    %dma_start3A_35 = arith.constant 2 : i32
    %dma_start3A_36 = arith.constant 0 : i32
    %dma_start3A_37 = arith.constant 0 : i32
    %dma_start3A_38 = tpu.memref_slice %arg2[%dma_start3A_35, %dma_start3A_36, %dma_start3A_37] : memref<26x100000x32xf32, #tpu.memory_space<hbm>> -> memref<1x100000x32xf32, #tpu.memory_space<hbm>>
    %dma_start3A_39 = tpu.memref_squeeze %dma_start3A_38 : memref<1x100000x32xf32, #tpu.memory_space<hbm>> -> memref<100000x32xf32, #tpu.memory_space<hbm>>
    %dma_start3A_40 = arith.constant 0 : i32
    %dma_start3A_41 = arith.constant 0 : i32
    %dma_start3A_42 = tpu.memref_slice %dma_start3A_39[%dma_start3A_40, %dma_start3A_41] : memref<100000x32xf32, #tpu.memory_space<hbm>> -> memref<100000x32xf32, #tpu.memory_space<hbm>>
    tpu.enqueue_indirect_dma source(%dma_start3A_42 : memref<100000x32xf32, #tpu.memory_space<hbm>>) target(%arg6 : memref<512x32xf32, #tpu.memory_space<vmem>>) offsets(%arg5 : memref<512xi32, #tpu.memory_space<vmem>>) semaphore(%arg7 : memref<!tpu.dma_semaphore, #tpu.memory_space<semaphore_mem>>)
    %dma_wait3A_43 = arith.constant 2 : i32
    %dma_wait3A_44 = arith.constant 0 : i32
    %dma_wait3A_45 = arith.constant 0 : i32
    %dma_wait3A_46 = tpu.memref_slice %arg2[%dma_wait3A_43, %dma_wait3A_44, %dma_wait3A_45] : memref<26x100000x32xf32, #tpu.memory_space<hbm>> -> memref<1x100000x32xf32, #tpu.memory_space<hbm>>
    %dma_wait3A_47 = tpu.memref_squeeze %dma_wait3A_46 : memref<1x100000x32xf32, #tpu.memory_space<hbm>> -> memref<100000x32xf32, #tpu.memory_space<hbm>>
    %dma_wait3A_48 = arith.constant 0 : i32
    %dma_wait3A_49 = arith.constant 0 : i32
    %dma_wait3A_50 = tpu.memref_slice %dma_wait3A_47[%dma_wait3A_48, %dma_wait3A_49] : memref<100000x32xf32, #tpu.memory_space<hbm>> -> memref<100000x32xf32, #tpu.memory_space<hbm>>
    tpu.wait_indirect_dma semaphore(%arg7 : memref<!tpu.dma_semaphore, #tpu.memory_space<semaphore_mem>>) src(%dma_wait3A_50 : memref<100000x32xf32, #tpu.memory_space<hbm>>) dst(%arg6 : memref<512x32xf32, #tpu.memory_space<vmem>>)
    "tpu.region"() ({
      %run_scoped3A_476 = tpu.sem_alloc : memref<!tpu.dma_semaphore, #tpu.memory_space<semaphore_mem>>
      %dma_start3A_477 = arith.constant 64 : i32
      %dma_start3A_478 = tpu.memref_slice %arg4[%mul3A_2, %dma_start3A_477] : memref<16384x896xf32, #tpu.memory_space<hbm>> -> memref<512x32xf32, #tpu.memory_space<hbm>>
      %dma_start3A_479 = arith.constant 64 : i32
      %dma_start3A_480 = tpu.memref_slice %arg4[%mul3A_2, %dma_start3A_479] : memref<16384x896xf32, #tpu.memory_space<hbm>> -> memref<512x32xf32, #tpu.memory_space<hbm>>
      tpu.enqueue_dma source(%arg6 : memref<512x32xf32, #tpu.memory_space<vmem>>) target(%dma_start3A_480 : memref<512x32xf32, #tpu.memory_space<hbm>>) target_semaphore(%run_scoped3A_476 : memref<!tpu.dma_semaphore, #tpu.memory_space<semaphore_mem>>)
      %dma_wait3A_481 = arith.constant 64 : i32
      %dma_wait3A_482 = tpu.memref_slice %arg4[%mul3A_2, %dma_wait3A_481] : memref<16384x896xf32, #tpu.memory_space<hbm>> -> memref<512x32xf32, #tpu.memory_space<hbm>>
      %dma_wait3A_483 = arith.constant 64 : i32
      %dma_wait3A_484 = tpu.memref_slice %arg4[%mul3A_2, %dma_wait3A_483] : memref<16384x896xf32, #tpu.memory_space<hbm>> -> memref<512x32xf32, #tpu.memory_space<hbm>>
      tpu.wait_dma2 semaphore(%run_scoped3A_476 : memref<!tpu.dma_semaphore, #tpu.memory_space<semaphore_mem>>) src(%arg6 : memref<512x32xf32, #tpu.memory_space<vmem>>) dst(%dma_wait3A_484 : memref<512x32xf32, #tpu.memory_space<hbm>>)
      tpu.yield
    }) : () -> ()
    %run_scoped3A_51 = arith.constant 3 : i32
    "tpu.region"() ({
      %run_scoped3A_476 = tpu.sem_alloc : memref<!tpu.dma_semaphore, #tpu.memory_space<semaphore_mem>>
      %dma_start3A_477 = tpu.memref_slice %arg3[%run_scoped3A_51, %mul3A_2] : memref<26x16384xi32, #tpu.memory_space<hbm>> -> memref<1x512xi32, #tpu.memory_space<hbm>>
      %dma_start3A_478 = tpu.memref_squeeze %dma_start3A_477 : memref<1x512xi32, #tpu.memory_space<hbm>> -> memref<512xi32, #tpu.memory_space<hbm>>
      %dma_start3A_479 = tpu.memref_slice %arg3[%run_scoped3A_51, %mul3A_2] : memref<26x16384xi32, #tpu.memory_space<hbm>> -> memref<1x512xi32, #tpu.memory_space<hbm>>
      %dma_start3A_480 = tpu.memref_squeeze %dma_start3A_479 : memref<1x512xi32, #tpu.memory_space<hbm>> -> memref<512xi32, #tpu.memory_space<hbm>>
      tpu.enqueue_dma source(%dma_start3A_480 : memref<512xi32, #tpu.memory_space<hbm>>) target(%arg5 : memref<512xi32, #tpu.memory_space<vmem>>) target_semaphore(%run_scoped3A_476 : memref<!tpu.dma_semaphore, #tpu.memory_space<semaphore_mem>>)
      %dma_wait3A_481 = tpu.memref_slice %arg3[%run_scoped3A_51, %mul3A_2] : memref<26x16384xi32, #tpu.memory_space<hbm>> -> memref<1x512xi32, #tpu.memory_space<hbm>>
      %dma_wait3A_482 = tpu.memref_squeeze %dma_wait3A_481 : memref<1x512xi32, #tpu.memory_space<hbm>> -> memref<512xi32, #tpu.memory_space<hbm>>
      %dma_wait3A_483 = tpu.memref_slice %arg3[%run_scoped3A_51, %mul3A_2] : memref<26x16384xi32, #tpu.memory_space<hbm>> -> memref<1x512xi32, #tpu.memory_space<hbm>>
      %dma_wait3A_484 = tpu.memref_squeeze %dma_wait3A_483 : memref<1x512xi32, #tpu.memory_space<hbm>> -> memref<512xi32, #tpu.memory_space<hbm>>
      tpu.wait_dma2 semaphore(%run_scoped3A_476 : memref<!tpu.dma_semaphore, #tpu.memory_space<semaphore_mem>>) src(%dma_wait3A_484 : memref<512xi32, #tpu.memory_space<hbm>>) dst(%arg5 : memref<512xi32, #tpu.memory_space<vmem>>)
      tpu.yield
    }) : () -> ()
    %dma_start3A_52 = arith.constant 3 : i32
    %dma_start3A_53 = arith.constant 0 : i32
    %dma_start3A_54 = arith.constant 0 : i32
    %dma_start3A_55 = tpu.memref_slice %arg2[%dma_start3A_52, %dma_start3A_53, %dma_start3A_54] : memref<26x100000x32xf32, #tpu.memory_space<hbm>> -> memref<1x100000x32xf32, #tpu.memory_space<hbm>>
    %dma_start3A_56 = tpu.memref_squeeze %dma_start3A_55 : memref<1x100000x32xf32, #tpu.memory_space<hbm>> -> memref<100000x32xf32, #tpu.memory_space<hbm>>
    %dma_start3A_57 = arith.constant 0 : i32
    %dma_start3A_58 = arith.constant 0 : i32
    %dma_start3A_59 = tpu.memref_slice %dma_start3A_56[%dma_start3A_57, %dma_start3A_58] : memref<100000x32xf32, #tpu.memory_space<hbm>> -> memref<100000x32xf32, #tpu.memory_space<hbm>>
    tpu.enqueue_indirect_dma source(%dma_start3A_59 : memref<100000x32xf32, #tpu.memory_space<hbm>>) target(%arg6 : memref<512x32xf32, #tpu.memory_space<vmem>>) offsets(%arg5 : memref<512xi32, #tpu.memory_space<vmem>>) semaphore(%arg7 : memref<!tpu.dma_semaphore, #tpu.memory_space<semaphore_mem>>)
    %dma_wait3A_60 = arith.constant 3 : i32
    %dma_wait3A_61 = arith.constant 0 : i32
    %dma_wait3A_62 = arith.constant 0 : i32
    %dma_wait3A_63 = tpu.memref_slice %arg2[%dma_wait3A_60, %dma_wait3A_61, %dma_wait3A_62] : memref<26x100000x32xf32, #tpu.memory_space<hbm>> -> memref<1x100000x32xf32, #tpu.memory_space<hbm>>
    %dma_wait3A_64 = tpu.memref_squeeze %dma_wait3A_63 : memref<1x100000x32xf32, #tpu.memory_space<hbm>> -> memref<100000x32xf32, #tpu.memory_space<hbm>>
    %dma_wait3A_65 = arith.constant 0 : i32
    %dma_wait3A_66 = arith.constant 0 : i32
    %dma_wait3A_67 = tpu.memref_slice %dma_wait3A_64[%dma_wait3A_65, %dma_wait3A_66] : memref<100000x32xf32, #tpu.memory_space<hbm>> -> memref<100000x32xf32, #tpu.memory_space<hbm>>
    tpu.wait_indirect_dma semaphore(%arg7 : memref<!tpu.dma_semaphore, #tpu.memory_space<semaphore_mem>>) src(%dma_wait3A_67 : memref<100000x32xf32, #tpu.memory_space<hbm>>) dst(%arg6 : memref<512x32xf32, #tpu.memory_space<vmem>>)
    "tpu.region"() ({
      %run_scoped3A_476 = tpu.sem_alloc : memref<!tpu.dma_semaphore, #tpu.memory_space<semaphore_mem>>
      %dma_start3A_477 = arith.constant 96 : i32
      %dma_start3A_478 = tpu.memref_slice %arg4[%mul3A_2, %dma_start3A_477] : memref<16384x896xf32, #tpu.memory_space<hbm>> -> memref<512x32xf32, #tpu.memory_space<hbm>>
      %dma_start3A_479 = arith.constant 96 : i32
      %dma_start3A_480 = tpu.memref_slice %arg4[%mul3A_2, %dma_start3A_479] : memref<16384x896xf32, #tpu.memory_space<hbm>> -> memref<512x32xf32, #tpu.memory_space<hbm>>
      tpu.enqueue_dma source(%arg6 : memref<512x32xf32, #tpu.memory_space<vmem>>) target(%dma_start3A_480 : memref<512x32xf32, #tpu.memory_space<hbm>>) target_semaphore(%run_scoped3A_476 : memref<!tpu.dma_semaphore, #tpu.memory_space<semaphore_mem>>)
      %dma_wait3A_481 = arith.constant 96 : i32
      %dma_wait3A_482 = tpu.memref_slice %arg4[%mul3A_2, %dma_wait3A_481] : memref<16384x896xf32, #tpu.memory_space<hbm>> -> memref<512x32xf32, #tpu.memory_space<hbm>>
      %dma_wait3A_483 = arith.constant 96 : i32
      %dma_wait3A_484 = tpu.memref_slice %arg4[%mul3A_2, %dma_wait3A_483] : memref<16384x896xf32, #tpu.memory_space<hbm>> -> memref<512x32xf32, #tpu.memory_space<hbm>>
      tpu.wait_dma2 semaphore(%run_scoped3A_476 : memref<!tpu.dma_semaphore, #tpu.memory_space<semaphore_mem>>) src(%arg6 : memref<512x32xf32, #tpu.memory_space<vmem>>) dst(%dma_wait3A_484 : memref<512x32xf32, #tpu.memory_space<hbm>>)
      tpu.yield
    }) : () -> ()
    %run_scoped3A_68 = arith.constant 4 : i32
    "tpu.region"() ({
      %run_scoped3A_476 = tpu.sem_alloc : memref<!tpu.dma_semaphore, #tpu.memory_space<semaphore_mem>>
      %dma_start3A_477 = tpu.memref_slice %arg3[%run_scoped3A_68, %mul3A_2] : memref<26x16384xi32, #tpu.memory_space<hbm>> -> memref<1x512xi32, #tpu.memory_space<hbm>>
      %dma_start3A_478 = tpu.memref_squeeze %dma_start3A_477 : memref<1x512xi32, #tpu.memory_space<hbm>> -> memref<512xi32, #tpu.memory_space<hbm>>
      %dma_start3A_479 = tpu.memref_slice %arg3[%run_scoped3A_68, %mul3A_2] : memref<26x16384xi32, #tpu.memory_space<hbm>> -> memref<1x512xi32, #tpu.memory_space<hbm>>
      %dma_start3A_480 = tpu.memref_squeeze %dma_start3A_479 : memref<1x512xi32, #tpu.memory_space<hbm>> -> memref<512xi32, #tpu.memory_space<hbm>>
      tpu.enqueue_dma source(%dma_start3A_480 : memref<512xi32, #tpu.memory_space<hbm>>) target(%arg5 : memref<512xi32, #tpu.memory_space<vmem>>) target_semaphore(%run_scoped3A_476 : memref<!tpu.dma_semaphore, #tpu.memory_space<semaphore_mem>>)
      %dma_wait3A_481 = tpu.memref_slice %arg3[%run_scoped3A_68, %mul3A_2] : memref<26x16384xi32, #tpu.memory_space<hbm>> -> memref<1x512xi32, #tpu.memory_space<hbm>>
      %dma_wait3A_482 = tpu.memref_squeeze %dma_wait3A_481 : memref<1x512xi32, #tpu.memory_space<hbm>> -> memref<512xi32, #tpu.memory_space<hbm>>
      %dma_wait3A_483 = tpu.memref_slice %arg3[%run_scoped3A_68, %mul3A_2] : memref<26x16384xi32, #tpu.memory_space<hbm>> -> memref<1x512xi32, #tpu.memory_space<hbm>>
      %dma_wait3A_484 = tpu.memref_squeeze %dma_wait3A_483 : memref<1x512xi32, #tpu.memory_space<hbm>> -> memref<512xi32, #tpu.memory_space<hbm>>
      tpu.wait_dma2 semaphore(%run_scoped3A_476 : memref<!tpu.dma_semaphore, #tpu.memory_space<semaphore_mem>>) src(%dma_wait3A_484 : memref<512xi32, #tpu.memory_space<hbm>>) dst(%arg5 : memref<512xi32, #tpu.memory_space<vmem>>)
      tpu.yield
    }) : () -> ()
    %dma_start3A_69 = arith.constant 4 : i32
    %dma_start3A_70 = arith.constant 0 : i32
    %dma_start3A_71 = arith.constant 0 : i32
    %dma_start3A_72 = tpu.memref_slice %arg2[%dma_start3A_69, %dma_start3A_70, %dma_start3A_71] : memref<26x100000x32xf32, #tpu.memory_space<hbm>> -> memref<1x100000x32xf32, #tpu.memory_space<hbm>>
    %dma_start3A_73 = tpu.memref_squeeze %dma_start3A_72 : memref<1x100000x32xf32, #tpu.memory_space<hbm>> -> memref<100000x32xf32, #tpu.memory_space<hbm>>
    %dma_start3A_74 = arith.constant 0 : i32
    %dma_start3A_75 = arith.constant 0 : i32
    %dma_start3A_76 = tpu.memref_slice %dma_start3A_73[%dma_start3A_74, %dma_start3A_75] : memref<100000x32xf32, #tpu.memory_space<hbm>> -> memref<100000x32xf32, #tpu.memory_space<hbm>>
    tpu.enqueue_indirect_dma source(%dma_start3A_76 : memref<100000x32xf32, #tpu.memory_space<hbm>>) target(%arg6 : memref<512x32xf32, #tpu.memory_space<vmem>>) offsets(%arg5 : memref<512xi32, #tpu.memory_space<vmem>>) semaphore(%arg7 : memref<!tpu.dma_semaphore, #tpu.memory_space<semaphore_mem>>)
    %dma_wait3A_77 = arith.constant 4 : i32
    %dma_wait3A_78 = arith.constant 0 : i32
    %dma_wait3A_79 = arith.constant 0 : i32
    %dma_wait3A_80 = tpu.memref_slice %arg2[%dma_wait3A_77, %dma_wait3A_78, %dma_wait3A_79] : memref<26x100000x32xf32, #tpu.memory_space<hbm>> -> memref<1x100000x32xf32, #tpu.memory_space<hbm>>
    %dma_wait3A_81 = tpu.memref_squeeze %dma_wait3A_80 : memref<1x100000x32xf32, #tpu.memory_space<hbm>> -> memref<100000x32xf32, #tpu.memory_space<hbm>>
    %dma_wait3A_82 = arith.constant 0 : i32
    %dma_wait3A_83 = arith.constant 0 : i32
    %dma_wait3A_84 = tpu.memref_slice %dma_wait3A_81[%dma_wait3A_82, %dma_wait3A_83] : memref<100000x32xf32, #tpu.memory_space<hbm>> -> memref<100000x32xf32, #tpu.memory_space<hbm>>
    tpu.wait_indirect_dma semaphore(%arg7 : memref<!tpu.dma_semaphore, #tpu.memory_space<semaphore_mem>>) src(%dma_wait3A_84 : memref<100000x32xf32, #tpu.memory_space<hbm>>) dst(%arg6 : memref<512x32xf32, #tpu.memory_space<vmem>>)
    "tpu.region"() ({
      %run_scoped3A_476 = tpu.sem_alloc : memref<!tpu.dma_semaphore, #tpu.memory_space<semaphore_mem>>
      %dma_start3A_477 = arith.constant 128 : i32
      %dma_start3A_478 = tpu.memref_slice %arg4[%mul3A_2, %dma_start3A_477] : memref<16384x896xf32, #tpu.memory_space<hbm>> -> memref<512x32xf32, #tpu.memory_space<hbm>>
      %dma_start3A_479 = arith.constant 128 : i32
      %dma_start3A_480 = tpu.memref_slice %arg4[%mul3A_2, %dma_start3A_479] : memref<16384x896xf32, #tpu.memory_space<hbm>> -> memref<512x32xf32, #tpu.memory_space<hbm>>
      tpu.enqueue_dma source(%arg6 : memref<512x32xf32, #tpu.memory_space<vmem>>) target(%dma_start3A_480 : memref<512x32xf32, #tpu.memory_space<hbm>>) target_semaphore(%run_scoped3A_476 : memref<!tpu.dma_semaphore, #tpu.memory_space<semaphore_mem>>)
      %dma_wait3A_481 = arith.constant 128 : i32
      %dma_wait3A_482 = tpu.memref_slice %arg4[%mul3A_2, %dma_wait3A_481] : memref<16384x896xf32, #tpu.memory_space<hbm>> -> memref<512x32xf32, #tpu.memory_space<hbm>>
      %dma_wait3A_483 = arith.constant 128 : i32
      %dma_wait3A_484 = tpu.memref_slice %arg4[%mul3A_2, %dma_wait3A_483] : memref<16384x896xf32, #tpu.memory_space<hbm>> -> memref<512x32xf32, #tpu.memory_space<hbm>>
      tpu.wait_dma2 semaphore(%run_scoped3A_476 : memref<!tpu.dma_semaphore, #tpu.memory_space<semaphore_mem>>) src(%arg6 : memref<512x32xf32, #tpu.memory_space<vmem>>) dst(%dma_wait3A_484 : memref<512x32xf32, #tpu.memory_space<hbm>>)
      tpu.yield
    }) : () -> ()
    %run_scoped3A_85 = arith.constant 5 : i32
    "tpu.region"() ({
      %run_scoped3A_476 = tpu.sem_alloc : memref<!tpu.dma_semaphore, #tpu.memory_space<semaphore_mem>>
      %dma_start3A_477 = tpu.memref_slice %arg3[%run_scoped3A_85, %mul3A_2] : memref<26x16384xi32, #tpu.memory_space<hbm>> -> memref<1x512xi32, #tpu.memory_space<hbm>>
      %dma_start3A_478 = tpu.memref_squeeze %dma_start3A_477 : memref<1x512xi32, #tpu.memory_space<hbm>> -> memref<512xi32, #tpu.memory_space<hbm>>
      %dma_start3A_479 = tpu.memref_slice %arg3[%run_scoped3A_85, %mul3A_2] : memref<26x16384xi32, #tpu.memory_space<hbm>> -> memref<1x512xi32, #tpu.memory_space<hbm>>
      %dma_start3A_480 = tpu.memref_squeeze %dma_start3A_479 : memref<1x512xi32, #tpu.memory_space<hbm>> -> memref<512xi32, #tpu.memory_space<hbm>>
      tpu.enqueue_dma source(%dma_start3A_480 : memref<512xi32, #tpu.memory_space<hbm>>) target(%arg5 : memref<512xi32, #tpu.memory_space<vmem>>) target_semaphore(%run_scoped3A_476 : memref<!tpu.dma_semaphore, #tpu.memory_space<semaphore_mem>>)
      %dma_wait3A_481 = tpu.memref_slice %arg3[%run_scoped3A_85, %mul3A_2] : memref<26x16384xi32, #tpu.memory_space<hbm>> -> memref<1x512xi32, #tpu.memory_space<hbm>>
      %dma_wait3A_482 = tpu.memref_squeeze %dma_wait3A_481 : memref<1x512xi32, #tpu.memory_space<hbm>> -> memref<512xi32, #tpu.memory_space<hbm>>
      %dma_wait3A_483 = tpu.memref_slice %arg3[%run_scoped3A_85, %mul3A_2] : memref<26x16384xi32, #tpu.memory_space<hbm>> -> memref<1x512xi32, #tpu.memory_space<hbm>>
      %dma_wait3A_484 = tpu.memref_squeeze %dma_wait3A_483 : memref<1x512xi32, #tpu.memory_space<hbm>> -> memref<512xi32, #tpu.memory_space<hbm>>
      tpu.wait_dma2 semaphore(%run_scoped3A_476 : memref<!tpu.dma_semaphore, #tpu.memory_space<semaphore_mem>>) src(%dma_wait3A_484 : memref<512xi32, #tpu.memory_space<hbm>>) dst(%arg5 : memref<512xi32, #tpu.memory_space<vmem>>)
      tpu.yield
    }) : () -> ()
    %dma_start3A_86 = arith.constant 5 : i32
    %dma_start3A_87 = arith.constant 0 : i32
    %dma_start3A_88 = arith.constant 0 : i32
    %dma_start3A_89 = tpu.memref_slice %arg2[%dma_start3A_86, %dma_start3A_87, %dma_start3A_88] : memref<26x100000x32xf32, #tpu.memory_space<hbm>> -> memref<1x100000x32xf32, #tpu.memory_space<hbm>>
    %dma_start3A_90 = tpu.memref_squeeze %dma_start3A_89 : memref<1x100000x32xf32, #tpu.memory_space<hbm>> -> memref<100000x32xf32, #tpu.memory_space<hbm>>
    %dma_start3A_91 = arith.constant 0 : i32
    %dma_start3A_92 = arith.constant 0 : i32
    %dma_start3A_93 = tpu.memref_slice %dma_start3A_90[%dma_start3A_91, %dma_start3A_92] : memref<100000x32xf32, #tpu.memory_space<hbm>> -> memref<100000x32xf32, #tpu.memory_space<hbm>>
    tpu.enqueue_indirect_dma source(%dma_start3A_93 : memref<100000x32xf32, #tpu.memory_space<hbm>>) target(%arg6 : memref<512x32xf32, #tpu.memory_space<vmem>>) offsets(%arg5 : memref<512xi32, #tpu.memory_space<vmem>>) semaphore(%arg7 : memref<!tpu.dma_semaphore, #tpu.memory_space<semaphore_mem>>)
    %dma_wait3A_94 = arith.constant 5 : i32
    %dma_wait3A_95 = arith.constant 0 : i32
    %dma_wait3A_96 = arith.constant 0 : i32
    %dma_wait3A_97 = tpu.memref_slice %arg2[%dma_wait3A_94, %dma_wait3A_95, %dma_wait3A_96] : memref<26x100000x32xf32, #tpu.memory_space<hbm>> -> memref<1x100000x32xf32, #tpu.memory_space<hbm>>
    %dma_wait3A_98 = tpu.memref_squeeze %dma_wait3A_97 : memref<1x100000x32xf32, #tpu.memory_space<hbm>> -> memref<100000x32xf32, #tpu.memory_space<hbm>>
    %dma_wait3A_99 = arith.constant 0 : i32
    %dma_wait3A_100 = arith.constant 0 : i32
    %dma_wait3A_101 = tpu.memref_slice %dma_wait3A_98[%dma_wait3A_99, %dma_wait3A_100] : memref<100000x32xf32, #tpu.memory_space<hbm>> -> memref<100000x32xf32, #tpu.memory_space<hbm>>
    tpu.wait_indirect_dma semaphore(%arg7 : memref<!tpu.dma_semaphore, #tpu.memory_space<semaphore_mem>>) src(%dma_wait3A_101 : memref<100000x32xf32, #tpu.memory_space<hbm>>) dst(%arg6 : memref<512x32xf32, #tpu.memory_space<vmem>>)
    "tpu.region"() ({
      %run_scoped3A_476 = tpu.sem_alloc : memref<!tpu.dma_semaphore, #tpu.memory_space<semaphore_mem>>
      %dma_start3A_477 = arith.constant 160 : i32
      %dma_start3A_478 = tpu.memref_slice %arg4[%mul3A_2, %dma_start3A_477] : memref<16384x896xf32, #tpu.memory_space<hbm>> -> memref<512x32xf32, #tpu.memory_space<hbm>>
      %dma_start3A_479 = arith.constant 160 : i32
      %dma_start3A_480 = tpu.memref_slice %arg4[%mul3A_2, %dma_start3A_479] : memref<16384x896xf32, #tpu.memory_space<hbm>> -> memref<512x32xf32, #tpu.memory_space<hbm>>
      tpu.enqueue_dma source(%arg6 : memref<512x32xf32, #tpu.memory_space<vmem>>) target(%dma_start3A_480 : memref<512x32xf32, #tpu.memory_space<hbm>>) target_semaphore(%run_scoped3A_476 : memref<!tpu.dma_semaphore, #tpu.memory_space<semaphore_mem>>)
      %dma_wait3A_481 = arith.constant 160 : i32
      %dma_wait3A_482 = tpu.memref_slice %arg4[%mul3A_2, %dma_wait3A_481] : memref<16384x896xf32, #tpu.memory_space<hbm>> -> memref<512x32xf32, #tpu.memory_space<hbm>>
      %dma_wait3A_483 = arith.constant 160 : i32
      %dma_wait3A_484 = tpu.memref_slice %arg4[%mul3A_2, %dma_wait3A_483] : memref<16384x896xf32, #tpu.memory_space<hbm>> -> memref<512x32xf32, #tpu.memory_space<hbm>>
      tpu.wait_dma2 semaphore(%run_scoped3A_476 : memref<!tpu.dma_semaphore, #tpu.memory_space<semaphore_mem>>) src(%arg6 : memref<512x32xf32, #tpu.memory_space<vmem>>) dst(%dma_wait3A_484 : memref<512x32xf32, #tpu.memory_space<hbm>>)
      tpu.yield
    }) : () -> ()
    %run_scoped3A_102 = arith.constant 6 : i32
    "tpu.region"() ({
      %run_scoped3A_476 = tpu.sem_alloc : memref<!tpu.dma_semaphore, #tpu.memory_space<semaphore_mem>>
      %dma_start3A_477 = tpu.memref_slice %arg3[%run_scoped3A_102, %mul3A_2] : memref<26x16384xi32, #tpu.memory_space<hbm>> -> memref<1x512xi32, #tpu.memory_space<hbm>>
      %dma_start3A_478 = tpu.memref_squeeze %dma_start3A_477 : memref<1x512xi32, #tpu.memory_space<hbm>> -> memref<512xi32, #tpu.memory_space<hbm>>
      %dma_start3A_479 = tpu.memref_slice %arg3[%run_scoped3A_102, %mul3A_2] : memref<26x16384xi32, #tpu.memory_space<hbm>> -> memref<1x512xi32, #tpu.memory_space<hbm>>
      %dma_start3A_480 = tpu.memref_squeeze %dma_start3A_479 : memref<1x512xi32, #tpu.memory_space<hbm>> -> memref<512xi32, #tpu.memory_space<hbm>>
      tpu.enqueue_dma source(%dma_start3A_480 : memref<512xi32, #tpu.memory_space<hbm>>) target(%arg5 : memref<512xi32, #tpu.memory_space<vmem>>) target_semaphore(%run_scoped3A_476 : memref<!tpu.dma_semaphore, #tpu.memory_space<semaphore_mem>>)
      %dma_wait3A_481 = tpu.memref_slice %arg3[%run_scoped3A_102, %mul3A_2] : memref<26x16384xi32, #tpu.memory_space<hbm>> -> memref<1x512xi32, #tpu.memory_space<hbm>>
      %dma_wait3A_482 = tpu.memref_squeeze %dma_wait3A_481 : memref<1x512xi32, #tpu.memory_space<hbm>> -> memref<512xi32, #tpu.memory_space<hbm>>
      %dma_wait3A_483 = tpu.memref_slice %arg3[%run_scoped3A_102, %mul3A_2] : memref<26x16384xi32, #tpu.memory_space<hbm>> -> memref<1x512xi32, #tpu.memory_space<hbm>>
      %dma_wait3A_484 = tpu.memref_squeeze %dma_wait3A_483 : memref<1x512xi32, #tpu.memory_space<hbm>> -> memref<512xi32, #tpu.memory_space<hbm>>
      tpu.wait_dma2 semaphore(%run_scoped3A_476 : memref<!tpu.dma_semaphore, #tpu.memory_space<semaphore_mem>>) src(%dma_wait3A_484 : memref<512xi32, #tpu.memory_space<hbm>>) dst(%arg5 : memref<512xi32, #tpu.memory_space<vmem>>)
      tpu.yield
    }) : () -> ()
    %dma_start3A_103 = arith.constant 6 : i32
    %dma_start3A_104 = arith.constant 0 : i32
    %dma_start3A_105 = arith.constant 0 : i32
    %dma_start3A_106 = tpu.memref_slice %arg2[%dma_start3A_103, %dma_start3A_104, %dma_start3A_105] : memref<26x100000x32xf32, #tpu.memory_space<hbm>> -> memref<1x100000x32xf32, #tpu.memory_space<hbm>>
    %dma_start3A_107 = tpu.memref_squeeze %dma_start3A_106 : memref<1x100000x32xf32, #tpu.memory_space<hbm>> -> memref<100000x32xf32, #tpu.memory_space<hbm>>
    %dma_start3A_108 = arith.constant 0 : i32
    %dma_start3A_109 = arith.constant 0 : i32
    %dma_start3A_110 = tpu.memref_slice %dma_start3A_107[%dma_start3A_108, %dma_start3A_109] : memref<100000x32xf32, #tpu.memory_space<hbm>> -> memref<100000x32xf32, #tpu.memory_space<hbm>>
    tpu.enqueue_indirect_dma source(%dma_start3A_110 : memref<100000x32xf32, #tpu.memory_space<hbm>>) target(%arg6 : memref<512x32xf32, #tpu.memory_space<vmem>>) offsets(%arg5 : memref<512xi32, #tpu.memory_space<vmem>>) semaphore(%arg7 : memref<!tpu.dma_semaphore, #tpu.memory_space<semaphore_mem>>)
    %dma_wait3A_111 = arith.constant 6 : i32
    %dma_wait3A_112 = arith.constant 0 : i32
    %dma_wait3A_113 = arith.constant 0 : i32
    %dma_wait3A_114 = tpu.memref_slice %arg2[%dma_wait3A_111, %dma_wait3A_112, %dma_wait3A_113] : memref<26x100000x32xf32, #tpu.memory_space<hbm>> -> memref<1x100000x32xf32, #tpu.memory_space<hbm>>
    %dma_wait3A_115 = tpu.memref_squeeze %dma_wait3A_114 : memref<1x100000x32xf32, #tpu.memory_space<hbm>> -> memref<100000x32xf32, #tpu.memory_space<hbm>>
    %dma_wait3A_116 = arith.constant 0 : i32
    %dma_wait3A_117 = arith.constant 0 : i32
    %dma_wait3A_118 = tpu.memref_slice %dma_wait3A_115[%dma_wait3A_116, %dma_wait3A_117] : memref<100000x32xf32, #tpu.memory_space<hbm>> -> memref<100000x32xf32, #tpu.memory_space<hbm>>
    tpu.wait_indirect_dma semaphore(%arg7 : memref<!tpu.dma_semaphore, #tpu.memory_space<semaphore_mem>>) src(%dma_wait3A_118 : memref<100000x32xf32, #tpu.memory_space<hbm>>) dst(%arg6 : memref<512x32xf32, #tpu.memory_space<vmem>>)
    "tpu.region"() ({
      %run_scoped3A_476 = tpu.sem_alloc : memref<!tpu.dma_semaphore, #tpu.memory_space<semaphore_mem>>
      %dma_start3A_477 = arith.constant 192 : i32
      %dma_start3A_478 = tpu.memref_slice %arg4[%mul3A_2, %dma_start3A_477] : memref<16384x896xf32, #tpu.memory_space<hbm>> -> memref<512x32xf32, #tpu.memory_space<hbm>>
      %dma_start3A_479 = arith.constant 192 : i32
      %dma_start3A_480 = tpu.memref_slice %arg4[%mul3A_2, %dma_start3A_479] : memref<16384x896xf32, #tpu.memory_space<hbm>> -> memref<512x32xf32, #tpu.memory_space<hbm>>
      tpu.enqueue_dma source(%arg6 : memref<512x32xf32, #tpu.memory_space<vmem>>) target(%dma_start3A_480 : memref<512x32xf32, #tpu.memory_space<hbm>>) target_semaphore(%run_scoped3A_476 : memref<!tpu.dma_semaphore, #tpu.memory_space<semaphore_mem>>)
      %dma_wait3A_481 = arith.constant 192 : i32
      %dma_wait3A_482 = tpu.memref_slice %arg4[%mul3A_2, %dma_wait3A_481] : memref<16384x896xf32, #tpu.memory_space<hbm>> -> memref<512x32xf32, #tpu.memory_space<hbm>>
      %dma_wait3A_483 = arith.constant 192 : i32
      %dma_wait3A_484 = tpu.memref_slice %arg4[%mul3A_2, %dma_wait3A_483] : memref<16384x896xf32, #tpu.memory_space<hbm>> -> memref<512x32xf32, #tpu.memory_space<hbm>>
      tpu.wait_dma2 semaphore(%run_scoped3A_476 : memref<!tpu.dma_semaphore, #tpu.memory_space<semaphore_mem>>) src(%arg6 : memref<512x32xf32, #tpu.memory_space<vmem>>) dst(%dma_wait3A_484 : memref<512x32xf32, #tpu.memory_space<hbm>>)
      tpu.yield
    }) : () -> ()
    %run_scoped3A_119 = arith.constant 7 : i32
    "tpu.region"() ({
      %run_scoped3A_476 = tpu.sem_alloc : memref<!tpu.dma_semaphore, #tpu.memory_space<semaphore_mem>>
      %dma_start3A_477 = tpu.memref_slice %arg3[%run_scoped3A_119, %mul3A_2] : memref<26x16384xi32, #tpu.memory_space<hbm>> -> memref<1x512xi32, #tpu.memory_space<hbm>>
      %dma_start3A_478 = tpu.memref_squeeze %dma_start3A_477 : memref<1x512xi32, #tpu.memory_space<hbm>> -> memref<512xi32, #tpu.memory_space<hbm>>
      %dma_start3A_479 = tpu.memref_slice %arg3[%run_scoped3A_119, %mul3A_2] : memref<26x16384xi32, #tpu.memory_space<hbm>> -> memref<1x512xi32, #tpu.memory_space<hbm>>
      %dma_start3A_480 = tpu.memref_squeeze %dma_start3A_479 : memref<1x512xi32, #tpu.memory_space<hbm>> -> memref<512xi32, #tpu.memory_space<hbm>>
      tpu.enqueue_dma source(%dma_start3A_480 : memref<512xi32, #tpu.memory_space<hbm>>) target(%arg5 : memref<512xi32, #tpu.memory_space<vmem>>) target_semaphore(%run_scoped3A_476 : memref<!tpu.dma_semaphore, #tpu.memory_space<semaphore_mem>>)
      %dma_wait3A_481 = tpu.memref_slice %arg3[%run_scoped3A_119, %mul3A_2] : memref<26x16384xi32, #tpu.memory_space<hbm>> -> memref<1x512xi32, #tpu.memory_space<hbm>>
      %dma_wait3A_482 = tpu.memref_squeeze %dma_wait3A_481 : memref<1x512xi32, #tpu.memory_space<hbm>> -> memref<512xi32, #tpu.memory_space<hbm>>
      %dma_wait3A_483 = tpu.memref_slice %arg3[%run_scoped3A_119, %mul3A_2] : memref<26x16384xi32, #tpu.memory_space<hbm>> -> memref<1x512xi32, #tpu.memory_space<hbm>>
      %dma_wait3A_484 = tpu.memref_squeeze %dma_wait3A_483 : memref<1x512xi32, #tpu.memory_space<hbm>> -> memref<512xi32, #tpu.memory_space<hbm>>
      tpu.wait_dma2 semaphore(%run_scoped3A_476 : memref<!tpu.dma_semaphore, #tpu.memory_space<semaphore_mem>>) src(%dma_wait3A_484 : memref<512xi32, #tpu.memory_space<hbm>>) dst(%arg5 : memref<512xi32, #tpu.memory_space<vmem>>)
      tpu.yield
    }) : () -> ()
    %dma_start3A_120 = arith.constant 7 : i32
    %dma_start3A_121 = arith.constant 0 : i32
    %dma_start3A_122 = arith.constant 0 : i32
    %dma_start3A_123 = tpu.memref_slice %arg2[%dma_start3A_120, %dma_start3A_121, %dma_start3A_122] : memref<26x100000x32xf32, #tpu.memory_space<hbm>> -> memref<1x100000x32xf32, #tpu.memory_space<hbm>>
    %dma_start3A_124 = tpu.memref_squeeze %dma_start3A_123 : memref<1x100000x32xf32, #tpu.memory_space<hbm>> -> memref<100000x32xf32, #tpu.memory_space<hbm>>
    %dma_start3A_125 = arith.constant 0 : i32
    %dma_start3A_126 = arith.constant 0 : i32
    %dma_start3A_127 = tpu.memref_slice %dma_start3A_124[%dma_start3A_125, %dma_start3A_126] : memref<100000x32xf32, #tpu.memory_space<hbm>> -> memref<100000x32xf32, #tpu.memory_space<hbm>>
    tpu.enqueue_indirect_dma source(%dma_start3A_127 : memref<100000x32xf32, #tpu.memory_space<hbm>>) target(%arg6 : memref<512x32xf32, #tpu.memory_space<vmem>>) offsets(%arg5 : memref<512xi32, #tpu.memory_space<vmem>>) semaphore(%arg7 : memref<!tpu.dma_semaphore, #tpu.memory_space<semaphore_mem>>)
    %dma_wait3A_128 = arith.constant 7 : i32
    %dma_wait3A_129 = arith.constant 0 : i32
    %dma_wait3A_130 = arith.constant 0 : i32
    %dma_wait3A_131 = tpu.memref_slice %arg2[%dma_wait3A_128, %dma_wait3A_129, %dma_wait3A_130] : memref<26x100000x32xf32, #tpu.memory_space<hbm>> -> memref<1x100000x32xf32, #tpu.memory_space<hbm>>
    %dma_wait3A_132 = tpu.memref_squeeze %dma_wait3A_131 : memref<1x100000x32xf32, #tpu.memory_space<hbm>> -> memref<100000x32xf32, #tpu.memory_space<hbm>>
    %dma_wait3A_133 = arith.constant 0 : i32
    %dma_wait3A_134 = arith.constant 0 : i32
    %dma_wait3A_135 = tpu.memref_slice %dma_wait3A_132[%dma_wait3A_133, %dma_wait3A_134] : memref<100000x32xf32, #tpu.memory_space<hbm>> -> memref<100000x32xf32, #tpu.memory_space<hbm>>
    tpu.wait_indirect_dma semaphore(%arg7 : memref<!tpu.dma_semaphore, #tpu.memory_space<semaphore_mem>>) src(%dma_wait3A_135 : memref<100000x32xf32, #tpu.memory_space<hbm>>) dst(%arg6 : memref<512x32xf32, #tpu.memory_space<vmem>>)
    "tpu.region"() ({
      %run_scoped3A_476 = tpu.sem_alloc : memref<!tpu.dma_semaphore, #tpu.memory_space<semaphore_mem>>
      %dma_start3A_477 = arith.constant 224 : i32
      %dma_start3A_478 = tpu.memref_slice %arg4[%mul3A_2, %dma_start3A_477] : memref<16384x896xf32, #tpu.memory_space<hbm>> -> memref<512x32xf32, #tpu.memory_space<hbm>>
      %dma_start3A_479 = arith.constant 224 : i32
      %dma_start3A_480 = tpu.memref_slice %arg4[%mul3A_2, %dma_start3A_479] : memref<16384x896xf32, #tpu.memory_space<hbm>> -> memref<512x32xf32, #tpu.memory_space<hbm>>
      tpu.enqueue_dma source(%arg6 : memref<512x32xf32, #tpu.memory_space<vmem>>) target(%dma_start3A_480 : memref<512x32xf32, #tpu.memory_space<hbm>>) target_semaphore(%run_scoped3A_476 : memref<!tpu.dma_semaphore, #tpu.memory_space<semaphore_mem>>)
      %dma_wait3A_481 = arith.constant 224 : i32
      %dma_wait3A_482 = tpu.memref_slice %arg4[%mul3A_2, %dma_wait3A_481] : memref<16384x896xf32, #tpu.memory_space<hbm>> -> memref<512x32xf32, #tpu.memory_space<hbm>>
      %dma_wait3A_483 = arith.constant 224 : i32
      %dma_wait3A_484 = tpu.memref_slice %arg4[%mul3A_2, %dma_wait3A_483] : memref<16384x896xf32, #tpu.memory_space<hbm>> -> memref<512x32xf32, #tpu.memory_space<hbm>>
      tpu.wait_dma2 semaphore(%run_scoped3A_476 : memref<!tpu.dma_semaphore, #tpu.memory_space<semaphore_mem>>) src(%arg6 : memref<512x32xf32, #tpu.memory_space<vmem>>) dst(%dma_wait3A_484 : memref<512x32xf32, #tpu.memory_space<hbm>>)
      tpu.yield
    }) : () -> ()
    %run_scoped3A_136 = arith.constant 8 : i32
    "tpu.region"() ({
      %run_scoped3A_476 = tpu.sem_alloc : memref<!tpu.dma_semaphore, #tpu.memory_space<semaphore_mem>>
      %dma_start3A_477 = tpu.memref_slice %arg3[%run_scoped3A_136, %mul3A_2] : memref<26x16384xi32, #tpu.memory_space<hbm>> -> memref<1x512xi32, #tpu.memory_space<hbm>>
      %dma_start3A_478 = tpu.memref_squeeze %dma_start3A_477 : memref<1x512xi32, #tpu.memory_space<hbm>> -> memref<512xi32, #tpu.memory_space<hbm>>
      %dma_start3A_479 = tpu.memref_slice %arg3[%run_scoped3A_136, %mul3A_2] : memref<26x16384xi32, #tpu.memory_space<hbm>> -> memref<1x512xi32, #tpu.memory_space<hbm>>
      %dma_start3A_480 = tpu.memref_squeeze %dma_start3A_479 : memref<1x512xi32, #tpu.memory_space<hbm>> -> memref<512xi32, #tpu.memory_space<hbm>>
      tpu.enqueue_dma source(%dma_start3A_480 : memref<512xi32, #tpu.memory_space<hbm>>) target(%arg5 : memref<512xi32, #tpu.memory_space<vmem>>) target_semaphore(%run_scoped3A_476 : memref<!tpu.dma_semaphore, #tpu.memory_space<semaphore_mem>>)
      %dma_wait3A_481 = tpu.memref_slice %arg3[%run_scoped3A_136, %mul3A_2] : memref<26x16384xi32, #tpu.memory_space<hbm>> -> memref<1x512xi32, #tpu.memory_space<hbm>>
      %dma_wait3A_482 = tpu.memref_squeeze %dma_wait3A_481 : memref<1x512xi32, #tpu.memory_space<hbm>> -> memref<512xi32, #tpu.memory_space<hbm>>
      %dma_wait3A_483 = tpu.memref_slice %arg3[%run_scoped3A_136, %mul3A_2] : memref<26x16384xi32, #tpu.memory_space<hbm>> -> memref<1x512xi32, #tpu.memory_space<hbm>>
      %dma_wait3A_484 = tpu.memref_squeeze %dma_wait3A_483 : memref<1x512xi32, #tpu.memory_space<hbm>> -> memref<512xi32, #tpu.memory_space<hbm>>
      tpu.wait_dma2 semaphore(%run_scoped3A_476 : memref<!tpu.dma_semaphore, #tpu.memory_space<semaphore_mem>>) src(%dma_wait3A_484 : memref<512xi32, #tpu.memory_space<hbm>>) dst(%arg5 : memref<512xi32, #tpu.memory_space<vmem>>)
      tpu.yield
    }) : () -> ()
    %dma_start3A_137 = arith.constant 8 : i32
    %dma_start3A_138 = arith.constant 0 : i32
    %dma_start3A_139 = arith.constant 0 : i32
    %dma_start3A_140 = tpu.memref_slice %arg2[%dma_start3A_137, %dma_start3A_138, %dma_start3A_139] : memref<26x100000x32xf32, #tpu.memory_space<hbm>> -> memref<1x100000x32xf32, #tpu.memory_space<hbm>>
    %dma_start3A_141 = tpu.memref_squeeze %dma_start3A_140 : memref<1x100000x32xf32, #tpu.memory_space<hbm>> -> memref<100000x32xf32, #tpu.memory_space<hbm>>
    %dma_start3A_142 = arith.constant 0 : i32
    %dma_start3A_143 = arith.constant 0 : i32
    %dma_start3A_144 = tpu.memref_slice %dma_start3A_141[%dma_start3A_142, %dma_start3A_143] : memref<100000x32xf32, #tpu.memory_space<hbm>> -> memref<100000x32xf32, #tpu.memory_space<hbm>>
    tpu.enqueue_indirect_dma source(%dma_start3A_144 : memref<100000x32xf32, #tpu.memory_space<hbm>>) target(%arg6 : memref<512x32xf32, #tpu.memory_space<vmem>>) offsets(%arg5 : memref<512xi32, #tpu.memory_space<vmem>>) semaphore(%arg7 : memref<!tpu.dma_semaphore, #tpu.memory_space<semaphore_mem>>)
    %dma_wait3A_145 = arith.constant 8 : i32
    %dma_wait3A_146 = arith.constant 0 : i32
    %dma_wait3A_147 = arith.constant 0 : i32
    %dma_wait3A_148 = tpu.memref_slice %arg2[%dma_wait3A_145, %dma_wait3A_146, %dma_wait3A_147] : memref<26x100000x32xf32, #tpu.memory_space<hbm>> -> memref<1x100000x32xf32, #tpu.memory_space<hbm>>
    %dma_wait3A_149 = tpu.memref_squeeze %dma_wait3A_148 : memref<1x100000x32xf32, #tpu.memory_space<hbm>> -> memref<100000x32xf32, #tpu.memory_space<hbm>>
    %dma_wait3A_150 = arith.constant 0 : i32
    %dma_wait3A_151 = arith.constant 0 : i32
    %dma_wait3A_152 = tpu.memref_slice %dma_wait3A_149[%dma_wait3A_150, %dma_wait3A_151] : memref<100000x32xf32, #tpu.memory_space<hbm>> -> memref<100000x32xf32, #tpu.memory_space<hbm>>
    tpu.wait_indirect_dma semaphore(%arg7 : memref<!tpu.dma_semaphore, #tpu.memory_space<semaphore_mem>>) src(%dma_wait3A_152 : memref<100000x32xf32, #tpu.memory_space<hbm>>) dst(%arg6 : memref<512x32xf32, #tpu.memory_space<vmem>>)
    "tpu.region"() ({
      %run_scoped3A_476 = tpu.sem_alloc : memref<!tpu.dma_semaphore, #tpu.memory_space<semaphore_mem>>
      %dma_start3A_477 = arith.constant 256 : i32
      %dma_start3A_478 = tpu.memref_slice %arg4[%mul3A_2, %dma_start3A_477] : memref<16384x896xf32, #tpu.memory_space<hbm>> -> memref<512x32xf32, #tpu.memory_space<hbm>>
      %dma_start3A_479 = arith.constant 256 : i32
      %dma_start3A_480 = tpu.memref_slice %arg4[%mul3A_2, %dma_start3A_479] : memref<16384x896xf32, #tpu.memory_space<hbm>> -> memref<512x32xf32, #tpu.memory_space<hbm>>
      tpu.enqueue_dma source(%arg6 : memref<512x32xf32, #tpu.memory_space<vmem>>) target(%dma_start3A_480 : memref<512x32xf32, #tpu.memory_space<hbm>>) target_semaphore(%run_scoped3A_476 : memref<!tpu.dma_semaphore, #tpu.memory_space<semaphore_mem>>)
      %dma_wait3A_481 = arith.constant 256 : i32
      %dma_wait3A_482 = tpu.memref_slice %arg4[%mul3A_2, %dma_wait3A_481] : memref<16384x896xf32, #tpu.memory_space<hbm>> -> memref<512x32xf32, #tpu.memory_space<hbm>>
      %dma_wait3A_483 = arith.constant 256 : i32
      %dma_wait3A_484 = tpu.memref_slice %arg4[%mul3A_2, %dma_wait3A_483] : memref<16384x896xf32, #tpu.memory_space<hbm>> -> memref<512x32xf32, #tpu.memory_space<hbm>>
      tpu.wait_dma2 semaphore(%run_scoped3A_476 : memref<!tpu.dma_semaphore, #tpu.memory_space<semaphore_mem>>) src(%arg6 : memref<512x32xf32, #tpu.memory_space<vmem>>) dst(%dma_wait3A_484 : memref<512x32xf32, #tpu.memory_space<hbm>>)
      tpu.yield
    }) : () -> ()
    %run_scoped3A_153 = arith.constant 9 : i32
    "tpu.region"() ({
      %run_scoped3A_476 = tpu.sem_alloc : memref<!tpu.dma_semaphore, #tpu.memory_space<semaphore_mem>>
      %dma_start3A_477 = tpu.memref_slice %arg3[%run_scoped3A_153, %mul3A_2] : memref<26x16384xi32, #tpu.memory_space<hbm>> -> memref<1x512xi32, #tpu.memory_space<hbm>>
      %dma_start3A_478 = tpu.memref_squeeze %dma_start3A_477 : memref<1x512xi32, #tpu.memory_space<hbm>> -> memref<512xi32, #tpu.memory_space<hbm>>
      %dma_start3A_479 = tpu.memref_slice %arg3[%run_scoped3A_153, %mul3A_2] : memref<26x16384xi32, #tpu.memory_space<hbm>> -> memref<1x512xi32, #tpu.memory_space<hbm>>
      %dma_start3A_480 = tpu.memref_squeeze %dma_start3A_479 : memref<1x512xi32, #tpu.memory_space<hbm>> -> memref<512xi32, #tpu.memory_space<hbm>>
      tpu.enqueue_dma source(%dma_start3A_480 : memref<512xi32, #tpu.memory_space<hbm>>) target(%arg5 : memref<512xi32, #tpu.memory_space<vmem>>) target_semaphore(%run_scoped3A_476 : memref<!tpu.dma_semaphore, #tpu.memory_space<semaphore_mem>>)
      %dma_wait3A_481 = tpu.memref_slice %arg3[%run_scoped3A_153, %mul3A_2] : memref<26x16384xi32, #tpu.memory_space<hbm>> -> memref<1x512xi32, #tpu.memory_space<hbm>>
      %dma_wait3A_482 = tpu.memref_squeeze %dma_wait3A_481 : memref<1x512xi32, #tpu.memory_space<hbm>> -> memref<512xi32, #tpu.memory_space<hbm>>
      %dma_wait3A_483 = tpu.memref_slice %arg3[%run_scoped3A_153, %mul3A_2] : memref<26x16384xi32, #tpu.memory_space<hbm>> -> memref<1x512xi32, #tpu.memory_space<hbm>>
      %dma_wait3A_484 = tpu.memref_squeeze %dma_wait3A_483 : memref<1x512xi32, #tpu.memory_space<hbm>> -> memref<512xi32, #tpu.memory_space<hbm>>
      tpu.wait_dma2 semaphore(%run_scoped3A_476 : memref<!tpu.dma_semaphore, #tpu.memory_space<semaphore_mem>>) src(%dma_wait3A_484 : memref<512xi32, #tpu.memory_space<hbm>>) dst(%arg5 : memref<512xi32, #tpu.memory_space<vmem>>)
      tpu.yield
    }) : () -> ()
    %dma_start3A_154 = arith.constant 9 : i32
    %dma_start3A_155 = arith.constant 0 : i32
    %dma_start3A_156 = arith.constant 0 : i32
    %dma_start3A_157 = tpu.memref_slice %arg2[%dma_start3A_154, %dma_start3A_155, %dma_start3A_156] : memref<26x100000x32xf32, #tpu.memory_space<hbm>> -> memref<1x100000x32xf32, #tpu.memory_space<hbm>>
    %dma_start3A_158 = tpu.memref_squeeze %dma_start3A_157 : memref<1x100000x32xf32, #tpu.memory_space<hbm>> -> memref<100000x32xf32, #tpu.memory_space<hbm>>
    %dma_start3A_159 = arith.constant 0 : i32
    %dma_start3A_160 = arith.constant 0 : i32
    %dma_start3A_161 = tpu.memref_slice %dma_start3A_158[%dma_start3A_159, %dma_start3A_160] : memref<100000x32xf32, #tpu.memory_space<hbm>> -> memref<100000x32xf32, #tpu.memory_space<hbm>>
    tpu.enqueue_indirect_dma source(%dma_start3A_161 : memref<100000x32xf32, #tpu.memory_space<hbm>>) target(%arg6 : memref<512x32xf32, #tpu.memory_space<vmem>>) offsets(%arg5 : memref<512xi32, #tpu.memory_space<vmem>>) semaphore(%arg7 : memref<!tpu.dma_semaphore, #tpu.memory_space<semaphore_mem>>)
    %dma_wait3A_162 = arith.constant 9 : i32
    %dma_wait3A_163 = arith.constant 0 : i32
    %dma_wait3A_164 = arith.constant 0 : i32
    %dma_wait3A_165 = tpu.memref_slice %arg2[%dma_wait3A_162, %dma_wait3A_163, %dma_wait3A_164] : memref<26x100000x32xf32, #tpu.memory_space<hbm>> -> memref<1x100000x32xf32, #tpu.memory_space<hbm>>
    %dma_wait3A_166 = tpu.memref_squeeze %dma_wait3A_165 : memref<1x100000x32xf32, #tpu.memory_space<hbm>> -> memref<100000x32xf32, #tpu.memory_space<hbm>>
    %dma_wait3A_167 = arith.constant 0 : i32
    %dma_wait3A_168 = arith.constant 0 : i32
    %dma_wait3A_169 = tpu.memref_slice %dma_wait3A_166[%dma_wait3A_167, %dma_wait3A_168] : memref<100000x32xf32, #tpu.memory_space<hbm>> -> memref<100000x32xf32, #tpu.memory_space<hbm>>
    tpu.wait_indirect_dma semaphore(%arg7 : memref<!tpu.dma_semaphore, #tpu.memory_space<semaphore_mem>>) src(%dma_wait3A_169 : memref<100000x32xf32, #tpu.memory_space<hbm>>) dst(%arg6 : memref<512x32xf32, #tpu.memory_space<vmem>>)
    "tpu.region"() ({
      %run_scoped3A_476 = tpu.sem_alloc : memref<!tpu.dma_semaphore, #tpu.memory_space<semaphore_mem>>
      %dma_start3A_477 = arith.constant 288 : i32
      %dma_start3A_478 = tpu.memref_slice %arg4[%mul3A_2, %dma_start3A_477] : memref<16384x896xf32, #tpu.memory_space<hbm>> -> memref<512x32xf32, #tpu.memory_space<hbm>>
      %dma_start3A_479 = arith.constant 288 : i32
      %dma_start3A_480 = tpu.memref_slice %arg4[%mul3A_2, %dma_start3A_479] : memref<16384x896xf32, #tpu.memory_space<hbm>> -> memref<512x32xf32, #tpu.memory_space<hbm>>
      tpu.enqueue_dma source(%arg6 : memref<512x32xf32, #tpu.memory_space<vmem>>) target(%dma_start3A_480 : memref<512x32xf32, #tpu.memory_space<hbm>>) target_semaphore(%run_scoped3A_476 : memref<!tpu.dma_semaphore, #tpu.memory_space<semaphore_mem>>)
      %dma_wait3A_481 = arith.constant 288 : i32
      %dma_wait3A_482 = tpu.memref_slice %arg4[%mul3A_2, %dma_wait3A_481] : memref<16384x896xf32, #tpu.memory_space<hbm>> -> memref<512x32xf32, #tpu.memory_space<hbm>>
      %dma_wait3A_483 = arith.constant 288 : i32
      %dma_wait3A_484 = tpu.memref_slice %arg4[%mul3A_2, %dma_wait3A_483] : memref<16384x896xf32, #tpu.memory_space<hbm>> -> memref<512x32xf32, #tpu.memory_space<hbm>>
      tpu.wait_dma2 semaphore(%run_scoped3A_476 : memref<!tpu.dma_semaphore, #tpu.memory_space<semaphore_mem>>) src(%arg6 : memref<512x32xf32, #tpu.memory_space<vmem>>) dst(%dma_wait3A_484 : memref<512x32xf32, #tpu.memory_space<hbm>>)
      tpu.yield
    }) : () -> ()
    %run_scoped3A_170 = arith.constant 10 : i32
    "tpu.region"() ({
      %run_scoped3A_476 = tpu.sem_alloc : memref<!tpu.dma_semaphore, #tpu.memory_space<semaphore_mem>>
      %dma_start3A_477 = tpu.memref_slice %arg3[%run_scoped3A_170, %mul3A_2] : memref<26x16384xi32, #tpu.memory_space<hbm>> -> memref<1x512xi32, #tpu.memory_space<hbm>>
      %dma_start3A_478 = tpu.memref_squeeze %dma_start3A_477 : memref<1x512xi32, #tpu.memory_space<hbm>> -> memref<512xi32, #tpu.memory_space<hbm>>
      %dma_start3A_479 = tpu.memref_slice %arg3[%run_scoped3A_170, %mul3A_2] : memref<26x16384xi32, #tpu.memory_space<hbm>> -> memref<1x512xi32, #tpu.memory_space<hbm>>
      %dma_start3A_480 = tpu.memref_squeeze %dma_start3A_479 : memref<1x512xi32, #tpu.memory_space<hbm>> -> memref<512xi32, #tpu.memory_space<hbm>>
      tpu.enqueue_dma source(%dma_start3A_480 : memref<512xi32, #tpu.memory_space<hbm>>) target(%arg5 : memref<512xi32, #tpu.memory_space<vmem>>) target_semaphore(%run_scoped3A_476 : memref<!tpu.dma_semaphore, #tpu.memory_space<semaphore_mem>>)
      %dma_wait3A_481 = tpu.memref_slice %arg3[%run_scoped3A_170, %mul3A_2] : memref<26x16384xi32, #tpu.memory_space<hbm>> -> memref<1x512xi32, #tpu.memory_space<hbm>>
      %dma_wait3A_482 = tpu.memref_squeeze %dma_wait3A_481 : memref<1x512xi32, #tpu.memory_space<hbm>> -> memref<512xi32, #tpu.memory_space<hbm>>
      %dma_wait3A_483 = tpu.memref_slice %arg3[%run_scoped3A_170, %mul3A_2] : memref<26x16384xi32, #tpu.memory_space<hbm>> -> memref<1x512xi32, #tpu.memory_space<hbm>>
      %dma_wait3A_484 = tpu.memref_squeeze %dma_wait3A_483 : memref<1x512xi32, #tpu.memory_space<hbm>> -> memref<512xi32, #tpu.memory_space<hbm>>
      tpu.wait_dma2 semaphore(%run_scoped3A_476 : memref<!tpu.dma_semaphore, #tpu.memory_space<semaphore_mem>>) src(%dma_wait3A_484 : memref<512xi32, #tpu.memory_space<hbm>>) dst(%arg5 : memref<512xi32, #tpu.memory_space<vmem>>)
      tpu.yield
    }) : () -> ()
    %dma_start3A_171 = arith.constant 10 : i32
    %dma_start3A_172 = arith.constant 0 : i32
    %dma_start3A_173 = arith.constant 0 : i32
    %dma_start3A_174 = tpu.memref_slice %arg2[%dma_start3A_171, %dma_start3A_172, %dma_start3A_173] : memref<26x100000x32xf32, #tpu.memory_space<hbm>> -> memref<1x100000x32xf32, #tpu.memory_space<hbm>>
    %dma_start3A_175 = tpu.memref_squeeze %dma_start3A_174 : memref<1x100000x32xf32, #tpu.memory_space<hbm>> -> memref<100000x32xf32, #tpu.memory_space<hbm>>
    %dma_start3A_176 = arith.constant 0 : i32
    %dma_start3A_177 = arith.constant 0 : i32
    %dma_start3A_178 = tpu.memref_slice %dma_start3A_175[%dma_start3A_176, %dma_start3A_177] : memref<100000x32xf32, #tpu.memory_space<hbm>> -> memref<100000x32xf32, #tpu.memory_space<hbm>>
    tpu.enqueue_indirect_dma source(%dma_start3A_178 : memref<100000x32xf32, #tpu.memory_space<hbm>>) target(%arg6 : memref<512x32xf32, #tpu.memory_space<vmem>>) offsets(%arg5 : memref<512xi32, #tpu.memory_space<vmem>>) semaphore(%arg7 : memref<!tpu.dma_semaphore, #tpu.memory_space<semaphore_mem>>)
    %dma_wait3A_179 = arith.constant 10 : i32
    %dma_wait3A_180 = arith.constant 0 : i32
    %dma_wait3A_181 = arith.constant 0 : i32
    %dma_wait3A_182 = tpu.memref_slice %arg2[%dma_wait3A_179, %dma_wait3A_180, %dma_wait3A_181] : memref<26x100000x32xf32, #tpu.memory_space<hbm>> -> memref<1x100000x32xf32, #tpu.memory_space<hbm>>
    %dma_wait3A_183 = tpu.memref_squeeze %dma_wait3A_182 : memref<1x100000x32xf32, #tpu.memory_space<hbm>> -> memref<100000x32xf32, #tpu.memory_space<hbm>>
    %dma_wait3A_184 = arith.constant 0 : i32
    %dma_wait3A_185 = arith.constant 0 : i32
    %dma_wait3A_186 = tpu.memref_slice %dma_wait3A_183[%dma_wait3A_184, %dma_wait3A_185] : memref<100000x32xf32, #tpu.memory_space<hbm>> -> memref<100000x32xf32, #tpu.memory_space<hbm>>
    tpu.wait_indirect_dma semaphore(%arg7 : memref<!tpu.dma_semaphore, #tpu.memory_space<semaphore_mem>>) src(%dma_wait3A_186 : memref<100000x32xf32, #tpu.memory_space<hbm>>) dst(%arg6 : memref<512x32xf32, #tpu.memory_space<vmem>>)
    "tpu.region"() ({
      %run_scoped3A_476 = tpu.sem_alloc : memref<!tpu.dma_semaphore, #tpu.memory_space<semaphore_mem>>
      %dma_start3A_477 = arith.constant 320 : i32
      %dma_start3A_478 = tpu.memref_slice %arg4[%mul3A_2, %dma_start3A_477] : memref<16384x896xf32, #tpu.memory_space<hbm>> -> memref<512x32xf32, #tpu.memory_space<hbm>>
      %dma_start3A_479 = arith.constant 320 : i32
      %dma_start3A_480 = tpu.memref_slice %arg4[%mul3A_2, %dma_start3A_479] : memref<16384x896xf32, #tpu.memory_space<hbm>> -> memref<512x32xf32, #tpu.memory_space<hbm>>
      tpu.enqueue_dma source(%arg6 : memref<512x32xf32, #tpu.memory_space<vmem>>) target(%dma_start3A_480 : memref<512x32xf32, #tpu.memory_space<hbm>>) target_semaphore(%run_scoped3A_476 : memref<!tpu.dma_semaphore, #tpu.memory_space<semaphore_mem>>)
      %dma_wait3A_481 = arith.constant 320 : i32
      %dma_wait3A_482 = tpu.memref_slice %arg4[%mul3A_2, %dma_wait3A_481] : memref<16384x896xf32, #tpu.memory_space<hbm>> -> memref<512x32xf32, #tpu.memory_space<hbm>>
      %dma_wait3A_483 = arith.constant 320 : i32
      %dma_wait3A_484 = tpu.memref_slice %arg4[%mul3A_2, %dma_wait3A_483] : memref<16384x896xf32, #tpu.memory_space<hbm>> -> memref<512x32xf32, #tpu.memory_space<hbm>>
      tpu.wait_dma2 semaphore(%run_scoped3A_476 : memref<!tpu.dma_semaphore, #tpu.memory_space<semaphore_mem>>) src(%arg6 : memref<512x32xf32, #tpu.memory_space<vmem>>) dst(%dma_wait3A_484 : memref<512x32xf32, #tpu.memory_space<hbm>>)
      tpu.yield
    }) : () -> ()
    %run_scoped3A_187 = arith.constant 11 : i32
    "tpu.region"() ({
      %run_scoped3A_476 = tpu.sem_alloc : memref<!tpu.dma_semaphore, #tpu.memory_space<semaphore_mem>>
      %dma_start3A_477 = tpu.memref_slice %arg3[%run_scoped3A_187, %mul3A_2] : memref<26x16384xi32, #tpu.memory_space<hbm>> -> memref<1x512xi32, #tpu.memory_space<hbm>>
      %dma_start3A_478 = tpu.memref_squeeze %dma_start3A_477 : memref<1x512xi32, #tpu.memory_space<hbm>> -> memref<512xi32, #tpu.memory_space<hbm>>
      %dma_start3A_479 = tpu.memref_slice %arg3[%run_scoped3A_187, %mul3A_2] : memref<26x16384xi32, #tpu.memory_space<hbm>> -> memref<1x512xi32, #tpu.memory_space<hbm>>
      %dma_start3A_480 = tpu.memref_squeeze %dma_start3A_479 : memref<1x512xi32, #tpu.memory_space<hbm>> -> memref<512xi32, #tpu.memory_space<hbm>>
      tpu.enqueue_dma source(%dma_start3A_480 : memref<512xi32, #tpu.memory_space<hbm>>) target(%arg5 : memref<512xi32, #tpu.memory_space<vmem>>) target_semaphore(%run_scoped3A_476 : memref<!tpu.dma_semaphore, #tpu.memory_space<semaphore_mem>>)
      %dma_wait3A_481 = tpu.memref_slice %arg3[%run_scoped3A_187, %mul3A_2] : memref<26x16384xi32, #tpu.memory_space<hbm>> -> memref<1x512xi32, #tpu.memory_space<hbm>>
      %dma_wait3A_482 = tpu.memref_squeeze %dma_wait3A_481 : memref<1x512xi32, #tpu.memory_space<hbm>> -> memref<512xi32, #tpu.memory_space<hbm>>
      %dma_wait3A_483 = tpu.memref_slice %arg3[%run_scoped3A_187, %mul3A_2] : memref<26x16384xi32, #tpu.memory_space<hbm>> -> memref<1x512xi32, #tpu.memory_space<hbm>>
      %dma_wait3A_484 = tpu.memref_squeeze %dma_wait3A_483 : memref<1x512xi32, #tpu.memory_space<hbm>> -> memref<512xi32, #tpu.memory_space<hbm>>
      tpu.wait_dma2 semaphore(%run_scoped3A_476 : memref<!tpu.dma_semaphore, #tpu.memory_space<semaphore_mem>>) src(%dma_wait3A_484 : memref<512xi32, #tpu.memory_space<hbm>>) dst(%arg5 : memref<512xi32, #tpu.memory_space<vmem>>)
      tpu.yield
    }) : () -> ()
    %dma_start3A_188 = arith.constant 11 : i32
    %dma_start3A_189 = arith.constant 0 : i32
    %dma_start3A_190 = arith.constant 0 : i32
    %dma_start3A_191 = tpu.memref_slice %arg2[%dma_start3A_188, %dma_start3A_189, %dma_start3A_190] : memref<26x100000x32xf32, #tpu.memory_space<hbm>> -> memref<1x100000x32xf32, #tpu.memory_space<hbm>>
    %dma_start3A_192 = tpu.memref_squeeze %dma_start3A_191 : memref<1x100000x32xf32, #tpu.memory_space<hbm>> -> memref<100000x32xf32, #tpu.memory_space<hbm>>
    %dma_start3A_193 = arith.constant 0 : i32
    %dma_start3A_194 = arith.constant 0 : i32
    %dma_start3A_195 = tpu.memref_slice %dma_start3A_192[%dma_start3A_193, %dma_start3A_194] : memref<100000x32xf32, #tpu.memory_space<hbm>> -> memref<100000x32xf32, #tpu.memory_space<hbm>>
    tpu.enqueue_indirect_dma source(%dma_start3A_195 : memref<100000x32xf32, #tpu.memory_space<hbm>>) target(%arg6 : memref<512x32xf32, #tpu.memory_space<vmem>>) offsets(%arg5 : memref<512xi32, #tpu.memory_space<vmem>>) semaphore(%arg7 : memref<!tpu.dma_semaphore, #tpu.memory_space<semaphore_mem>>)
    %dma_wait3A_196 = arith.constant 11 : i32
    %dma_wait3A_197 = arith.constant 0 : i32
    %dma_wait3A_198 = arith.constant 0 : i32
    %dma_wait3A_199 = tpu.memref_slice %arg2[%dma_wait3A_196, %dma_wait3A_197, %dma_wait3A_198] : memref<26x100000x32xf32, #tpu.memory_space<hbm>> -> memref<1x100000x32xf32, #tpu.memory_space<hbm>>
    %dma_wait3A_200 = tpu.memref_squeeze %dma_wait3A_199 : memref<1x100000x32xf32, #tpu.memory_space<hbm>> -> memref<100000x32xf32, #tpu.memory_space<hbm>>
    %dma_wait3A_201 = arith.constant 0 : i32
    %dma_wait3A_202 = arith.constant 0 : i32
    %dma_wait3A_203 = tpu.memref_slice %dma_wait3A_200[%dma_wait3A_201, %dma_wait3A_202] : memref<100000x32xf32, #tpu.memory_space<hbm>> -> memref<100000x32xf32, #tpu.memory_space<hbm>>
    tpu.wait_indirect_dma semaphore(%arg7 : memref<!tpu.dma_semaphore, #tpu.memory_space<semaphore_mem>>) src(%dma_wait3A_203 : memref<100000x32xf32, #tpu.memory_space<hbm>>) dst(%arg6 : memref<512x32xf32, #tpu.memory_space<vmem>>)
    "tpu.region"() ({
      %run_scoped3A_476 = tpu.sem_alloc : memref<!tpu.dma_semaphore, #tpu.memory_space<semaphore_mem>>
      %dma_start3A_477 = arith.constant 352 : i32
      %dma_start3A_478 = tpu.memref_slice %arg4[%mul3A_2, %dma_start3A_477] : memref<16384x896xf32, #tpu.memory_space<hbm>> -> memref<512x32xf32, #tpu.memory_space<hbm>>
      %dma_start3A_479 = arith.constant 352 : i32
      %dma_start3A_480 = tpu.memref_slice %arg4[%mul3A_2, %dma_start3A_479] : memref<16384x896xf32, #tpu.memory_space<hbm>> -> memref<512x32xf32, #tpu.memory_space<hbm>>
      tpu.enqueue_dma source(%arg6 : memref<512x32xf32, #tpu.memory_space<vmem>>) target(%dma_start3A_480 : memref<512x32xf32, #tpu.memory_space<hbm>>) target_semaphore(%run_scoped3A_476 : memref<!tpu.dma_semaphore, #tpu.memory_space<semaphore_mem>>)
      %dma_wait3A_481 = arith.constant 352 : i32
      %dma_wait3A_482 = tpu.memref_slice %arg4[%mul3A_2, %dma_wait3A_481] : memref<16384x896xf32, #tpu.memory_space<hbm>> -> memref<512x32xf32, #tpu.memory_space<hbm>>
      %dma_wait3A_483 = arith.constant 352 : i32
      %dma_wait3A_484 = tpu.memref_slice %arg4[%mul3A_2, %dma_wait3A_483] : memref<16384x896xf32, #tpu.memory_space<hbm>> -> memref<512x32xf32, #tpu.memory_space<hbm>>
      tpu.wait_dma2 semaphore(%run_scoped3A_476 : memref<!tpu.dma_semaphore, #tpu.memory_space<semaphore_mem>>) src(%arg6 : memref<512x32xf32, #tpu.memory_space<vmem>>) dst(%dma_wait3A_484 : memref<512x32xf32, #tpu.memory_space<hbm>>)
      tpu.yield
    }) : () -> ()
    %run_scoped3A_204 = arith.constant 12 : i32
    "tpu.region"() ({
      %run_scoped3A_476 = tpu.sem_alloc : memref<!tpu.dma_semaphore, #tpu.memory_space<semaphore_mem>>
      %dma_start3A_477 = tpu.memref_slice %arg3[%run_scoped3A_204, %mul3A_2] : memref<26x16384xi32, #tpu.memory_space<hbm>> -> memref<1x512xi32, #tpu.memory_space<hbm>>
      %dma_start3A_478 = tpu.memref_squeeze %dma_start3A_477 : memref<1x512xi32, #tpu.memory_space<hbm>> -> memref<512xi32, #tpu.memory_space<hbm>>
      %dma_start3A_479 = tpu.memref_slice %arg3[%run_scoped3A_204, %mul3A_2] : memref<26x16384xi32, #tpu.memory_space<hbm>> -> memref<1x512xi32, #tpu.memory_space<hbm>>
      %dma_start3A_480 = tpu.memref_squeeze %dma_start3A_479 : memref<1x512xi32, #tpu.memory_space<hbm>> -> memref<512xi32, #tpu.memory_space<hbm>>
      tpu.enqueue_dma source(%dma_start3A_480 : memref<512xi32, #tpu.memory_space<hbm>>) target(%arg5 : memref<512xi32, #tpu.memory_space<vmem>>) target_semaphore(%run_scoped3A_476 : memref<!tpu.dma_semaphore, #tpu.memory_space<semaphore_mem>>)
      %dma_wait3A_481 = tpu.memref_slice %arg3[%run_scoped3A_204, %mul3A_2] : memref<26x16384xi32, #tpu.memory_space<hbm>> -> memref<1x512xi32, #tpu.memory_space<hbm>>
      %dma_wait3A_482 = tpu.memref_squeeze %dma_wait3A_481 : memref<1x512xi32, #tpu.memory_space<hbm>> -> memref<512xi32, #tpu.memory_space<hbm>>
      %dma_wait3A_483 = tpu.memref_slice %arg3[%run_scoped3A_204, %mul3A_2] : memref<26x16384xi32, #tpu.memory_space<hbm>> -> memref<1x512xi32, #tpu.memory_space<hbm>>
      %dma_wait3A_484 = tpu.memref_squeeze %dma_wait3A_483 : memref<1x512xi32, #tpu.memory_space<hbm>> -> memref<512xi32, #tpu.memory_space<hbm>>
      tpu.wait_dma2 semaphore(%run_scoped3A_476 : memref<!tpu.dma_semaphore, #tpu.memory_space<semaphore_mem>>) src(%dma_wait3A_484 : memref<512xi32, #tpu.memory_space<hbm>>) dst(%arg5 : memref<512xi32, #tpu.memory_space<vmem>>)
      tpu.yield
    }) : () -> ()
    %dma_start3A_205 = arith.constant 12 : i32
    %dma_start3A_206 = arith.constant 0 : i32
    %dma_start3A_207 = arith.constant 0 : i32
    %dma_start3A_208 = tpu.memref_slice %arg2[%dma_start3A_205, %dma_start3A_206, %dma_start3A_207] : memref<26x100000x32xf32, #tpu.memory_space<hbm>> -> memref<1x100000x32xf32, #tpu.memory_space<hbm>>
    %dma_start3A_209 = tpu.memref_squeeze %dma_start3A_208 : memref<1x100000x32xf32, #tpu.memory_space<hbm>> -> memref<100000x32xf32, #tpu.memory_space<hbm>>
    %dma_start3A_210 = arith.constant 0 : i32
    %dma_start3A_211 = arith.constant 0 : i32
    %dma_start3A_212 = tpu.memref_slice %dma_start3A_209[%dma_start3A_210, %dma_start3A_211] : memref<100000x32xf32, #tpu.memory_space<hbm>> -> memref<100000x32xf32, #tpu.memory_space<hbm>>
    tpu.enqueue_indirect_dma source(%dma_start3A_212 : memref<100000x32xf32, #tpu.memory_space<hbm>>) target(%arg6 : memref<512x32xf32, #tpu.memory_space<vmem>>) offsets(%arg5 : memref<512xi32, #tpu.memory_space<vmem>>) semaphore(%arg7 : memref<!tpu.dma_semaphore, #tpu.memory_space<semaphore_mem>>)
    %dma_wait3A_213 = arith.constant 12 : i32
    %dma_wait3A_214 = arith.constant 0 : i32
    %dma_wait3A_215 = arith.constant 0 : i32
    %dma_wait3A_216 = tpu.memref_slice %arg2[%dma_wait3A_213, %dma_wait3A_214, %dma_wait3A_215] : memref<26x100000x32xf32, #tpu.memory_space<hbm>> -> memref<1x100000x32xf32, #tpu.memory_space<hbm>>
    %dma_wait3A_217 = tpu.memref_squeeze %dma_wait3A_216 : memref<1x100000x32xf32, #tpu.memory_space<hbm>> -> memref<100000x32xf32, #tpu.memory_space<hbm>>
    %dma_wait3A_218 = arith.constant 0 : i32
    %dma_wait3A_219 = arith.constant 0 : i32
    %dma_wait3A_220 = tpu.memref_slice %dma_wait3A_217[%dma_wait3A_218, %dma_wait3A_219] : memref<100000x32xf32, #tpu.memory_space<hbm>> -> memref<100000x32xf32, #tpu.memory_space<hbm>>
    tpu.wait_indirect_dma semaphore(%arg7 : memref<!tpu.dma_semaphore, #tpu.memory_space<semaphore_mem>>) src(%dma_wait3A_220 : memref<100000x32xf32, #tpu.memory_space<hbm>>) dst(%arg6 : memref<512x32xf32, #tpu.memory_space<vmem>>)
    "tpu.region"() ({
      %run_scoped3A_476 = tpu.sem_alloc : memref<!tpu.dma_semaphore, #tpu.memory_space<semaphore_mem>>
      %dma_start3A_477 = arith.constant 384 : i32
      %dma_start3A_478 = tpu.memref_slice %arg4[%mul3A_2, %dma_start3A_477] : memref<16384x896xf32, #tpu.memory_space<hbm>> -> memref<512x32xf32, #tpu.memory_space<hbm>>
      %dma_start3A_479 = arith.constant 384 : i32
      %dma_start3A_480 = tpu.memref_slice %arg4[%mul3A_2, %dma_start3A_479] : memref<16384x896xf32, #tpu.memory_space<hbm>> -> memref<512x32xf32, #tpu.memory_space<hbm>>
      tpu.enqueue_dma source(%arg6 : memref<512x32xf32, #tpu.memory_space<vmem>>) target(%dma_start3A_480 : memref<512x32xf32, #tpu.memory_space<hbm>>) target_semaphore(%run_scoped3A_476 : memref<!tpu.dma_semaphore, #tpu.memory_space<semaphore_mem>>)
      %dma_wait3A_481 = arith.constant 384 : i32
      %dma_wait3A_482 = tpu.memref_slice %arg4[%mul3A_2, %dma_wait3A_481] : memref<16384x896xf32, #tpu.memory_space<hbm>> -> memref<512x32xf32, #tpu.memory_space<hbm>>
      %dma_wait3A_483 = arith.constant 384 : i32
      %dma_wait3A_484 = tpu.memref_slice %arg4[%mul3A_2, %dma_wait3A_483] : memref<16384x896xf32, #tpu.memory_space<hbm>> -> memref<512x32xf32, #tpu.memory_space<hbm>>
      tpu.wait_dma2 semaphore(%run_scoped3A_476 : memref<!tpu.dma_semaphore, #tpu.memory_space<semaphore_mem>>) src(%arg6 : memref<512x32xf32, #tpu.memory_space<vmem>>) dst(%dma_wait3A_484 : memref<512x32xf32, #tpu.memory_space<hbm>>)
      tpu.yield
    }) : () -> ()
    %run_scoped3A_221 = arith.constant 13 : i32
    "tpu.region"() ({
      %run_scoped3A_476 = tpu.sem_alloc : memref<!tpu.dma_semaphore, #tpu.memory_space<semaphore_mem>>
      %dma_start3A_477 = tpu.memref_slice %arg3[%run_scoped3A_221, %mul3A_2] : memref<26x16384xi32, #tpu.memory_space<hbm>> -> memref<1x512xi32, #tpu.memory_space<hbm>>
      %dma_start3A_478 = tpu.memref_squeeze %dma_start3A_477 : memref<1x512xi32, #tpu.memory_space<hbm>> -> memref<512xi32, #tpu.memory_space<hbm>>
      %dma_start3A_479 = tpu.memref_slice %arg3[%run_scoped3A_221, %mul3A_2] : memref<26x16384xi32, #tpu.memory_space<hbm>> -> memref<1x512xi32, #tpu.memory_space<hbm>>
      %dma_start3A_480 = tpu.memref_squeeze %dma_start3A_479 : memref<1x512xi32, #tpu.memory_space<hbm>> -> memref<512xi32, #tpu.memory_space<hbm>>
      tpu.enqueue_dma source(%dma_start3A_480 : memref<512xi32, #tpu.memory_space<hbm>>) target(%arg5 : memref<512xi32, #tpu.memory_space<vmem>>) target_semaphore(%run_scoped3A_476 : memref<!tpu.dma_semaphore, #tpu.memory_space<semaphore_mem>>)
      %dma_wait3A_481 = tpu.memref_slice %arg3[%run_scoped3A_221, %mul3A_2] : memref<26x16384xi32, #tpu.memory_space<hbm>> -> memref<1x512xi32, #tpu.memory_space<hbm>>
      %dma_wait3A_482 = tpu.memref_squeeze %dma_wait3A_481 : memref<1x512xi32, #tpu.memory_space<hbm>> -> memref<512xi32, #tpu.memory_space<hbm>>
      %dma_wait3A_483 = tpu.memref_slice %arg3[%run_scoped3A_221, %mul3A_2] : memref<26x16384xi32, #tpu.memory_space<hbm>> -> memref<1x512xi32, #tpu.memory_space<hbm>>
      %dma_wait3A_484 = tpu.memref_squeeze %dma_wait3A_483 : memref<1x512xi32, #tpu.memory_space<hbm>> -> memref<512xi32, #tpu.memory_space<hbm>>
      tpu.wait_dma2 semaphore(%run_scoped3A_476 : memref<!tpu.dma_semaphore, #tpu.memory_space<semaphore_mem>>) src(%dma_wait3A_484 : memref<512xi32, #tpu.memory_space<hbm>>) dst(%arg5 : memref<512xi32, #tpu.memory_space<vmem>>)
      tpu.yield
    }) : () -> ()
    %dma_start3A_222 = arith.constant 13 : i32
    %dma_start3A_223 = arith.constant 0 : i32
    %dma_start3A_224 = arith.constant 0 : i32
    %dma_start3A_225 = tpu.memref_slice %arg2[%dma_start3A_222, %dma_start3A_223, %dma_start3A_224] : memref<26x100000x32xf32, #tpu.memory_space<hbm>> -> memref<1x100000x32xf32, #tpu.memory_space<hbm>>
    %dma_start3A_226 = tpu.memref_squeeze %dma_start3A_225 : memref<1x100000x32xf32, #tpu.memory_space<hbm>> -> memref<100000x32xf32, #tpu.memory_space<hbm>>
    %dma_start3A_227 = arith.constant 0 : i32
    %dma_start3A_228 = arith.constant 0 : i32
    %dma_start3A_229 = tpu.memref_slice %dma_start3A_226[%dma_start3A_227, %dma_start3A_228] : memref<100000x32xf32, #tpu.memory_space<hbm>> -> memref<100000x32xf32, #tpu.memory_space<hbm>>
    tpu.enqueue_indirect_dma source(%dma_start3A_229 : memref<100000x32xf32, #tpu.memory_space<hbm>>) target(%arg6 : memref<512x32xf32, #tpu.memory_space<vmem>>) offsets(%arg5 : memref<512xi32, #tpu.memory_space<vmem>>) semaphore(%arg7 : memref<!tpu.dma_semaphore, #tpu.memory_space<semaphore_mem>>)
    %dma_wait3A_230 = arith.constant 13 : i32
    %dma_wait3A_231 = arith.constant 0 : i32
    %dma_wait3A_232 = arith.constant 0 : i32
    %dma_wait3A_233 = tpu.memref_slice %arg2[%dma_wait3A_230, %dma_wait3A_231, %dma_wait3A_232] : memref<26x100000x32xf32, #tpu.memory_space<hbm>> -> memref<1x100000x32xf32, #tpu.memory_space<hbm>>
    %dma_wait3A_234 = tpu.memref_squeeze %dma_wait3A_233 : memref<1x100000x32xf32, #tpu.memory_space<hbm>> -> memref<100000x32xf32, #tpu.memory_space<hbm>>
    %dma_wait3A_235 = arith.constant 0 : i32
    %dma_wait3A_236 = arith.constant 0 : i32
    %dma_wait3A_237 = tpu.memref_slice %dma_wait3A_234[%dma_wait3A_235, %dma_wait3A_236] : memref<100000x32xf32, #tpu.memory_space<hbm>> -> memref<100000x32xf32, #tpu.memory_space<hbm>>
    tpu.wait_indirect_dma semaphore(%arg7 : memref<!tpu.dma_semaphore, #tpu.memory_space<semaphore_mem>>) src(%dma_wait3A_237 : memref<100000x32xf32, #tpu.memory_space<hbm>>) dst(%arg6 : memref<512x32xf32, #tpu.memory_space<vmem>>)
    "tpu.region"() ({
      %run_scoped3A_476 = tpu.sem_alloc : memref<!tpu.dma_semaphore, #tpu.memory_space<semaphore_mem>>
      %dma_start3A_477 = arith.constant 416 : i32
      %dma_start3A_478 = tpu.memref_slice %arg4[%mul3A_2, %dma_start3A_477] : memref<16384x896xf32, #tpu.memory_space<hbm>> -> memref<512x32xf32, #tpu.memory_space<hbm>>
      %dma_start3A_479 = arith.constant 416 : i32
      %dma_start3A_480 = tpu.memref_slice %arg4[%mul3A_2, %dma_start3A_479] : memref<16384x896xf32, #tpu.memory_space<hbm>> -> memref<512x32xf32, #tpu.memory_space<hbm>>
      tpu.enqueue_dma source(%arg6 : memref<512x32xf32, #tpu.memory_space<vmem>>) target(%dma_start3A_480 : memref<512x32xf32, #tpu.memory_space<hbm>>) target_semaphore(%run_scoped3A_476 : memref<!tpu.dma_semaphore, #tpu.memory_space<semaphore_mem>>)
      %dma_wait3A_481 = arith.constant 416 : i32
      %dma_wait3A_482 = tpu.memref_slice %arg4[%mul3A_2, %dma_wait3A_481] : memref<16384x896xf32, #tpu.memory_space<hbm>> -> memref<512x32xf32, #tpu.memory_space<hbm>>
      %dma_wait3A_483 = arith.constant 416 : i32
      %dma_wait3A_484 = tpu.memref_slice %arg4[%mul3A_2, %dma_wait3A_483] : memref<16384x896xf32, #tpu.memory_space<hbm>> -> memref<512x32xf32, #tpu.memory_space<hbm>>
      tpu.wait_dma2 semaphore(%run_scoped3A_476 : memref<!tpu.dma_semaphore, #tpu.memory_space<semaphore_mem>>) src(%arg6 : memref<512x32xf32, #tpu.memory_space<vmem>>) dst(%dma_wait3A_484 : memref<512x32xf32, #tpu.memory_space<hbm>>)
      tpu.yield
    }) : () -> ()
    %run_scoped3A_238 = arith.constant 14 : i32
    "tpu.region"() ({
      %run_scoped3A_476 = tpu.sem_alloc : memref<!tpu.dma_semaphore, #tpu.memory_space<semaphore_mem>>
      %dma_start3A_477 = tpu.memref_slice %arg3[%run_scoped3A_238, %mul3A_2] : memref<26x16384xi32, #tpu.memory_space<hbm>> -> memref<1x512xi32, #tpu.memory_space<hbm>>
      %dma_start3A_478 = tpu.memref_squeeze %dma_start3A_477 : memref<1x512xi32, #tpu.memory_space<hbm>> -> memref<512xi32, #tpu.memory_space<hbm>>
      %dma_start3A_479 = tpu.memref_slice %arg3[%run_scoped3A_238, %mul3A_2] : memref<26x16384xi32, #tpu.memory_space<hbm>> -> memref<1x512xi32, #tpu.memory_space<hbm>>
      %dma_start3A_480 = tpu.memref_squeeze %dma_start3A_479 : memref<1x512xi32, #tpu.memory_space<hbm>> -> memref<512xi32, #tpu.memory_space<hbm>>
      tpu.enqueue_dma source(%dma_start3A_480 : memref<512xi32, #tpu.memory_space<hbm>>) target(%arg5 : memref<512xi32, #tpu.memory_space<vmem>>) target_semaphore(%run_scoped3A_476 : memref<!tpu.dma_semaphore, #tpu.memory_space<semaphore_mem>>)
      %dma_wait3A_481 = tpu.memref_slice %arg3[%run_scoped3A_238, %mul3A_2] : memref<26x16384xi32, #tpu.memory_space<hbm>> -> memref<1x512xi32, #tpu.memory_space<hbm>>
      %dma_wait3A_482 = tpu.memref_squeeze %dma_wait3A_481 : memref<1x512xi32, #tpu.memory_space<hbm>> -> memref<512xi32, #tpu.memory_space<hbm>>
      %dma_wait3A_483 = tpu.memref_slice %arg3[%run_scoped3A_238, %mul3A_2] : memref<26x16384xi32, #tpu.memory_space<hbm>> -> memref<1x512xi32, #tpu.memory_space<hbm>>
      %dma_wait3A_484 = tpu.memref_squeeze %dma_wait3A_483 : memref<1x512xi32, #tpu.memory_space<hbm>> -> memref<512xi32, #tpu.memory_space<hbm>>
      tpu.wait_dma2 semaphore(%run_scoped3A_476 : memref<!tpu.dma_semaphore, #tpu.memory_space<semaphore_mem>>) src(%dma_wait3A_484 : memref<512xi32, #tpu.memory_space<hbm>>) dst(%arg5 : memref<512xi32, #tpu.memory_space<vmem>>)
      tpu.yield
    }) : () -> ()
    %dma_start3A_239 = arith.constant 14 : i32
    %dma_start3A_240 = arith.constant 0 : i32
    %dma_start3A_241 = arith.constant 0 : i32
    %dma_start3A_242 = tpu.memref_slice %arg2[%dma_start3A_239, %dma_start3A_240, %dma_start3A_241] : memref<26x100000x32xf32, #tpu.memory_space<hbm>> -> memref<1x100000x32xf32, #tpu.memory_space<hbm>>
    %dma_start3A_243 = tpu.memref_squeeze %dma_start3A_242 : memref<1x100000x32xf32, #tpu.memory_space<hbm>> -> memref<100000x32xf32, #tpu.memory_space<hbm>>
    %dma_start3A_244 = arith.constant 0 : i32
    %dma_start3A_245 = arith.constant 0 : i32
    %dma_start3A_246 = tpu.memref_slice %dma_start3A_243[%dma_start3A_244, %dma_start3A_245] : memref<100000x32xf32, #tpu.memory_space<hbm>> -> memref<100000x32xf32, #tpu.memory_space<hbm>>
    tpu.enqueue_indirect_dma source(%dma_start3A_246 : memref<100000x32xf32, #tpu.memory_space<hbm>>) target(%arg6 : memref<512x32xf32, #tpu.memory_space<vmem>>) offsets(%arg5 : memref<512xi32, #tpu.memory_space<vmem>>) semaphore(%arg7 : memref<!tpu.dma_semaphore, #tpu.memory_space<semaphore_mem>>)
    %dma_wait3A_247 = arith.constant 14 : i32
    %dma_wait3A_248 = arith.constant 0 : i32
    %dma_wait3A_249 = arith.constant 0 : i32
    %dma_wait3A_250 = tpu.memref_slice %arg2[%dma_wait3A_247, %dma_wait3A_248, %dma_wait3A_249] : memref<26x100000x32xf32, #tpu.memory_space<hbm>> -> memref<1x100000x32xf32, #tpu.memory_space<hbm>>
    %dma_wait3A_251 = tpu.memref_squeeze %dma_wait3A_250 : memref<1x100000x32xf32, #tpu.memory_space<hbm>> -> memref<100000x32xf32, #tpu.memory_space<hbm>>
    %dma_wait3A_252 = arith.constant 0 : i32
    %dma_wait3A_253 = arith.constant 0 : i32
    %dma_wait3A_254 = tpu.memref_slice %dma_wait3A_251[%dma_wait3A_252, %dma_wait3A_253] : memref<100000x32xf32, #tpu.memory_space<hbm>> -> memref<100000x32xf32, #tpu.memory_space<hbm>>
    tpu.wait_indirect_dma semaphore(%arg7 : memref<!tpu.dma_semaphore, #tpu.memory_space<semaphore_mem>>) src(%dma_wait3A_254 : memref<100000x32xf32, #tpu.memory_space<hbm>>) dst(%arg6 : memref<512x32xf32, #tpu.memory_space<vmem>>)
    "tpu.region"() ({
      %run_scoped3A_476 = tpu.sem_alloc : memref<!tpu.dma_semaphore, #tpu.memory_space<semaphore_mem>>
      %dma_start3A_477 = arith.constant 448 : i32
      %dma_start3A_478 = tpu.memref_slice %arg4[%mul3A_2, %dma_start3A_477] : memref<16384x896xf32, #tpu.memory_space<hbm>> -> memref<512x32xf32, #tpu.memory_space<hbm>>
      %dma_start3A_479 = arith.constant 448 : i32
      %dma_start3A_480 = tpu.memref_slice %arg4[%mul3A_2, %dma_start3A_479] : memref<16384x896xf32, #tpu.memory_space<hbm>> -> memref<512x32xf32, #tpu.memory_space<hbm>>
      tpu.enqueue_dma source(%arg6 : memref<512x32xf32, #tpu.memory_space<vmem>>) target(%dma_start3A_480 : memref<512x32xf32, #tpu.memory_space<hbm>>) target_semaphore(%run_scoped3A_476 : memref<!tpu.dma_semaphore, #tpu.memory_space<semaphore_mem>>)
      %dma_wait3A_481 = arith.constant 448 : i32
      %dma_wait3A_482 = tpu.memref_slice %arg4[%mul3A_2, %dma_wait3A_481] : memref<16384x896xf32, #tpu.memory_space<hbm>> -> memref<512x32xf32, #tpu.memory_space<hbm>>
      %dma_wait3A_483 = arith.constant 448 : i32
      %dma_wait3A_484 = tpu.memref_slice %arg4[%mul3A_2, %dma_wait3A_483] : memref<16384x896xf32, #tpu.memory_space<hbm>> -> memref<512x32xf32, #tpu.memory_space<hbm>>
      tpu.wait_dma2 semaphore(%run_scoped3A_476 : memref<!tpu.dma_semaphore, #tpu.memory_space<semaphore_mem>>) src(%arg6 : memref<512x32xf32, #tpu.memory_space<vmem>>) dst(%dma_wait3A_484 : memref<512x32xf32, #tpu.memory_space<hbm>>)
      tpu.yield
    }) : () -> ()
    %run_scoped3A_255 = arith.constant 15 : i32
    "tpu.region"() ({
      %run_scoped3A_476 = tpu.sem_alloc : memref<!tpu.dma_semaphore, #tpu.memory_space<semaphore_mem>>
      %dma_start3A_477 = tpu.memref_slice %arg3[%run_scoped3A_255, %mul3A_2] : memref<26x16384xi32, #tpu.memory_space<hbm>> -> memref<1x512xi32, #tpu.memory_space<hbm>>
      %dma_start3A_478 = tpu.memref_squeeze %dma_start3A_477 : memref<1x512xi32, #tpu.memory_space<hbm>> -> memref<512xi32, #tpu.memory_space<hbm>>
      %dma_start3A_479 = tpu.memref_slice %arg3[%run_scoped3A_255, %mul3A_2] : memref<26x16384xi32, #tpu.memory_space<hbm>> -> memref<1x512xi32, #tpu.memory_space<hbm>>
      %dma_start3A_480 = tpu.memref_squeeze %dma_start3A_479 : memref<1x512xi32, #tpu.memory_space<hbm>> -> memref<512xi32, #tpu.memory_space<hbm>>
      tpu.enqueue_dma source(%dma_start3A_480 : memref<512xi32, #tpu.memory_space<hbm>>) target(%arg5 : memref<512xi32, #tpu.memory_space<vmem>>) target_semaphore(%run_scoped3A_476 : memref<!tpu.dma_semaphore, #tpu.memory_space<semaphore_mem>>)
      %dma_wait3A_481 = tpu.memref_slice %arg3[%run_scoped3A_255, %mul3A_2] : memref<26x16384xi32, #tpu.memory_space<hbm>> -> memref<1x512xi32, #tpu.memory_space<hbm>>
      %dma_wait3A_482 = tpu.memref_squeeze %dma_wait3A_481 : memref<1x512xi32, #tpu.memory_space<hbm>> -> memref<512xi32, #tpu.memory_space<hbm>>
      %dma_wait3A_483 = tpu.memref_slice %arg3[%run_scoped3A_255, %mul3A_2] : memref<26x16384xi32, #tpu.memory_space<hbm>> -> memref<1x512xi32, #tpu.memory_space<hbm>>
      %dma_wait3A_484 = tpu.memref_squeeze %dma_wait3A_483 : memref<1x512xi32, #tpu.memory_space<hbm>> -> memref<512xi32, #tpu.memory_space<hbm>>
      tpu.wait_dma2 semaphore(%run_scoped3A_476 : memref<!tpu.dma_semaphore, #tpu.memory_space<semaphore_mem>>) src(%dma_wait3A_484 : memref<512xi32, #tpu.memory_space<hbm>>) dst(%arg5 : memref<512xi32, #tpu.memory_space<vmem>>)
      tpu.yield
    }) : () -> ()
    %dma_start3A_256 = arith.constant 15 : i32
    %dma_start3A_257 = arith.constant 0 : i32
    %dma_start3A_258 = arith.constant 0 : i32
    %dma_start3A_259 = tpu.memref_slice %arg2[%dma_start3A_256, %dma_start3A_257, %dma_start3A_258] : memref<26x100000x32xf32, #tpu.memory_space<hbm>> -> memref<1x100000x32xf32, #tpu.memory_space<hbm>>
    %dma_start3A_260 = tpu.memref_squeeze %dma_start3A_259 : memref<1x100000x32xf32, #tpu.memory_space<hbm>> -> memref<100000x32xf32, #tpu.memory_space<hbm>>
    %dma_start3A_261 = arith.constant 0 : i32
    %dma_start3A_262 = arith.constant 0 : i32
    %dma_start3A_263 = tpu.memref_slice %dma_start3A_260[%dma_start3A_261, %dma_start3A_262] : memref<100000x32xf32, #tpu.memory_space<hbm>> -> memref<100000x32xf32, #tpu.memory_space<hbm>>
    tpu.enqueue_indirect_dma source(%dma_start3A_263 : memref<100000x32xf32, #tpu.memory_space<hbm>>) target(%arg6 : memref<512x32xf32, #tpu.memory_space<vmem>>) offsets(%arg5 : memref<512xi32, #tpu.memory_space<vmem>>) semaphore(%arg7 : memref<!tpu.dma_semaphore, #tpu.memory_space<semaphore_mem>>)
    %dma_wait3A_264 = arith.constant 15 : i32
    %dma_wait3A_265 = arith.constant 0 : i32
    %dma_wait3A_266 = arith.constant 0 : i32
    %dma_wait3A_267 = tpu.memref_slice %arg2[%dma_wait3A_264, %dma_wait3A_265, %dma_wait3A_266] : memref<26x100000x32xf32, #tpu.memory_space<hbm>> -> memref<1x100000x32xf32, #tpu.memory_space<hbm>>
    %dma_wait3A_268 = tpu.memref_squeeze %dma_wait3A_267 : memref<1x100000x32xf32, #tpu.memory_space<hbm>> -> memref<100000x32xf32, #tpu.memory_space<hbm>>
    %dma_wait3A_269 = arith.constant 0 : i32
    %dma_wait3A_270 = arith.constant 0 : i32
    %dma_wait3A_271 = tpu.memref_slice %dma_wait3A_268[%dma_wait3A_269, %dma_wait3A_270] : memref<100000x32xf32, #tpu.memory_space<hbm>> -> memref<100000x32xf32, #tpu.memory_space<hbm>>
    tpu.wait_indirect_dma semaphore(%arg7 : memref<!tpu.dma_semaphore, #tpu.memory_space<semaphore_mem>>) src(%dma_wait3A_271 : memref<100000x32xf32, #tpu.memory_space<hbm>>) dst(%arg6 : memref<512x32xf32, #tpu.memory_space<vmem>>)
    "tpu.region"() ({
      %run_scoped3A_476 = tpu.sem_alloc : memref<!tpu.dma_semaphore, #tpu.memory_space<semaphore_mem>>
      %dma_start3A_477 = arith.constant 480 : i32
      %dma_start3A_478 = tpu.memref_slice %arg4[%mul3A_2, %dma_start3A_477] : memref<16384x896xf32, #tpu.memory_space<hbm>> -> memref<512x32xf32, #tpu.memory_space<hbm>>
      %dma_start3A_479 = arith.constant 480 : i32
      %dma_start3A_480 = tpu.memref_slice %arg4[%mul3A_2, %dma_start3A_479] : memref<16384x896xf32, #tpu.memory_space<hbm>> -> memref<512x32xf32, #tpu.memory_space<hbm>>
      tpu.enqueue_dma source(%arg6 : memref<512x32xf32, #tpu.memory_space<vmem>>) target(%dma_start3A_480 : memref<512x32xf32, #tpu.memory_space<hbm>>) target_semaphore(%run_scoped3A_476 : memref<!tpu.dma_semaphore, #tpu.memory_space<semaphore_mem>>)
      %dma_wait3A_481 = arith.constant 480 : i32
      %dma_wait3A_482 = tpu.memref_slice %arg4[%mul3A_2, %dma_wait3A_481] : memref<16384x896xf32, #tpu.memory_space<hbm>> -> memref<512x32xf32, #tpu.memory_space<hbm>>
      %dma_wait3A_483 = arith.constant 480 : i32
      %dma_wait3A_484 = tpu.memref_slice %arg4[%mul3A_2, %dma_wait3A_483] : memref<16384x896xf32, #tpu.memory_space<hbm>> -> memref<512x32xf32, #tpu.memory_space<hbm>>
      tpu.wait_dma2 semaphore(%run_scoped3A_476 : memref<!tpu.dma_semaphore, #tpu.memory_space<semaphore_mem>>) src(%arg6 : memref<512x32xf32, #tpu.memory_space<vmem>>) dst(%dma_wait3A_484 : memref<512x32xf32, #tpu.memory_space<hbm>>)
      tpu.yield
    }) : () -> ()
    %run_scoped3A_272 = arith.constant 16 : i32
    "tpu.region"() ({
      %run_scoped3A_476 = tpu.sem_alloc : memref<!tpu.dma_semaphore, #tpu.memory_space<semaphore_mem>>
      %dma_start3A_477 = tpu.memref_slice %arg3[%run_scoped3A_272, %mul3A_2] : memref<26x16384xi32, #tpu.memory_space<hbm>> -> memref<1x512xi32, #tpu.memory_space<hbm>>
      %dma_start3A_478 = tpu.memref_squeeze %dma_start3A_477 : memref<1x512xi32, #tpu.memory_space<hbm>> -> memref<512xi32, #tpu.memory_space<hbm>>
      %dma_start3A_479 = tpu.memref_slice %arg3[%run_scoped3A_272, %mul3A_2] : memref<26x16384xi32, #tpu.memory_space<hbm>> -> memref<1x512xi32, #tpu.memory_space<hbm>>
      %dma_start3A_480 = tpu.memref_squeeze %dma_start3A_479 : memref<1x512xi32, #tpu.memory_space<hbm>> -> memref<512xi32, #tpu.memory_space<hbm>>
      tpu.enqueue_dma source(%dma_start3A_480 : memref<512xi32, #tpu.memory_space<hbm>>) target(%arg5 : memref<512xi32, #tpu.memory_space<vmem>>) target_semaphore(%run_scoped3A_476 : memref<!tpu.dma_semaphore, #tpu.memory_space<semaphore_mem>>)
      %dma_wait3A_481 = tpu.memref_slice %arg3[%run_scoped3A_272, %mul3A_2] : memref<26x16384xi32, #tpu.memory_space<hbm>> -> memref<1x512xi32, #tpu.memory_space<hbm>>
      %dma_wait3A_482 = tpu.memref_squeeze %dma_wait3A_481 : memref<1x512xi32, #tpu.memory_space<hbm>> -> memref<512xi32, #tpu.memory_space<hbm>>
      %dma_wait3A_483 = tpu.memref_slice %arg3[%run_scoped3A_272, %mul3A_2] : memref<26x16384xi32, #tpu.memory_space<hbm>> -> memref<1x512xi32, #tpu.memory_space<hbm>>
      %dma_wait3A_484 = tpu.memref_squeeze %dma_wait3A_483 : memref<1x512xi32, #tpu.memory_space<hbm>> -> memref<512xi32, #tpu.memory_space<hbm>>
      tpu.wait_dma2 semaphore(%run_scoped3A_476 : memref<!tpu.dma_semaphore, #tpu.memory_space<semaphore_mem>>) src(%dma_wait3A_484 : memref<512xi32, #tpu.memory_space<hbm>>) dst(%arg5 : memref<512xi32, #tpu.memory_space<vmem>>)
      tpu.yield
    }) : () -> ()
    %dma_start3A_273 = arith.constant 16 : i32
    %dma_start3A_274 = arith.constant 0 : i32
    %dma_start3A_275 = arith.constant 0 : i32
    %dma_start3A_276 = tpu.memref_slice %arg2[%dma_start3A_273, %dma_start3A_274, %dma_start3A_275] : memref<26x100000x32xf32, #tpu.memory_space<hbm>> -> memref<1x100000x32xf32, #tpu.memory_space<hbm>>
    %dma_start3A_277 = tpu.memref_squeeze %dma_start3A_276 : memref<1x100000x32xf32, #tpu.memory_space<hbm>> -> memref<100000x32xf32, #tpu.memory_space<hbm>>
    %dma_start3A_278 = arith.constant 0 : i32
    %dma_start3A_279 = arith.constant 0 : i32
    %dma_start3A_280 = tpu.memref_slice %dma_start3A_277[%dma_start3A_278, %dma_start3A_279] : memref<100000x32xf32, #tpu.memory_space<hbm>> -> memref<100000x32xf32, #tpu.memory_space<hbm>>
    tpu.enqueue_indirect_dma source(%dma_start3A_280 : memref<100000x32xf32, #tpu.memory_space<hbm>>) target(%arg6 : memref<512x32xf32, #tpu.memory_space<vmem>>) offsets(%arg5 : memref<512xi32, #tpu.memory_space<vmem>>) semaphore(%arg7 : memref<!tpu.dma_semaphore, #tpu.memory_space<semaphore_mem>>)
    %dma_wait3A_281 = arith.constant 16 : i32
    %dma_wait3A_282 = arith.constant 0 : i32
    %dma_wait3A_283 = arith.constant 0 : i32
    %dma_wait3A_284 = tpu.memref_slice %arg2[%dma_wait3A_281, %dma_wait3A_282, %dma_wait3A_283] : memref<26x100000x32xf32, #tpu.memory_space<hbm>> -> memref<1x100000x32xf32, #tpu.memory_space<hbm>>
    %dma_wait3A_285 = tpu.memref_squeeze %dma_wait3A_284 : memref<1x100000x32xf32, #tpu.memory_space<hbm>> -> memref<100000x32xf32, #tpu.memory_space<hbm>>
    %dma_wait3A_286 = arith.constant 0 : i32
    %dma_wait3A_287 = arith.constant 0 : i32
    %dma_wait3A_288 = tpu.memref_slice %dma_wait3A_285[%dma_wait3A_286, %dma_wait3A_287] : memref<100000x32xf32, #tpu.memory_space<hbm>> -> memref<100000x32xf32, #tpu.memory_space<hbm>>
    tpu.wait_indirect_dma semaphore(%arg7 : memref<!tpu.dma_semaphore, #tpu.memory_space<semaphore_mem>>) src(%dma_wait3A_288 : memref<100000x32xf32, #tpu.memory_space<hbm>>) dst(%arg6 : memref<512x32xf32, #tpu.memory_space<vmem>>)
    "tpu.region"() ({
      %run_scoped3A_476 = tpu.sem_alloc : memref<!tpu.dma_semaphore, #tpu.memory_space<semaphore_mem>>
      %dma_start3A_477 = arith.constant 512 : i32
      %dma_start3A_478 = tpu.memref_slice %arg4[%mul3A_2, %dma_start3A_477] : memref<16384x896xf32, #tpu.memory_space<hbm>> -> memref<512x32xf32, #tpu.memory_space<hbm>>
      %dma_start3A_479 = arith.constant 512 : i32
      %dma_start3A_480 = tpu.memref_slice %arg4[%mul3A_2, %dma_start3A_479] : memref<16384x896xf32, #tpu.memory_space<hbm>> -> memref<512x32xf32, #tpu.memory_space<hbm>>
      tpu.enqueue_dma source(%arg6 : memref<512x32xf32, #tpu.memory_space<vmem>>) target(%dma_start3A_480 : memref<512x32xf32, #tpu.memory_space<hbm>>) target_semaphore(%run_scoped3A_476 : memref<!tpu.dma_semaphore, #tpu.memory_space<semaphore_mem>>)
      %dma_wait3A_481 = arith.constant 512 : i32
      %dma_wait3A_482 = tpu.memref_slice %arg4[%mul3A_2, %dma_wait3A_481] : memref<16384x896xf32, #tpu.memory_space<hbm>> -> memref<512x32xf32, #tpu.memory_space<hbm>>
      %dma_wait3A_483 = arith.constant 512 : i32
      %dma_wait3A_484 = tpu.memref_slice %arg4[%mul3A_2, %dma_wait3A_483] : memref<16384x896xf32, #tpu.memory_space<hbm>> -> memref<512x32xf32, #tpu.memory_space<hbm>>
      tpu.wait_dma2 semaphore(%run_scoped3A_476 : memref<!tpu.dma_semaphore, #tpu.memory_space<semaphore_mem>>) src(%arg6 : memref<512x32xf32, #tpu.memory_space<vmem>>) dst(%dma_wait3A_484 : memref<512x32xf32, #tpu.memory_space<hbm>>)
      tpu.yield
    }) : () -> ()
    %run_scoped3A_289 = arith.constant 17 : i32
    "tpu.region"() ({
      %run_scoped3A_476 = tpu.sem_alloc : memref<!tpu.dma_semaphore, #tpu.memory_space<semaphore_mem>>
      %dma_start3A_477 = tpu.memref_slice %arg3[%run_scoped3A_289, %mul3A_2] : memref<26x16384xi32, #tpu.memory_space<hbm>> -> memref<1x512xi32, #tpu.memory_space<hbm>>
      %dma_start3A_478 = tpu.memref_squeeze %dma_start3A_477 : memref<1x512xi32, #tpu.memory_space<hbm>> -> memref<512xi32, #tpu.memory_space<hbm>>
      %dma_start3A_479 = tpu.memref_slice %arg3[%run_scoped3A_289, %mul3A_2] : memref<26x16384xi32, #tpu.memory_space<hbm>> -> memref<1x512xi32, #tpu.memory_space<hbm>>
      %dma_start3A_480 = tpu.memref_squeeze %dma_start3A_479 : memref<1x512xi32, #tpu.memory_space<hbm>> -> memref<512xi32, #tpu.memory_space<hbm>>
      tpu.enqueue_dma source(%dma_start3A_480 : memref<512xi32, #tpu.memory_space<hbm>>) target(%arg5 : memref<512xi32, #tpu.memory_space<vmem>>) target_semaphore(%run_scoped3A_476 : memref<!tpu.dma_semaphore, #tpu.memory_space<semaphore_mem>>)
      %dma_wait3A_481 = tpu.memref_slice %arg3[%run_scoped3A_289, %mul3A_2] : memref<26x16384xi32, #tpu.memory_space<hbm>> -> memref<1x512xi32, #tpu.memory_space<hbm>>
      %dma_wait3A_482 = tpu.memref_squeeze %dma_wait3A_481 : memref<1x512xi32, #tpu.memory_space<hbm>> -> memref<512xi32, #tpu.memory_space<hbm>>
      %dma_wait3A_483 = tpu.memref_slice %arg3[%run_scoped3A_289, %mul3A_2] : memref<26x16384xi32, #tpu.memory_space<hbm>> -> memref<1x512xi32, #tpu.memory_space<hbm>>
      %dma_wait3A_484 = tpu.memref_squeeze %dma_wait3A_483 : memref<1x512xi32, #tpu.memory_space<hbm>> -> memref<512xi32, #tpu.memory_space<hbm>>
      tpu.wait_dma2 semaphore(%run_scoped3A_476 : memref<!tpu.dma_semaphore, #tpu.memory_space<semaphore_mem>>) src(%dma_wait3A_484 : memref<512xi32, #tpu.memory_space<hbm>>) dst(%arg5 : memref<512xi32, #tpu.memory_space<vmem>>)
      tpu.yield
    }) : () -> ()
    %dma_start3A_290 = arith.constant 17 : i32
    %dma_start3A_291 = arith.constant 0 : i32
    %dma_start3A_292 = arith.constant 0 : i32
    %dma_start3A_293 = tpu.memref_slice %arg2[%dma_start3A_290, %dma_start3A_291, %dma_start3A_292] : memref<26x100000x32xf32, #tpu.memory_space<hbm>> -> memref<1x100000x32xf32, #tpu.memory_space<hbm>>
    %dma_start3A_294 = tpu.memref_squeeze %dma_start3A_293 : memref<1x100000x32xf32, #tpu.memory_space<hbm>> -> memref<100000x32xf32, #tpu.memory_space<hbm>>
    %dma_start3A_295 = arith.constant 0 : i32
    %dma_start3A_296 = arith.constant 0 : i32
    %dma_start3A_297 = tpu.memref_slice %dma_start3A_294[%dma_start3A_295, %dma_start3A_296] : memref<100000x32xf32, #tpu.memory_space<hbm>> -> memref<100000x32xf32, #tpu.memory_space<hbm>>
    tpu.enqueue_indirect_dma source(%dma_start3A_297 : memref<100000x32xf32, #tpu.memory_space<hbm>>) target(%arg6 : memref<512x32xf32, #tpu.memory_space<vmem>>) offsets(%arg5 : memref<512xi32, #tpu.memory_space<vmem>>) semaphore(%arg7 : memref<!tpu.dma_semaphore, #tpu.memory_space<semaphore_mem>>)
    %dma_wait3A_298 = arith.constant 17 : i32
    %dma_wait3A_299 = arith.constant 0 : i32
    %dma_wait3A_300 = arith.constant 0 : i32
    %dma_wait3A_301 = tpu.memref_slice %arg2[%dma_wait3A_298, %dma_wait3A_299, %dma_wait3A_300] : memref<26x100000x32xf32, #tpu.memory_space<hbm>> -> memref<1x100000x32xf32, #tpu.memory_space<hbm>>
    %dma_wait3A_302 = tpu.memref_squeeze %dma_wait3A_301 : memref<1x100000x32xf32, #tpu.memory_space<hbm>> -> memref<100000x32xf32, #tpu.memory_space<hbm>>
    %dma_wait3A_303 = arith.constant 0 : i32
    %dma_wait3A_304 = arith.constant 0 : i32
    %dma_wait3A_305 = tpu.memref_slice %dma_wait3A_302[%dma_wait3A_303, %dma_wait3A_304] : memref<100000x32xf32, #tpu.memory_space<hbm>> -> memref<100000x32xf32, #tpu.memory_space<hbm>>
    tpu.wait_indirect_dma semaphore(%arg7 : memref<!tpu.dma_semaphore, #tpu.memory_space<semaphore_mem>>) src(%dma_wait3A_305 : memref<100000x32xf32, #tpu.memory_space<hbm>>) dst(%arg6 : memref<512x32xf32, #tpu.memory_space<vmem>>)
    "tpu.region"() ({
      %run_scoped3A_476 = tpu.sem_alloc : memref<!tpu.dma_semaphore, #tpu.memory_space<semaphore_mem>>
      %dma_start3A_477 = arith.constant 544 : i32
      %dma_start3A_478 = tpu.memref_slice %arg4[%mul3A_2, %dma_start3A_477] : memref<16384x896xf32, #tpu.memory_space<hbm>> -> memref<512x32xf32, #tpu.memory_space<hbm>>
      %dma_start3A_479 = arith.constant 544 : i32
      %dma_start3A_480 = tpu.memref_slice %arg4[%mul3A_2, %dma_start3A_479] : memref<16384x896xf32, #tpu.memory_space<hbm>> -> memref<512x32xf32, #tpu.memory_space<hbm>>
      tpu.enqueue_dma source(%arg6 : memref<512x32xf32, #tpu.memory_space<vmem>>) target(%dma_start3A_480 : memref<512x32xf32, #tpu.memory_space<hbm>>) target_semaphore(%run_scoped3A_476 : memref<!tpu.dma_semaphore, #tpu.memory_space<semaphore_mem>>)
      %dma_wait3A_481 = arith.constant 544 : i32
      %dma_wait3A_482 = tpu.memref_slice %arg4[%mul3A_2, %dma_wait3A_481] : memref<16384x896xf32, #tpu.memory_space<hbm>> -> memref<512x32xf32, #tpu.memory_space<hbm>>
      %dma_wait3A_483 = arith.constant 544 : i32
      %dma_wait3A_484 = tpu.memref_slice %arg4[%mul3A_2, %dma_wait3A_483] : memref<16384x896xf32, #tpu.memory_space<hbm>> -> memref<512x32xf32, #tpu.memory_space<hbm>>
      tpu.wait_dma2 semaphore(%run_scoped3A_476 : memref<!tpu.dma_semaphore, #tpu.memory_space<semaphore_mem>>) src(%arg6 : memref<512x32xf32, #tpu.memory_space<vmem>>) dst(%dma_wait3A_484 : memref<512x32xf32, #tpu.memory_space<hbm>>)
      tpu.yield
    }) : () -> ()
    %run_scoped3A_306 = arith.constant 18 : i32
    "tpu.region"() ({
      %run_scoped3A_476 = tpu.sem_alloc : memref<!tpu.dma_semaphore, #tpu.memory_space<semaphore_mem>>
      %dma_start3A_477 = tpu.memref_slice %arg3[%run_scoped3A_306, %mul3A_2] : memref<26x16384xi32, #tpu.memory_space<hbm>> -> memref<1x512xi32, #tpu.memory_space<hbm>>
      %dma_start3A_478 = tpu.memref_squeeze %dma_start3A_477 : memref<1x512xi32, #tpu.memory_space<hbm>> -> memref<512xi32, #tpu.memory_space<hbm>>
      %dma_start3A_479 = tpu.memref_slice %arg3[%run_scoped3A_306, %mul3A_2] : memref<26x16384xi32, #tpu.memory_space<hbm>> -> memref<1x512xi32, #tpu.memory_space<hbm>>
      %dma_start3A_480 = tpu.memref_squeeze %dma_start3A_479 : memref<1x512xi32, #tpu.memory_space<hbm>> -> memref<512xi32, #tpu.memory_space<hbm>>
      tpu.enqueue_dma source(%dma_start3A_480 : memref<512xi32, #tpu.memory_space<hbm>>) target(%arg5 : memref<512xi32, #tpu.memory_space<vmem>>) target_semaphore(%run_scoped3A_476 : memref<!tpu.dma_semaphore, #tpu.memory_space<semaphore_mem>>)
      %dma_wait3A_481 = tpu.memref_slice %arg3[%run_scoped3A_306, %mul3A_2] : memref<26x16384xi32, #tpu.memory_space<hbm>> -> memref<1x512xi32, #tpu.memory_space<hbm>>
      %dma_wait3A_482 = tpu.memref_squeeze %dma_wait3A_481 : memref<1x512xi32, #tpu.memory_space<hbm>> -> memref<512xi32, #tpu.memory_space<hbm>>
      %dma_wait3A_483 = tpu.memref_slice %arg3[%run_scoped3A_306, %mul3A_2] : memref<26x16384xi32, #tpu.memory_space<hbm>> -> memref<1x512xi32, #tpu.memory_space<hbm>>
      %dma_wait3A_484 = tpu.memref_squeeze %dma_wait3A_483 : memref<1x512xi32, #tpu.memory_space<hbm>> -> memref<512xi32, #tpu.memory_space<hbm>>
      tpu.wait_dma2 semaphore(%run_scoped3A_476 : memref<!tpu.dma_semaphore, #tpu.memory_space<semaphore_mem>>) src(%dma_wait3A_484 : memref<512xi32, #tpu.memory_space<hbm>>) dst(%arg5 : memref<512xi32, #tpu.memory_space<vmem>>)
      tpu.yield
    }) : () -> ()
    %dma_start3A_307 = arith.constant 18 : i32
    %dma_start3A_308 = arith.constant 0 : i32
    %dma_start3A_309 = arith.constant 0 : i32
    %dma_start3A_310 = tpu.memref_slice %arg2[%dma_start3A_307, %dma_start3A_308, %dma_start3A_309] : memref<26x100000x32xf32, #tpu.memory_space<hbm>> -> memref<1x100000x32xf32, #tpu.memory_space<hbm>>
    %dma_start3A_311 = tpu.memref_squeeze %dma_start3A_310 : memref<1x100000x32xf32, #tpu.memory_space<hbm>> -> memref<100000x32xf32, #tpu.memory_space<hbm>>
    %dma_start3A_312 = arith.constant 0 : i32
    %dma_start3A_313 = arith.constant 0 : i32
    %dma_start3A_314 = tpu.memref_slice %dma_start3A_311[%dma_start3A_312, %dma_start3A_313] : memref<100000x32xf32, #tpu.memory_space<hbm>> -> memref<100000x32xf32, #tpu.memory_space<hbm>>
    tpu.enqueue_indirect_dma source(%dma_start3A_314 : memref<100000x32xf32, #tpu.memory_space<hbm>>) target(%arg6 : memref<512x32xf32, #tpu.memory_space<vmem>>) offsets(%arg5 : memref<512xi32, #tpu.memory_space<vmem>>) semaphore(%arg7 : memref<!tpu.dma_semaphore, #tpu.memory_space<semaphore_mem>>)
    %dma_wait3A_315 = arith.constant 18 : i32
    %dma_wait3A_316 = arith.constant 0 : i32
    %dma_wait3A_317 = arith.constant 0 : i32
    %dma_wait3A_318 = tpu.memref_slice %arg2[%dma_wait3A_315, %dma_wait3A_316, %dma_wait3A_317] : memref<26x100000x32xf32, #tpu.memory_space<hbm>> -> memref<1x100000x32xf32, #tpu.memory_space<hbm>>
    %dma_wait3A_319 = tpu.memref_squeeze %dma_wait3A_318 : memref<1x100000x32xf32, #tpu.memory_space<hbm>> -> memref<100000x32xf32, #tpu.memory_space<hbm>>
    %dma_wait3A_320 = arith.constant 0 : i32
    %dma_wait3A_321 = arith.constant 0 : i32
    %dma_wait3A_322 = tpu.memref_slice %dma_wait3A_319[%dma_wait3A_320, %dma_wait3A_321] : memref<100000x32xf32, #tpu.memory_space<hbm>> -> memref<100000x32xf32, #tpu.memory_space<hbm>>
    tpu.wait_indirect_dma semaphore(%arg7 : memref<!tpu.dma_semaphore, #tpu.memory_space<semaphore_mem>>) src(%dma_wait3A_322 : memref<100000x32xf32, #tpu.memory_space<hbm>>) dst(%arg6 : memref<512x32xf32, #tpu.memory_space<vmem>>)
    "tpu.region"() ({
      %run_scoped3A_476 = tpu.sem_alloc : memref<!tpu.dma_semaphore, #tpu.memory_space<semaphore_mem>>
      %dma_start3A_477 = arith.constant 576 : i32
      %dma_start3A_478 = tpu.memref_slice %arg4[%mul3A_2, %dma_start3A_477] : memref<16384x896xf32, #tpu.memory_space<hbm>> -> memref<512x32xf32, #tpu.memory_space<hbm>>
      %dma_start3A_479 = arith.constant 576 : i32
      %dma_start3A_480 = tpu.memref_slice %arg4[%mul3A_2, %dma_start3A_479] : memref<16384x896xf32, #tpu.memory_space<hbm>> -> memref<512x32xf32, #tpu.memory_space<hbm>>
      tpu.enqueue_dma source(%arg6 : memref<512x32xf32, #tpu.memory_space<vmem>>) target(%dma_start3A_480 : memref<512x32xf32, #tpu.memory_space<hbm>>) target_semaphore(%run_scoped3A_476 : memref<!tpu.dma_semaphore, #tpu.memory_space<semaphore_mem>>)
      %dma_wait3A_481 = arith.constant 576 : i32
      %dma_wait3A_482 = tpu.memref_slice %arg4[%mul3A_2, %dma_wait3A_481] : memref<16384x896xf32, #tpu.memory_space<hbm>> -> memref<512x32xf32, #tpu.memory_space<hbm>>
      %dma_wait3A_483 = arith.constant 576 : i32
      %dma_wait3A_484 = tpu.memref_slice %arg4[%mul3A_2, %dma_wait3A_483] : memref<16384x896xf32, #tpu.memory_space<hbm>> -> memref<512x32xf32, #tpu.memory_space<hbm>>
      tpu.wait_dma2 semaphore(%run_scoped3A_476 : memref<!tpu.dma_semaphore, #tpu.memory_space<semaphore_mem>>) src(%arg6 : memref<512x32xf32, #tpu.memory_space<vmem>>) dst(%dma_wait3A_484 : memref<512x32xf32, #tpu.memory_space<hbm>>)
      tpu.yield
    }) : () -> ()
    %run_scoped3A_323 = arith.constant 19 : i32
    "tpu.region"() ({
      %run_scoped3A_476 = tpu.sem_alloc : memref<!tpu.dma_semaphore, #tpu.memory_space<semaphore_mem>>
      %dma_start3A_477 = tpu.memref_slice %arg3[%run_scoped3A_323, %mul3A_2] : memref<26x16384xi32, #tpu.memory_space<hbm>> -> memref<1x512xi32, #tpu.memory_space<hbm>>
      %dma_start3A_478 = tpu.memref_squeeze %dma_start3A_477 : memref<1x512xi32, #tpu.memory_space<hbm>> -> memref<512xi32, #tpu.memory_space<hbm>>
      %dma_start3A_479 = tpu.memref_slice %arg3[%run_scoped3A_323, %mul3A_2] : memref<26x16384xi32, #tpu.memory_space<hbm>> -> memref<1x512xi32, #tpu.memory_space<hbm>>
      %dma_start3A_480 = tpu.memref_squeeze %dma_start3A_479 : memref<1x512xi32, #tpu.memory_space<hbm>> -> memref<512xi32, #tpu.memory_space<hbm>>
      tpu.enqueue_dma source(%dma_start3A_480 : memref<512xi32, #tpu.memory_space<hbm>>) target(%arg5 : memref<512xi32, #tpu.memory_space<vmem>>) target_semaphore(%run_scoped3A_476 : memref<!tpu.dma_semaphore, #tpu.memory_space<semaphore_mem>>)
      %dma_wait3A_481 = tpu.memref_slice %arg3[%run_scoped3A_323, %mul3A_2] : memref<26x16384xi32, #tpu.memory_space<hbm>> -> memref<1x512xi32, #tpu.memory_space<hbm>>
      %dma_wait3A_482 = tpu.memref_squeeze %dma_wait3A_481 : memref<1x512xi32, #tpu.memory_space<hbm>> -> memref<512xi32, #tpu.memory_space<hbm>>
      %dma_wait3A_483 = tpu.memref_slice %arg3[%run_scoped3A_323, %mul3A_2] : memref<26x16384xi32, #tpu.memory_space<hbm>> -> memref<1x512xi32, #tpu.memory_space<hbm>>
      %dma_wait3A_484 = tpu.memref_squeeze %dma_wait3A_483 : memref<1x512xi32, #tpu.memory_space<hbm>> -> memref<512xi32, #tpu.memory_space<hbm>>
      tpu.wait_dma2 semaphore(%run_scoped3A_476 : memref<!tpu.dma_semaphore, #tpu.memory_space<semaphore_mem>>) src(%dma_wait3A_484 : memref<512xi32, #tpu.memory_space<hbm>>) dst(%arg5 : memref<512xi32, #tpu.memory_space<vmem>>)
      tpu.yield
    }) : () -> ()
    %dma_start3A_324 = arith.constant 19 : i32
    %dma_start3A_325 = arith.constant 0 : i32
    %dma_start3A_326 = arith.constant 0 : i32
    %dma_start3A_327 = tpu.memref_slice %arg2[%dma_start3A_324, %dma_start3A_325, %dma_start3A_326] : memref<26x100000x32xf32, #tpu.memory_space<hbm>> -> memref<1x100000x32xf32, #tpu.memory_space<hbm>>
    %dma_start3A_328 = tpu.memref_squeeze %dma_start3A_327 : memref<1x100000x32xf32, #tpu.memory_space<hbm>> -> memref<100000x32xf32, #tpu.memory_space<hbm>>
    %dma_start3A_329 = arith.constant 0 : i32
    %dma_start3A_330 = arith.constant 0 : i32
    %dma_start3A_331 = tpu.memref_slice %dma_start3A_328[%dma_start3A_329, %dma_start3A_330] : memref<100000x32xf32, #tpu.memory_space<hbm>> -> memref<100000x32xf32, #tpu.memory_space<hbm>>
    tpu.enqueue_indirect_dma source(%dma_start3A_331 : memref<100000x32xf32, #tpu.memory_space<hbm>>) target(%arg6 : memref<512x32xf32, #tpu.memory_space<vmem>>) offsets(%arg5 : memref<512xi32, #tpu.memory_space<vmem>>) semaphore(%arg7 : memref<!tpu.dma_semaphore, #tpu.memory_space<semaphore_mem>>)
    %dma_wait3A_332 = arith.constant 19 : i32
    %dma_wait3A_333 = arith.constant 0 : i32
    %dma_wait3A_334 = arith.constant 0 : i32
    %dma_wait3A_335 = tpu.memref_slice %arg2[%dma_wait3A_332, %dma_wait3A_333, %dma_wait3A_334] : memref<26x100000x32xf32, #tpu.memory_space<hbm>> -> memref<1x100000x32xf32, #tpu.memory_space<hbm>>
    %dma_wait3A_336 = tpu.memref_squeeze %dma_wait3A_335 : memref<1x100000x32xf32, #tpu.memory_space<hbm>> -> memref<100000x32xf32, #tpu.memory_space<hbm>>
    %dma_wait3A_337 = arith.constant 0 : i32
    %dma_wait3A_338 = arith.constant 0 : i32
    %dma_wait3A_339 = tpu.memref_slice %dma_wait3A_336[%dma_wait3A_337, %dma_wait3A_338] : memref<100000x32xf32, #tpu.memory_space<hbm>> -> memref<100000x32xf32, #tpu.memory_space<hbm>>
    tpu.wait_indirect_dma semaphore(%arg7 : memref<!tpu.dma_semaphore, #tpu.memory_space<semaphore_mem>>) src(%dma_wait3A_339 : memref<100000x32xf32, #tpu.memory_space<hbm>>) dst(%arg6 : memref<512x32xf32, #tpu.memory_space<vmem>>)
    "tpu.region"() ({
      %run_scoped3A_476 = tpu.sem_alloc : memref<!tpu.dma_semaphore, #tpu.memory_space<semaphore_mem>>
      %dma_start3A_477 = arith.constant 608 : i32
      %dma_start3A_478 = tpu.memref_slice %arg4[%mul3A_2, %dma_start3A_477] : memref<16384x896xf32, #tpu.memory_space<hbm>> -> memref<512x32xf32, #tpu.memory_space<hbm>>
      %dma_start3A_479 = arith.constant 608 : i32
      %dma_start3A_480 = tpu.memref_slice %arg4[%mul3A_2, %dma_start3A_479] : memref<16384x896xf32, #tpu.memory_space<hbm>> -> memref<512x32xf32, #tpu.memory_space<hbm>>
      tpu.enqueue_dma source(%arg6 : memref<512x32xf32, #tpu.memory_space<vmem>>) target(%dma_start3A_480 : memref<512x32xf32, #tpu.memory_space<hbm>>) target_semaphore(%run_scoped3A_476 : memref<!tpu.dma_semaphore, #tpu.memory_space<semaphore_mem>>)
      %dma_wait3A_481 = arith.constant 608 : i32
      %dma_wait3A_482 = tpu.memref_slice %arg4[%mul3A_2, %dma_wait3A_481] : memref<16384x896xf32, #tpu.memory_space<hbm>> -> memref<512x32xf32, #tpu.memory_space<hbm>>
      %dma_wait3A_483 = arith.constant 608 : i32
      %dma_wait3A_484 = tpu.memref_slice %arg4[%mul3A_2, %dma_wait3A_483] : memref<16384x896xf32, #tpu.memory_space<hbm>> -> memref<512x32xf32, #tpu.memory_space<hbm>>
      tpu.wait_dma2 semaphore(%run_scoped3A_476 : memref<!tpu.dma_semaphore, #tpu.memory_space<semaphore_mem>>) src(%arg6 : memref<512x32xf32, #tpu.memory_space<vmem>>) dst(%dma_wait3A_484 : memref<512x32xf32, #tpu.memory_space<hbm>>)
      tpu.yield
    }) : () -> ()
    %run_scoped3A_340 = arith.constant 20 : i32
    "tpu.region"() ({
      %run_scoped3A_476 = tpu.sem_alloc : memref<!tpu.dma_semaphore, #tpu.memory_space<semaphore_mem>>
      %dma_start3A_477 = tpu.memref_slice %arg3[%run_scoped3A_340, %mul3A_2] : memref<26x16384xi32, #tpu.memory_space<hbm>> -> memref<1x512xi32, #tpu.memory_space<hbm>>
      %dma_start3A_478 = tpu.memref_squeeze %dma_start3A_477 : memref<1x512xi32, #tpu.memory_space<hbm>> -> memref<512xi32, #tpu.memory_space<hbm>>
      %dma_start3A_479 = tpu.memref_slice %arg3[%run_scoped3A_340, %mul3A_2] : memref<26x16384xi32, #tpu.memory_space<hbm>> -> memref<1x512xi32, #tpu.memory_space<hbm>>
      %dma_start3A_480 = tpu.memref_squeeze %dma_start3A_479 : memref<1x512xi32, #tpu.memory_space<hbm>> -> memref<512xi32, #tpu.memory_space<hbm>>
      tpu.enqueue_dma source(%dma_start3A_480 : memref<512xi32, #tpu.memory_space<hbm>>) target(%arg5 : memref<512xi32, #tpu.memory_space<vmem>>) target_semaphore(%run_scoped3A_476 : memref<!tpu.dma_semaphore, #tpu.memory_space<semaphore_mem>>)
      %dma_wait3A_481 = tpu.memref_slice %arg3[%run_scoped3A_340, %mul3A_2] : memref<26x16384xi32, #tpu.memory_space<hbm>> -> memref<1x512xi32, #tpu.memory_space<hbm>>
      %dma_wait3A_482 = tpu.memref_squeeze %dma_wait3A_481 : memref<1x512xi32, #tpu.memory_space<hbm>> -> memref<512xi32, #tpu.memory_space<hbm>>
      %dma_wait3A_483 = tpu.memref_slice %arg3[%run_scoped3A_340, %mul3A_2] : memref<26x16384xi32, #tpu.memory_space<hbm>> -> memref<1x512xi32, #tpu.memory_space<hbm>>
      %dma_wait3A_484 = tpu.memref_squeeze %dma_wait3A_483 : memref<1x512xi32, #tpu.memory_space<hbm>> -> memref<512xi32, #tpu.memory_space<hbm>>
      tpu.wait_dma2 semaphore(%run_scoped3A_476 : memref<!tpu.dma_semaphore, #tpu.memory_space<semaphore_mem>>) src(%dma_wait3A_484 : memref<512xi32, #tpu.memory_space<hbm>>) dst(%arg5 : memref<512xi32, #tpu.memory_space<vmem>>)
      tpu.yield
    }) : () -> ()
    %dma_start3A_341 = arith.constant 20 : i32
    %dma_start3A_342 = arith.constant 0 : i32
    %dma_start3A_343 = arith.constant 0 : i32
    %dma_start3A_344 = tpu.memref_slice %arg2[%dma_start3A_341, %dma_start3A_342, %dma_start3A_343] : memref<26x100000x32xf32, #tpu.memory_space<hbm>> -> memref<1x100000x32xf32, #tpu.memory_space<hbm>>
    %dma_start3A_345 = tpu.memref_squeeze %dma_start3A_344 : memref<1x100000x32xf32, #tpu.memory_space<hbm>> -> memref<100000x32xf32, #tpu.memory_space<hbm>>
    %dma_start3A_346 = arith.constant 0 : i32
    %dma_start3A_347 = arith.constant 0 : i32
    %dma_start3A_348 = tpu.memref_slice %dma_start3A_345[%dma_start3A_346, %dma_start3A_347] : memref<100000x32xf32, #tpu.memory_space<hbm>> -> memref<100000x32xf32, #tpu.memory_space<hbm>>
    tpu.enqueue_indirect_dma source(%dma_start3A_348 : memref<100000x32xf32, #tpu.memory_space<hbm>>) target(%arg6 : memref<512x32xf32, #tpu.memory_space<vmem>>) offsets(%arg5 : memref<512xi32, #tpu.memory_space<vmem>>) semaphore(%arg7 : memref<!tpu.dma_semaphore, #tpu.memory_space<semaphore_mem>>)
    %dma_wait3A_349 = arith.constant 20 : i32
    %dma_wait3A_350 = arith.constant 0 : i32
    %dma_wait3A_351 = arith.constant 0 : i32
    %dma_wait3A_352 = tpu.memref_slice %arg2[%dma_wait3A_349, %dma_wait3A_350, %dma_wait3A_351] : memref<26x100000x32xf32, #tpu.memory_space<hbm>> -> memref<1x100000x32xf32, #tpu.memory_space<hbm>>
    %dma_wait3A_353 = tpu.memref_squeeze %dma_wait3A_352 : memref<1x100000x32xf32, #tpu.memory_space<hbm>> -> memref<100000x32xf32, #tpu.memory_space<hbm>>
    %dma_wait3A_354 = arith.constant 0 : i32
    %dma_wait3A_355 = arith.constant 0 : i32
    %dma_wait3A_356 = tpu.memref_slice %dma_wait3A_353[%dma_wait3A_354, %dma_wait3A_355] : memref<100000x32xf32, #tpu.memory_space<hbm>> -> memref<100000x32xf32, #tpu.memory_space<hbm>>
    tpu.wait_indirect_dma semaphore(%arg7 : memref<!tpu.dma_semaphore, #tpu.memory_space<semaphore_mem>>) src(%dma_wait3A_356 : memref<100000x32xf32, #tpu.memory_space<hbm>>) dst(%arg6 : memref<512x32xf32, #tpu.memory_space<vmem>>)
    "tpu.region"() ({
      %run_scoped3A_476 = tpu.sem_alloc : memref<!tpu.dma_semaphore, #tpu.memory_space<semaphore_mem>>
      %dma_start3A_477 = arith.constant 640 : i32
      %dma_start3A_478 = tpu.memref_slice %arg4[%mul3A_2, %dma_start3A_477] : memref<16384x896xf32, #tpu.memory_space<hbm>> -> memref<512x32xf32, #tpu.memory_space<hbm>>
      %dma_start3A_479 = arith.constant 640 : i32
      %dma_start3A_480 = tpu.memref_slice %arg4[%mul3A_2, %dma_start3A_479] : memref<16384x896xf32, #tpu.memory_space<hbm>> -> memref<512x32xf32, #tpu.memory_space<hbm>>
      tpu.enqueue_dma source(%arg6 : memref<512x32xf32, #tpu.memory_space<vmem>>) target(%dma_start3A_480 : memref<512x32xf32, #tpu.memory_space<hbm>>) target_semaphore(%run_scoped3A_476 : memref<!tpu.dma_semaphore, #tpu.memory_space<semaphore_mem>>)
      %dma_wait3A_481 = arith.constant 640 : i32
      %dma_wait3A_482 = tpu.memref_slice %arg4[%mul3A_2, %dma_wait3A_481] : memref<16384x896xf32, #tpu.memory_space<hbm>> -> memref<512x32xf32, #tpu.memory_space<hbm>>
      %dma_wait3A_483 = arith.constant 640 : i32
      %dma_wait3A_484 = tpu.memref_slice %arg4[%mul3A_2, %dma_wait3A_483] : memref<16384x896xf32, #tpu.memory_space<hbm>> -> memref<512x32xf32, #tpu.memory_space<hbm>>
      tpu.wait_dma2 semaphore(%run_scoped3A_476 : memref<!tpu.dma_semaphore, #tpu.memory_space<semaphore_mem>>) src(%arg6 : memref<512x32xf32, #tpu.memory_space<vmem>>) dst(%dma_wait3A_484 : memref<512x32xf32, #tpu.memory_space<hbm>>)
      tpu.yield
    }) : () -> ()
    %run_scoped3A_357 = arith.constant 21 : i32
    "tpu.region"() ({
      %run_scoped3A_476 = tpu.sem_alloc : memref<!tpu.dma_semaphore, #tpu.memory_space<semaphore_mem>>
      %dma_start3A_477 = tpu.memref_slice %arg3[%run_scoped3A_357, %mul3A_2] : memref<26x16384xi32, #tpu.memory_space<hbm>> -> memref<1x512xi32, #tpu.memory_space<hbm>>
      %dma_start3A_478 = tpu.memref_squeeze %dma_start3A_477 : memref<1x512xi32, #tpu.memory_space<hbm>> -> memref<512xi32, #tpu.memory_space<hbm>>
      %dma_start3A_479 = tpu.memref_slice %arg3[%run_scoped3A_357, %mul3A_2] : memref<26x16384xi32, #tpu.memory_space<hbm>> -> memref<1x512xi32, #tpu.memory_space<hbm>>
      %dma_start3A_480 = tpu.memref_squeeze %dma_start3A_479 : memref<1x512xi32, #tpu.memory_space<hbm>> -> memref<512xi32, #tpu.memory_space<hbm>>
      tpu.enqueue_dma source(%dma_start3A_480 : memref<512xi32, #tpu.memory_space<hbm>>) target(%arg5 : memref<512xi32, #tpu.memory_space<vmem>>) target_semaphore(%run_scoped3A_476 : memref<!tpu.dma_semaphore, #tpu.memory_space<semaphore_mem>>)
      %dma_wait3A_481 = tpu.memref_slice %arg3[%run_scoped3A_357, %mul3A_2] : memref<26x16384xi32, #tpu.memory_space<hbm>> -> memref<1x512xi32, #tpu.memory_space<hbm>>
      %dma_wait3A_482 = tpu.memref_squeeze %dma_wait3A_481 : memref<1x512xi32, #tpu.memory_space<hbm>> -> memref<512xi32, #tpu.memory_space<hbm>>
      %dma_wait3A_483 = tpu.memref_slice %arg3[%run_scoped3A_357, %mul3A_2] : memref<26x16384xi32, #tpu.memory_space<hbm>> -> memref<1x512xi32, #tpu.memory_space<hbm>>
      %dma_wait3A_484 = tpu.memref_squeeze %dma_wait3A_483 : memref<1x512xi32, #tpu.memory_space<hbm>> -> memref<512xi32, #tpu.memory_space<hbm>>
      tpu.wait_dma2 semaphore(%run_scoped3A_476 : memref<!tpu.dma_semaphore, #tpu.memory_space<semaphore_mem>>) src(%dma_wait3A_484 : memref<512xi32, #tpu.memory_space<hbm>>) dst(%arg5 : memref<512xi32, #tpu.memory_space<vmem>>)
      tpu.yield
    }) : () -> ()
    %dma_start3A_358 = arith.constant 21 : i32
    %dma_start3A_359 = arith.constant 0 : i32
    %dma_start3A_360 = arith.constant 0 : i32
    %dma_start3A_361 = tpu.memref_slice %arg2[%dma_start3A_358, %dma_start3A_359, %dma_start3A_360] : memref<26x100000x32xf32, #tpu.memory_space<hbm>> -> memref<1x100000x32xf32, #tpu.memory_space<hbm>>
    %dma_start3A_362 = tpu.memref_squeeze %dma_start3A_361 : memref<1x100000x32xf32, #tpu.memory_space<hbm>> -> memref<100000x32xf32, #tpu.memory_space<hbm>>
    %dma_start3A_363 = arith.constant 0 : i32
    %dma_start3A_364 = arith.constant 0 : i32
    %dma_start3A_365 = tpu.memref_slice %dma_start3A_362[%dma_start3A_363, %dma_start3A_364] : memref<100000x32xf32, #tpu.memory_space<hbm>> -> memref<100000x32xf32, #tpu.memory_space<hbm>>
    tpu.enqueue_indirect_dma source(%dma_start3A_365 : memref<100000x32xf32, #tpu.memory_space<hbm>>) target(%arg6 : memref<512x32xf32, #tpu.memory_space<vmem>>) offsets(%arg5 : memref<512xi32, #tpu.memory_space<vmem>>) semaphore(%arg7 : memref<!tpu.dma_semaphore, #tpu.memory_space<semaphore_mem>>)
    %dma_wait3A_366 = arith.constant 21 : i32
    %dma_wait3A_367 = arith.constant 0 : i32
    %dma_wait3A_368 = arith.constant 0 : i32
    %dma_wait3A_369 = tpu.memref_slice %arg2[%dma_wait3A_366, %dma_wait3A_367, %dma_wait3A_368] : memref<26x100000x32xf32, #tpu.memory_space<hbm>> -> memref<1x100000x32xf32, #tpu.memory_space<hbm>>
    %dma_wait3A_370 = tpu.memref_squeeze %dma_wait3A_369 : memref<1x100000x32xf32, #tpu.memory_space<hbm>> -> memref<100000x32xf32, #tpu.memory_space<hbm>>
    %dma_wait3A_371 = arith.constant 0 : i32
    %dma_wait3A_372 = arith.constant 0 : i32
    %dma_wait3A_373 = tpu.memref_slice %dma_wait3A_370[%dma_wait3A_371, %dma_wait3A_372] : memref<100000x32xf32, #tpu.memory_space<hbm>> -> memref<100000x32xf32, #tpu.memory_space<hbm>>
    tpu.wait_indirect_dma semaphore(%arg7 : memref<!tpu.dma_semaphore, #tpu.memory_space<semaphore_mem>>) src(%dma_wait3A_373 : memref<100000x32xf32, #tpu.memory_space<hbm>>) dst(%arg6 : memref<512x32xf32, #tpu.memory_space<vmem>>)
    "tpu.region"() ({
      %run_scoped3A_476 = tpu.sem_alloc : memref<!tpu.dma_semaphore, #tpu.memory_space<semaphore_mem>>
      %dma_start3A_477 = arith.constant 672 : i32
      %dma_start3A_478 = tpu.memref_slice %arg4[%mul3A_2, %dma_start3A_477] : memref<16384x896xf32, #tpu.memory_space<hbm>> -> memref<512x32xf32, #tpu.memory_space<hbm>>
      %dma_start3A_479 = arith.constant 672 : i32
      %dma_start3A_480 = tpu.memref_slice %arg4[%mul3A_2, %dma_start3A_479] : memref<16384x896xf32, #tpu.memory_space<hbm>> -> memref<512x32xf32, #tpu.memory_space<hbm>>
      tpu.enqueue_dma source(%arg6 : memref<512x32xf32, #tpu.memory_space<vmem>>) target(%dma_start3A_480 : memref<512x32xf32, #tpu.memory_space<hbm>>) target_semaphore(%run_scoped3A_476 : memref<!tpu.dma_semaphore, #tpu.memory_space<semaphore_mem>>)
      %dma_wait3A_481 = arith.constant 672 : i32
      %dma_wait3A_482 = tpu.memref_slice %arg4[%mul3A_2, %dma_wait3A_481] : memref<16384x896xf32, #tpu.memory_space<hbm>> -> memref<512x32xf32, #tpu.memory_space<hbm>>
      %dma_wait3A_483 = arith.constant 672 : i32
      %dma_wait3A_484 = tpu.memref_slice %arg4[%mul3A_2, %dma_wait3A_483] : memref<16384x896xf32, #tpu.memory_space<hbm>> -> memref<512x32xf32, #tpu.memory_space<hbm>>
      tpu.wait_dma2 semaphore(%run_scoped3A_476 : memref<!tpu.dma_semaphore, #tpu.memory_space<semaphore_mem>>) src(%arg6 : memref<512x32xf32, #tpu.memory_space<vmem>>) dst(%dma_wait3A_484 : memref<512x32xf32, #tpu.memory_space<hbm>>)
      tpu.yield
    }) : () -> ()
    %run_scoped3A_374 = arith.constant 22 : i32
    "tpu.region"() ({
      %run_scoped3A_476 = tpu.sem_alloc : memref<!tpu.dma_semaphore, #tpu.memory_space<semaphore_mem>>
      %dma_start3A_477 = tpu.memref_slice %arg3[%run_scoped3A_374, %mul3A_2] : memref<26x16384xi32, #tpu.memory_space<hbm>> -> memref<1x512xi32, #tpu.memory_space<hbm>>
      %dma_start3A_478 = tpu.memref_squeeze %dma_start3A_477 : memref<1x512xi32, #tpu.memory_space<hbm>> -> memref<512xi32, #tpu.memory_space<hbm>>
      %dma_start3A_479 = tpu.memref_slice %arg3[%run_scoped3A_374, %mul3A_2] : memref<26x16384xi32, #tpu.memory_space<hbm>> -> memref<1x512xi32, #tpu.memory_space<hbm>>
      %dma_start3A_480 = tpu.memref_squeeze %dma_start3A_479 : memref<1x512xi32, #tpu.memory_space<hbm>> -> memref<512xi32, #tpu.memory_space<hbm>>
      tpu.enqueue_dma source(%dma_start3A_480 : memref<512xi32, #tpu.memory_space<hbm>>) target(%arg5 : memref<512xi32, #tpu.memory_space<vmem>>) target_semaphore(%run_scoped3A_476 : memref<!tpu.dma_semaphore, #tpu.memory_space<semaphore_mem>>)
      %dma_wait3A_481 = tpu.memref_slice %arg3[%run_scoped3A_374, %mul3A_2] : memref<26x16384xi32, #tpu.memory_space<hbm>> -> memref<1x512xi32, #tpu.memory_space<hbm>>
      %dma_wait3A_482 = tpu.memref_squeeze %dma_wait3A_481 : memref<1x512xi32, #tpu.memory_space<hbm>> -> memref<512xi32, #tpu.memory_space<hbm>>
      %dma_wait3A_483 = tpu.memref_slice %arg3[%run_scoped3A_374, %mul3A_2] : memref<26x16384xi32, #tpu.memory_space<hbm>> -> memref<1x512xi32, #tpu.memory_space<hbm>>
      %dma_wait3A_484 = tpu.memref_squeeze %dma_wait3A_483 : memref<1x512xi32, #tpu.memory_space<hbm>> -> memref<512xi32, #tpu.memory_space<hbm>>
      tpu.wait_dma2 semaphore(%run_scoped3A_476 : memref<!tpu.dma_semaphore, #tpu.memory_space<semaphore_mem>>) src(%dma_wait3A_484 : memref<512xi32, #tpu.memory_space<hbm>>) dst(%arg5 : memref<512xi32, #tpu.memory_space<vmem>>)
      tpu.yield
    }) : () -> ()
    %dma_start3A_375 = arith.constant 22 : i32
    %dma_start3A_376 = arith.constant 0 : i32
    %dma_start3A_377 = arith.constant 0 : i32
    %dma_start3A_378 = tpu.memref_slice %arg2[%dma_start3A_375, %dma_start3A_376, %dma_start3A_377] : memref<26x100000x32xf32, #tpu.memory_space<hbm>> -> memref<1x100000x32xf32, #tpu.memory_space<hbm>>
    %dma_start3A_379 = tpu.memref_squeeze %dma_start3A_378 : memref<1x100000x32xf32, #tpu.memory_space<hbm>> -> memref<100000x32xf32, #tpu.memory_space<hbm>>
    %dma_start3A_380 = arith.constant 0 : i32
    %dma_start3A_381 = arith.constant 0 : i32
    %dma_start3A_382 = tpu.memref_slice %dma_start3A_379[%dma_start3A_380, %dma_start3A_381] : memref<100000x32xf32, #tpu.memory_space<hbm>> -> memref<100000x32xf32, #tpu.memory_space<hbm>>
    tpu.enqueue_indirect_dma source(%dma_start3A_382 : memref<100000x32xf32, #tpu.memory_space<hbm>>) target(%arg6 : memref<512x32xf32, #tpu.memory_space<vmem>>) offsets(%arg5 : memref<512xi32, #tpu.memory_space<vmem>>) semaphore(%arg7 : memref<!tpu.dma_semaphore, #tpu.memory_space<semaphore_mem>>)
    %dma_wait3A_383 = arith.constant 22 : i32
    %dma_wait3A_384 = arith.constant 0 : i32
    %dma_wait3A_385 = arith.constant 0 : i32
    %dma_wait3A_386 = tpu.memref_slice %arg2[%dma_wait3A_383, %dma_wait3A_384, %dma_wait3A_385] : memref<26x100000x32xf32, #tpu.memory_space<hbm>> -> memref<1x100000x32xf32, #tpu.memory_space<hbm>>
    %dma_wait3A_387 = tpu.memref_squeeze %dma_wait3A_386 : memref<1x100000x32xf32, #tpu.memory_space<hbm>> -> memref<100000x32xf32, #tpu.memory_space<hbm>>
    %dma_wait3A_388 = arith.constant 0 : i32
    %dma_wait3A_389 = arith.constant 0 : i32
    %dma_wait3A_390 = tpu.memref_slice %dma_wait3A_387[%dma_wait3A_388, %dma_wait3A_389] : memref<100000x32xf32, #tpu.memory_space<hbm>> -> memref<100000x32xf32, #tpu.memory_space<hbm>>
    tpu.wait_indirect_dma semaphore(%arg7 : memref<!tpu.dma_semaphore, #tpu.memory_space<semaphore_mem>>) src(%dma_wait3A_390 : memref<100000x32xf32, #tpu.memory_space<hbm>>) dst(%arg6 : memref<512x32xf32, #tpu.memory_space<vmem>>)
    "tpu.region"() ({
      %run_scoped3A_476 = tpu.sem_alloc : memref<!tpu.dma_semaphore, #tpu.memory_space<semaphore_mem>>
      %dma_start3A_477 = arith.constant 704 : i32
      %dma_start3A_478 = tpu.memref_slice %arg4[%mul3A_2, %dma_start3A_477] : memref<16384x896xf32, #tpu.memory_space<hbm>> -> memref<512x32xf32, #tpu.memory_space<hbm>>
      %dma_start3A_479 = arith.constant 704 : i32
      %dma_start3A_480 = tpu.memref_slice %arg4[%mul3A_2, %dma_start3A_479] : memref<16384x896xf32, #tpu.memory_space<hbm>> -> memref<512x32xf32, #tpu.memory_space<hbm>>
      tpu.enqueue_dma source(%arg6 : memref<512x32xf32, #tpu.memory_space<vmem>>) target(%dma_start3A_480 : memref<512x32xf32, #tpu.memory_space<hbm>>) target_semaphore(%run_scoped3A_476 : memref<!tpu.dma_semaphore, #tpu.memory_space<semaphore_mem>>)
      %dma_wait3A_481 = arith.constant 704 : i32
      %dma_wait3A_482 = tpu.memref_slice %arg4[%mul3A_2, %dma_wait3A_481] : memref<16384x896xf32, #tpu.memory_space<hbm>> -> memref<512x32xf32, #tpu.memory_space<hbm>>
      %dma_wait3A_483 = arith.constant 704 : i32
      %dma_wait3A_484 = tpu.memref_slice %arg4[%mul3A_2, %dma_wait3A_483] : memref<16384x896xf32, #tpu.memory_space<hbm>> -> memref<512x32xf32, #tpu.memory_space<hbm>>
      tpu.wait_dma2 semaphore(%run_scoped3A_476 : memref<!tpu.dma_semaphore, #tpu.memory_space<semaphore_mem>>) src(%arg6 : memref<512x32xf32, #tpu.memory_space<vmem>>) dst(%dma_wait3A_484 : memref<512x32xf32, #tpu.memory_space<hbm>>)
      tpu.yield
    }) : () -> ()
    %run_scoped3A_391 = arith.constant 23 : i32
    "tpu.region"() ({
      %run_scoped3A_476 = tpu.sem_alloc : memref<!tpu.dma_semaphore, #tpu.memory_space<semaphore_mem>>
      %dma_start3A_477 = tpu.memref_slice %arg3[%run_scoped3A_391, %mul3A_2] : memref<26x16384xi32, #tpu.memory_space<hbm>> -> memref<1x512xi32, #tpu.memory_space<hbm>>
      %dma_start3A_478 = tpu.memref_squeeze %dma_start3A_477 : memref<1x512xi32, #tpu.memory_space<hbm>> -> memref<512xi32, #tpu.memory_space<hbm>>
      %dma_start3A_479 = tpu.memref_slice %arg3[%run_scoped3A_391, %mul3A_2] : memref<26x16384xi32, #tpu.memory_space<hbm>> -> memref<1x512xi32, #tpu.memory_space<hbm>>
      %dma_start3A_480 = tpu.memref_squeeze %dma_start3A_479 : memref<1x512xi32, #tpu.memory_space<hbm>> -> memref<512xi32, #tpu.memory_space<hbm>>
      tpu.enqueue_dma source(%dma_start3A_480 : memref<512xi32, #tpu.memory_space<hbm>>) target(%arg5 : memref<512xi32, #tpu.memory_space<vmem>>) target_semaphore(%run_scoped3A_476 : memref<!tpu.dma_semaphore, #tpu.memory_space<semaphore_mem>>)
      %dma_wait3A_481 = tpu.memref_slice %arg3[%run_scoped3A_391, %mul3A_2] : memref<26x16384xi32, #tpu.memory_space<hbm>> -> memref<1x512xi32, #tpu.memory_space<hbm>>
      %dma_wait3A_482 = tpu.memref_squeeze %dma_wait3A_481 : memref<1x512xi32, #tpu.memory_space<hbm>> -> memref<512xi32, #tpu.memory_space<hbm>>
      %dma_wait3A_483 = tpu.memref_slice %arg3[%run_scoped3A_391, %mul3A_2] : memref<26x16384xi32, #tpu.memory_space<hbm>> -> memref<1x512xi32, #tpu.memory_space<hbm>>
      %dma_wait3A_484 = tpu.memref_squeeze %dma_wait3A_483 : memref<1x512xi32, #tpu.memory_space<hbm>> -> memref<512xi32, #tpu.memory_space<hbm>>
      tpu.wait_dma2 semaphore(%run_scoped3A_476 : memref<!tpu.dma_semaphore, #tpu.memory_space<semaphore_mem>>) src(%dma_wait3A_484 : memref<512xi32, #tpu.memory_space<hbm>>) dst(%arg5 : memref<512xi32, #tpu.memory_space<vmem>>)
      tpu.yield
    }) : () -> ()
    %dma_start3A_392 = arith.constant 23 : i32
    %dma_start3A_393 = arith.constant 0 : i32
    %dma_start3A_394 = arith.constant 0 : i32
    %dma_start3A_395 = tpu.memref_slice %arg2[%dma_start3A_392, %dma_start3A_393, %dma_start3A_394] : memref<26x100000x32xf32, #tpu.memory_space<hbm>> -> memref<1x100000x32xf32, #tpu.memory_space<hbm>>
    %dma_start3A_396 = tpu.memref_squeeze %dma_start3A_395 : memref<1x100000x32xf32, #tpu.memory_space<hbm>> -> memref<100000x32xf32, #tpu.memory_space<hbm>>
    %dma_start3A_397 = arith.constant 0 : i32
    %dma_start3A_398 = arith.constant 0 : i32
    %dma_start3A_399 = tpu.memref_slice %dma_start3A_396[%dma_start3A_397, %dma_start3A_398] : memref<100000x32xf32, #tpu.memory_space<hbm>> -> memref<100000x32xf32, #tpu.memory_space<hbm>>
    tpu.enqueue_indirect_dma source(%dma_start3A_399 : memref<100000x32xf32, #tpu.memory_space<hbm>>) target(%arg6 : memref<512x32xf32, #tpu.memory_space<vmem>>) offsets(%arg5 : memref<512xi32, #tpu.memory_space<vmem>>) semaphore(%arg7 : memref<!tpu.dma_semaphore, #tpu.memory_space<semaphore_mem>>)
    %dma_wait3A_400 = arith.constant 23 : i32
    %dma_wait3A_401 = arith.constant 0 : i32
    %dma_wait3A_402 = arith.constant 0 : i32
    %dma_wait3A_403 = tpu.memref_slice %arg2[%dma_wait3A_400, %dma_wait3A_401, %dma_wait3A_402] : memref<26x100000x32xf32, #tpu.memory_space<hbm>> -> memref<1x100000x32xf32, #tpu.memory_space<hbm>>
    %dma_wait3A_404 = tpu.memref_squeeze %dma_wait3A_403 : memref<1x100000x32xf32, #tpu.memory_space<hbm>> -> memref<100000x32xf32, #tpu.memory_space<hbm>>
    %dma_wait3A_405 = arith.constant 0 : i32
    %dma_wait3A_406 = arith.constant 0 : i32
    %dma_wait3A_407 = tpu.memref_slice %dma_wait3A_404[%dma_wait3A_405, %dma_wait3A_406] : memref<100000x32xf32, #tpu.memory_space<hbm>> -> memref<100000x32xf32, #tpu.memory_space<hbm>>
    tpu.wait_indirect_dma semaphore(%arg7 : memref<!tpu.dma_semaphore, #tpu.memory_space<semaphore_mem>>) src(%dma_wait3A_407 : memref<100000x32xf32, #tpu.memory_space<hbm>>) dst(%arg6 : memref<512x32xf32, #tpu.memory_space<vmem>>)
    "tpu.region"() ({
      %run_scoped3A_476 = tpu.sem_alloc : memref<!tpu.dma_semaphore, #tpu.memory_space<semaphore_mem>>
      %dma_start3A_477 = arith.constant 736 : i32
      %dma_start3A_478 = tpu.memref_slice %arg4[%mul3A_2, %dma_start3A_477] : memref<16384x896xf32, #tpu.memory_space<hbm>> -> memref<512x32xf32, #tpu.memory_space<hbm>>
      %dma_start3A_479 = arith.constant 736 : i32
      %dma_start3A_480 = tpu.memref_slice %arg4[%mul3A_2, %dma_start3A_479] : memref<16384x896xf32, #tpu.memory_space<hbm>> -> memref<512x32xf32, #tpu.memory_space<hbm>>
      tpu.enqueue_dma source(%arg6 : memref<512x32xf32, #tpu.memory_space<vmem>>) target(%dma_start3A_480 : memref<512x32xf32, #tpu.memory_space<hbm>>) target_semaphore(%run_scoped3A_476 : memref<!tpu.dma_semaphore, #tpu.memory_space<semaphore_mem>>)
      %dma_wait3A_481 = arith.constant 736 : i32
      %dma_wait3A_482 = tpu.memref_slice %arg4[%mul3A_2, %dma_wait3A_481] : memref<16384x896xf32, #tpu.memory_space<hbm>> -> memref<512x32xf32, #tpu.memory_space<hbm>>
      %dma_wait3A_483 = arith.constant 736 : i32
      %dma_wait3A_484 = tpu.memref_slice %arg4[%mul3A_2, %dma_wait3A_483] : memref<16384x896xf32, #tpu.memory_space<hbm>> -> memref<512x32xf32, #tpu.memory_space<hbm>>
      tpu.wait_dma2 semaphore(%run_scoped3A_476 : memref<!tpu.dma_semaphore, #tpu.memory_space<semaphore_mem>>) src(%arg6 : memref<512x32xf32, #tpu.memory_space<vmem>>) dst(%dma_wait3A_484 : memref<512x32xf32, #tpu.memory_space<hbm>>)
      tpu.yield
    }) : () -> ()
    %run_scoped3A_408 = arith.constant 24 : i32
    "tpu.region"() ({
      %run_scoped3A_476 = tpu.sem_alloc : memref<!tpu.dma_semaphore, #tpu.memory_space<semaphore_mem>>
      %dma_start3A_477 = tpu.memref_slice %arg3[%run_scoped3A_408, %mul3A_2] : memref<26x16384xi32, #tpu.memory_space<hbm>> -> memref<1x512xi32, #tpu.memory_space<hbm>>
      %dma_start3A_478 = tpu.memref_squeeze %dma_start3A_477 : memref<1x512xi32, #tpu.memory_space<hbm>> -> memref<512xi32, #tpu.memory_space<hbm>>
      %dma_start3A_479 = tpu.memref_slice %arg3[%run_scoped3A_408, %mul3A_2] : memref<26x16384xi32, #tpu.memory_space<hbm>> -> memref<1x512xi32, #tpu.memory_space<hbm>>
      %dma_start3A_480 = tpu.memref_squeeze %dma_start3A_479 : memref<1x512xi32, #tpu.memory_space<hbm>> -> memref<512xi32, #tpu.memory_space<hbm>>
      tpu.enqueue_dma source(%dma_start3A_480 : memref<512xi32, #tpu.memory_space<hbm>>) target(%arg5 : memref<512xi32, #tpu.memory_space<vmem>>) target_semaphore(%run_scoped3A_476 : memref<!tpu.dma_semaphore, #tpu.memory_space<semaphore_mem>>)
      %dma_wait3A_481 = tpu.memref_slice %arg3[%run_scoped3A_408, %mul3A_2] : memref<26x16384xi32, #tpu.memory_space<hbm>> -> memref<1x512xi32, #tpu.memory_space<hbm>>
      %dma_wait3A_482 = tpu.memref_squeeze %dma_wait3A_481 : memref<1x512xi32, #tpu.memory_space<hbm>> -> memref<512xi32, #tpu.memory_space<hbm>>
      %dma_wait3A_483 = tpu.memref_slice %arg3[%run_scoped3A_408, %mul3A_2] : memref<26x16384xi32, #tpu.memory_space<hbm>> -> memref<1x512xi32, #tpu.memory_space<hbm>>
      %dma_wait3A_484 = tpu.memref_squeeze %dma_wait3A_483 : memref<1x512xi32, #tpu.memory_space<hbm>> -> memref<512xi32, #tpu.memory_space<hbm>>
      tpu.wait_dma2 semaphore(%run_scoped3A_476 : memref<!tpu.dma_semaphore, #tpu.memory_space<semaphore_mem>>) src(%dma_wait3A_484 : memref<512xi32, #tpu.memory_space<hbm>>) dst(%arg5 : memref<512xi32, #tpu.memory_space<vmem>>)
      tpu.yield
    }) : () -> ()
    %dma_start3A_409 = arith.constant 24 : i32
    %dma_start3A_410 = arith.constant 0 : i32
    %dma_start3A_411 = arith.constant 0 : i32
    %dma_start3A_412 = tpu.memref_slice %arg2[%dma_start3A_409, %dma_start3A_410, %dma_start3A_411] : memref<26x100000x32xf32, #tpu.memory_space<hbm>> -> memref<1x100000x32xf32, #tpu.memory_space<hbm>>
    %dma_start3A_413 = tpu.memref_squeeze %dma_start3A_412 : memref<1x100000x32xf32, #tpu.memory_space<hbm>> -> memref<100000x32xf32, #tpu.memory_space<hbm>>
    %dma_start3A_414 = arith.constant 0 : i32
    %dma_start3A_415 = arith.constant 0 : i32
    %dma_start3A_416 = tpu.memref_slice %dma_start3A_413[%dma_start3A_414, %dma_start3A_415] : memref<100000x32xf32, #tpu.memory_space<hbm>> -> memref<100000x32xf32, #tpu.memory_space<hbm>>
    tpu.enqueue_indirect_dma source(%dma_start3A_416 : memref<100000x32xf32, #tpu.memory_space<hbm>>) target(%arg6 : memref<512x32xf32, #tpu.memory_space<vmem>>) offsets(%arg5 : memref<512xi32, #tpu.memory_space<vmem>>) semaphore(%arg7 : memref<!tpu.dma_semaphore, #tpu.memory_space<semaphore_mem>>)
    %dma_wait3A_417 = arith.constant 24 : i32
    %dma_wait3A_418 = arith.constant 0 : i32
    %dma_wait3A_419 = arith.constant 0 : i32
    %dma_wait3A_420 = tpu.memref_slice %arg2[%dma_wait3A_417, %dma_wait3A_418, %dma_wait3A_419] : memref<26x100000x32xf32, #tpu.memory_space<hbm>> -> memref<1x100000x32xf32, #tpu.memory_space<hbm>>
    %dma_wait3A_421 = tpu.memref_squeeze %dma_wait3A_420 : memref<1x100000x32xf32, #tpu.memory_space<hbm>> -> memref<100000x32xf32, #tpu.memory_space<hbm>>
    %dma_wait3A_422 = arith.constant 0 : i32
    %dma_wait3A_423 = arith.constant 0 : i32
    %dma_wait3A_424 = tpu.memref_slice %dma_wait3A_421[%dma_wait3A_422, %dma_wait3A_423] : memref<100000x32xf32, #tpu.memory_space<hbm>> -> memref<100000x32xf32, #tpu.memory_space<hbm>>
    tpu.wait_indirect_dma semaphore(%arg7 : memref<!tpu.dma_semaphore, #tpu.memory_space<semaphore_mem>>) src(%dma_wait3A_424 : memref<100000x32xf32, #tpu.memory_space<hbm>>) dst(%arg6 : memref<512x32xf32, #tpu.memory_space<vmem>>)
    "tpu.region"() ({
      %run_scoped3A_476 = tpu.sem_alloc : memref<!tpu.dma_semaphore, #tpu.memory_space<semaphore_mem>>
      %dma_start3A_477 = arith.constant 768 : i32
      %dma_start3A_478 = tpu.memref_slice %arg4[%mul3A_2, %dma_start3A_477] : memref<16384x896xf32, #tpu.memory_space<hbm>> -> memref<512x32xf32, #tpu.memory_space<hbm>>
      %dma_start3A_479 = arith.constant 768 : i32
      %dma_start3A_480 = tpu.memref_slice %arg4[%mul3A_2, %dma_start3A_479] : memref<16384x896xf32, #tpu.memory_space<hbm>> -> memref<512x32xf32, #tpu.memory_space<hbm>>
      tpu.enqueue_dma source(%arg6 : memref<512x32xf32, #tpu.memory_space<vmem>>) target(%dma_start3A_480 : memref<512x32xf32, #tpu.memory_space<hbm>>) target_semaphore(%run_scoped3A_476 : memref<!tpu.dma_semaphore, #tpu.memory_space<semaphore_mem>>)
      %dma_wait3A_481 = arith.constant 768 : i32
      %dma_wait3A_482 = tpu.memref_slice %arg4[%mul3A_2, %dma_wait3A_481] : memref<16384x896xf32, #tpu.memory_space<hbm>> -> memref<512x32xf32, #tpu.memory_space<hbm>>
      %dma_wait3A_483 = arith.constant 768 : i32
      %dma_wait3A_484 = tpu.memref_slice %arg4[%mul3A_2, %dma_wait3A_483] : memref<16384x896xf32, #tpu.memory_space<hbm>> -> memref<512x32xf32, #tpu.memory_space<hbm>>
      tpu.wait_dma2 semaphore(%run_scoped3A_476 : memref<!tpu.dma_semaphore, #tpu.memory_space<semaphore_mem>>) src(%arg6 : memref<512x32xf32, #tpu.memory_space<vmem>>) dst(%dma_wait3A_484 : memref<512x32xf32, #tpu.memory_space<hbm>>)
      tpu.yield
    }) : () -> ()
    %run_scoped3A_425 = arith.constant 25 : i32
    "tpu.region"() ({
      %run_scoped3A_476 = tpu.sem_alloc : memref<!tpu.dma_semaphore, #tpu.memory_space<semaphore_mem>>
      %dma_start3A_477 = tpu.memref_slice %arg3[%run_scoped3A_425, %mul3A_2] : memref<26x16384xi32, #tpu.memory_space<hbm>> -> memref<1x512xi32, #tpu.memory_space<hbm>>
      %dma_start3A_478 = tpu.memref_squeeze %dma_start3A_477 : memref<1x512xi32, #tpu.memory_space<hbm>> -> memref<512xi32, #tpu.memory_space<hbm>>
      %dma_start3A_479 = tpu.memref_slice %arg3[%run_scoped3A_425, %mul3A_2] : memref<26x16384xi32, #tpu.memory_space<hbm>> -> memref<1x512xi32, #tpu.memory_space<hbm>>
      %dma_start3A_480 = tpu.memref_squeeze %dma_start3A_479 : memref<1x512xi32, #tpu.memory_space<hbm>> -> memref<512xi32, #tpu.memory_space<hbm>>
      tpu.enqueue_dma source(%dma_start3A_480 : memref<512xi32, #tpu.memory_space<hbm>>) target(%arg5 : memref<512xi32, #tpu.memory_space<vmem>>) target_semaphore(%run_scoped3A_476 : memref<!tpu.dma_semaphore, #tpu.memory_space<semaphore_mem>>)
      %dma_wait3A_481 = tpu.memref_slice %arg3[%run_scoped3A_425, %mul3A_2] : memref<26x16384xi32, #tpu.memory_space<hbm>> -> memref<1x512xi32, #tpu.memory_space<hbm>>
      %dma_wait3A_482 = tpu.memref_squeeze %dma_wait3A_481 : memref<1x512xi32, #tpu.memory_space<hbm>> -> memref<512xi32, #tpu.memory_space<hbm>>
      %dma_wait3A_483 = tpu.memref_slice %arg3[%run_scoped3A_425, %mul3A_2] : memref<26x16384xi32, #tpu.memory_space<hbm>> -> memref<1x512xi32, #tpu.memory_space<hbm>>
      %dma_wait3A_484 = tpu.memref_squeeze %dma_wait3A_483 : memref<1x512xi32, #tpu.memory_space<hbm>> -> memref<512xi32, #tpu.memory_space<hbm>>
      tpu.wait_dma2 semaphore(%run_scoped3A_476 : memref<!tpu.dma_semaphore, #tpu.memory_space<semaphore_mem>>) src(%dma_wait3A_484 : memref<512xi32, #tpu.memory_space<hbm>>) dst(%arg5 : memref<512xi32, #tpu.memory_space<vmem>>)
      tpu.yield
    }) : () -> ()
    %dma_start3A_426 = arith.constant 25 : i32
    %dma_start3A_427 = arith.constant 0 : i32
    %dma_start3A_428 = arith.constant 0 : i32
    %dma_start3A_429 = tpu.memref_slice %arg2[%dma_start3A_426, %dma_start3A_427, %dma_start3A_428] : memref<26x100000x32xf32, #tpu.memory_space<hbm>> -> memref<1x100000x32xf32, #tpu.memory_space<hbm>>
    %dma_start3A_430 = tpu.memref_squeeze %dma_start3A_429 : memref<1x100000x32xf32, #tpu.memory_space<hbm>> -> memref<100000x32xf32, #tpu.memory_space<hbm>>
    %dma_start3A_431 = arith.constant 0 : i32
    %dma_start3A_432 = arith.constant 0 : i32
    %dma_start3A_433 = tpu.memref_slice %dma_start3A_430[%dma_start3A_431, %dma_start3A_432] : memref<100000x32xf32, #tpu.memory_space<hbm>> -> memref<100000x32xf32, #tpu.memory_space<hbm>>
    tpu.enqueue_indirect_dma source(%dma_start3A_433 : memref<100000x32xf32, #tpu.memory_space<hbm>>) target(%arg6 : memref<512x32xf32, #tpu.memory_space<vmem>>) offsets(%arg5 : memref<512xi32, #tpu.memory_space<vmem>>) semaphore(%arg7 : memref<!tpu.dma_semaphore, #tpu.memory_space<semaphore_mem>>)
    %dma_wait3A_434 = arith.constant 25 : i32
    %dma_wait3A_435 = arith.constant 0 : i32
    %dma_wait3A_436 = arith.constant 0 : i32
    %dma_wait3A_437 = tpu.memref_slice %arg2[%dma_wait3A_434, %dma_wait3A_435, %dma_wait3A_436] : memref<26x100000x32xf32, #tpu.memory_space<hbm>> -> memref<1x100000x32xf32, #tpu.memory_space<hbm>>
    %dma_wait3A_438 = tpu.memref_squeeze %dma_wait3A_437 : memref<1x100000x32xf32, #tpu.memory_space<hbm>> -> memref<100000x32xf32, #tpu.memory_space<hbm>>
    %dma_wait3A_439 = arith.constant 0 : i32
    %dma_wait3A_440 = arith.constant 0 : i32
    %dma_wait3A_441 = tpu.memref_slice %dma_wait3A_438[%dma_wait3A_439, %dma_wait3A_440] : memref<100000x32xf32, #tpu.memory_space<hbm>> -> memref<100000x32xf32, #tpu.memory_space<hbm>>
    tpu.wait_indirect_dma semaphore(%arg7 : memref<!tpu.dma_semaphore, #tpu.memory_space<semaphore_mem>>) src(%dma_wait3A_441 : memref<100000x32xf32, #tpu.memory_space<hbm>>) dst(%arg6 : memref<512x32xf32, #tpu.memory_space<vmem>>)
    "tpu.region"() ({
      %run_scoped3A_476 = tpu.sem_alloc : memref<!tpu.dma_semaphore, #tpu.memory_space<semaphore_mem>>
      %dma_start3A_477 = arith.constant 800 : i32
      %dma_start3A_478 = tpu.memref_slice %arg4[%mul3A_2, %dma_start3A_477] : memref<16384x896xf32, #tpu.memory_space<hbm>> -> memref<512x32xf32, #tpu.memory_space<hbm>>
      %dma_start3A_479 = arith.constant 800 : i32
      %dma_start3A_480 = tpu.memref_slice %arg4[%mul3A_2, %dma_start3A_479] : memref<16384x896xf32, #tpu.memory_space<hbm>> -> memref<512x32xf32, #tpu.memory_space<hbm>>
      tpu.enqueue_dma source(%arg6 : memref<512x32xf32, #tpu.memory_space<vmem>>) target(%dma_start3A_480 : memref<512x32xf32, #tpu.memory_space<hbm>>) target_semaphore(%run_scoped3A_476 : memref<!tpu.dma_semaphore, #tpu.memory_space<semaphore_mem>>)
      %dma_wait3A_481 = arith.constant 800 : i32
      %dma_wait3A_482 = tpu.memref_slice %arg4[%mul3A_2, %dma_wait3A_481] : memref<16384x896xf32, #tpu.memory_space<hbm>> -> memref<512x32xf32, #tpu.memory_space<hbm>>
      %dma_wait3A_483 = arith.constant 800 : i32
      %dma_wait3A_484 = tpu.memref_slice %arg4[%mul3A_2, %dma_wait3A_483] : memref<16384x896xf32, #tpu.memory_space<hbm>> -> memref<512x32xf32, #tpu.memory_space<hbm>>
      tpu.wait_dma2 semaphore(%run_scoped3A_476 : memref<!tpu.dma_semaphore, #tpu.memory_space<semaphore_mem>>) src(%arg6 : memref<512x32xf32, #tpu.memory_space<vmem>>) dst(%dma_wait3A_484 : memref<512x32xf32, #tpu.memory_space<hbm>>)
      tpu.yield
    }) : () -> ()
    %run_scoped3A_442 = arith.constant 0 : i32
    "tpu.region"() ({
      %run_scoped3A_476 = tpu.sem_alloc : memref<!tpu.dma_semaphore, #tpu.memory_space<semaphore_mem>>
      %dma_start3A_477 = tpu.memref_slice %arg3[%run_scoped3A_442, %mul3A_2] : memref<26x16384xi32, #tpu.memory_space<hbm>> -> memref<1x512xi32, #tpu.memory_space<hbm>>
      %dma_start3A_478 = tpu.memref_squeeze %dma_start3A_477 : memref<1x512xi32, #tpu.memory_space<hbm>> -> memref<512xi32, #tpu.memory_space<hbm>>
      %dma_start3A_479 = tpu.memref_slice %arg3[%run_scoped3A_442, %mul3A_2] : memref<26x16384xi32, #tpu.memory_space<hbm>> -> memref<1x512xi32, #tpu.memory_space<hbm>>
      %dma_start3A_480 = tpu.memref_squeeze %dma_start3A_479 : memref<1x512xi32, #tpu.memory_space<hbm>> -> memref<512xi32, #tpu.memory_space<hbm>>
      tpu.enqueue_dma source(%dma_start3A_480 : memref<512xi32, #tpu.memory_space<hbm>>) target(%arg5 : memref<512xi32, #tpu.memory_space<vmem>>) target_semaphore(%run_scoped3A_476 : memref<!tpu.dma_semaphore, #tpu.memory_space<semaphore_mem>>)
      %dma_wait3A_481 = tpu.memref_slice %arg3[%run_scoped3A_442, %mul3A_2] : memref<26x16384xi32, #tpu.memory_space<hbm>> -> memref<1x512xi32, #tpu.memory_space<hbm>>
      %dma_wait3A_482 = tpu.memref_squeeze %dma_wait3A_481 : memref<1x512xi32, #tpu.memory_space<hbm>> -> memref<512xi32, #tpu.memory_space<hbm>>
      %dma_wait3A_483 = tpu.memref_slice %arg3[%run_scoped3A_442, %mul3A_2] : memref<26x16384xi32, #tpu.memory_space<hbm>> -> memref<1x512xi32, #tpu.memory_space<hbm>>
      %dma_wait3A_484 = tpu.memref_squeeze %dma_wait3A_483 : memref<1x512xi32, #tpu.memory_space<hbm>> -> memref<512xi32, #tpu.memory_space<hbm>>
      tpu.wait_dma2 semaphore(%run_scoped3A_476 : memref<!tpu.dma_semaphore, #tpu.memory_space<semaphore_mem>>) src(%dma_wait3A_484 : memref<512xi32, #tpu.memory_space<hbm>>) dst(%arg5 : memref<512xi32, #tpu.memory_space<vmem>>)
      tpu.yield
    }) : () -> ()
    %dma_start3A_443 = arith.constant 0 : i32
    %dma_start3A_444 = arith.constant 0 : i32
    %dma_start3A_445 = arith.constant 0 : i32
    %dma_start3A_446 = tpu.memref_slice %arg2[%dma_start3A_443, %dma_start3A_444, %dma_start3A_445] : memref<26x100000x32xf32, #tpu.memory_space<hbm>> -> memref<1x100000x32xf32, #tpu.memory_space<hbm>>
    %dma_start3A_447 = tpu.memref_squeeze %dma_start3A_446 : memref<1x100000x32xf32, #tpu.memory_space<hbm>> -> memref<100000x32xf32, #tpu.memory_space<hbm>>
    %dma_start3A_448 = arith.constant 0 : i32
    %dma_start3A_449 = arith.constant 0 : i32
    %dma_start3A_450 = tpu.memref_slice %dma_start3A_447[%dma_start3A_448, %dma_start3A_449] : memref<100000x32xf32, #tpu.memory_space<hbm>> -> memref<100000x32xf32, #tpu.memory_space<hbm>>
    tpu.enqueue_indirect_dma source(%dma_start3A_450 : memref<100000x32xf32, #tpu.memory_space<hbm>>) target(%arg6 : memref<512x32xf32, #tpu.memory_space<vmem>>) offsets(%arg5 : memref<512xi32, #tpu.memory_space<vmem>>) semaphore(%arg7 : memref<!tpu.dma_semaphore, #tpu.memory_space<semaphore_mem>>)
    %dma_wait3A_451 = arith.constant 0 : i32
    %dma_wait3A_452 = arith.constant 0 : i32
    %dma_wait3A_453 = arith.constant 0 : i32
    %dma_wait3A_454 = tpu.memref_slice %arg2[%dma_wait3A_451, %dma_wait3A_452, %dma_wait3A_453] : memref<26x100000x32xf32, #tpu.memory_space<hbm>> -> memref<1x100000x32xf32, #tpu.memory_space<hbm>>
    %dma_wait3A_455 = tpu.memref_squeeze %dma_wait3A_454 : memref<1x100000x32xf32, #tpu.memory_space<hbm>> -> memref<100000x32xf32, #tpu.memory_space<hbm>>
    %dma_wait3A_456 = arith.constant 0 : i32
    %dma_wait3A_457 = arith.constant 0 : i32
    %dma_wait3A_458 = tpu.memref_slice %dma_wait3A_455[%dma_wait3A_456, %dma_wait3A_457] : memref<100000x32xf32, #tpu.memory_space<hbm>> -> memref<100000x32xf32, #tpu.memory_space<hbm>>
    tpu.wait_indirect_dma semaphore(%arg7 : memref<!tpu.dma_semaphore, #tpu.memory_space<semaphore_mem>>) src(%dma_wait3A_458 : memref<100000x32xf32, #tpu.memory_space<hbm>>) dst(%arg6 : memref<512x32xf32, #tpu.memory_space<vmem>>)
    "tpu.region"() ({
      %run_scoped3A_476 = tpu.sem_alloc : memref<!tpu.dma_semaphore, #tpu.memory_space<semaphore_mem>>
      %dma_start3A_477 = arith.constant 832 : i32
      %dma_start3A_478 = tpu.memref_slice %arg4[%mul3A_2, %dma_start3A_477] : memref<16384x896xf32, #tpu.memory_space<hbm>> -> memref<512x32xf32, #tpu.memory_space<hbm>>
      %dma_start3A_479 = arith.constant 832 : i32
      %dma_start3A_480 = tpu.memref_slice %arg4[%mul3A_2, %dma_start3A_479] : memref<16384x896xf32, #tpu.memory_space<hbm>> -> memref<512x32xf32, #tpu.memory_space<hbm>>
      tpu.enqueue_dma source(%arg6 : memref<512x32xf32, #tpu.memory_space<vmem>>) target(%dma_start3A_480 : memref<512x32xf32, #tpu.memory_space<hbm>>) target_semaphore(%run_scoped3A_476 : memref<!tpu.dma_semaphore, #tpu.memory_space<semaphore_mem>>)
      %dma_wait3A_481 = arith.constant 832 : i32
      %dma_wait3A_482 = tpu.memref_slice %arg4[%mul3A_2, %dma_wait3A_481] : memref<16384x896xf32, #tpu.memory_space<hbm>> -> memref<512x32xf32, #tpu.memory_space<hbm>>
      %dma_wait3A_483 = arith.constant 832 : i32
      %dma_wait3A_484 = tpu.memref_slice %arg4[%mul3A_2, %dma_wait3A_483] : memref<16384x896xf32, #tpu.memory_space<hbm>> -> memref<512x32xf32, #tpu.memory_space<hbm>>
      tpu.wait_dma2 semaphore(%run_scoped3A_476 : memref<!tpu.dma_semaphore, #tpu.memory_space<semaphore_mem>>) src(%arg6 : memref<512x32xf32, #tpu.memory_space<vmem>>) dst(%dma_wait3A_484 : memref<512x32xf32, #tpu.memory_space<hbm>>)
      tpu.yield
    }) : () -> ()
    %run_scoped3A_459 = arith.constant 0 : i32
    "tpu.region"() ({
      %run_scoped3A_476 = tpu.sem_alloc : memref<!tpu.dma_semaphore, #tpu.memory_space<semaphore_mem>>
      %dma_start3A_477 = tpu.memref_slice %arg3[%run_scoped3A_459, %mul3A_2] : memref<26x16384xi32, #tpu.memory_space<hbm>> -> memref<1x512xi32, #tpu.memory_space<hbm>>
      %dma_start3A_478 = tpu.memref_squeeze %dma_start3A_477 : memref<1x512xi32, #tpu.memory_space<hbm>> -> memref<512xi32, #tpu.memory_space<hbm>>
      %dma_start3A_479 = tpu.memref_slice %arg3[%run_scoped3A_459, %mul3A_2] : memref<26x16384xi32, #tpu.memory_space<hbm>> -> memref<1x512xi32, #tpu.memory_space<hbm>>
      %dma_start3A_480 = tpu.memref_squeeze %dma_start3A_479 : memref<1x512xi32, #tpu.memory_space<hbm>> -> memref<512xi32, #tpu.memory_space<hbm>>
      tpu.enqueue_dma source(%dma_start3A_480 : memref<512xi32, #tpu.memory_space<hbm>>) target(%arg5 : memref<512xi32, #tpu.memory_space<vmem>>) target_semaphore(%run_scoped3A_476 : memref<!tpu.dma_semaphore, #tpu.memory_space<semaphore_mem>>)
      %dma_wait3A_481 = tpu.memref_slice %arg3[%run_scoped3A_459, %mul3A_2] : memref<26x16384xi32, #tpu.memory_space<hbm>> -> memref<1x512xi32, #tpu.memory_space<hbm>>
      %dma_wait3A_482 = tpu.memref_squeeze %dma_wait3A_481 : memref<1x512xi32, #tpu.memory_space<hbm>> -> memref<512xi32, #tpu.memory_space<hbm>>
      %dma_wait3A_483 = tpu.memref_slice %arg3[%run_scoped3A_459, %mul3A_2] : memref<26x16384xi32, #tpu.memory_space<hbm>> -> memref<1x512xi32, #tpu.memory_space<hbm>>
      %dma_wait3A_484 = tpu.memref_squeeze %dma_wait3A_483 : memref<1x512xi32, #tpu.memory_space<hbm>> -> memref<512xi32, #tpu.memory_space<hbm>>
      tpu.wait_dma2 semaphore(%run_scoped3A_476 : memref<!tpu.dma_semaphore, #tpu.memory_space<semaphore_mem>>) src(%dma_wait3A_484 : memref<512xi32, #tpu.memory_space<hbm>>) dst(%arg5 : memref<512xi32, #tpu.memory_space<vmem>>)
      tpu.yield
    }) : () -> ()
    %dma_start3A_460 = arith.constant 0 : i32
    %dma_start3A_461 = arith.constant 0 : i32
    %dma_start3A_462 = arith.constant 0 : i32
    %dma_start3A_463 = tpu.memref_slice %arg2[%dma_start3A_460, %dma_start3A_461, %dma_start3A_462] : memref<26x100000x32xf32, #tpu.memory_space<hbm>> -> memref<1x100000x32xf32, #tpu.memory_space<hbm>>
    %dma_start3A_464 = tpu.memref_squeeze %dma_start3A_463 : memref<1x100000x32xf32, #tpu.memory_space<hbm>> -> memref<100000x32xf32, #tpu.memory_space<hbm>>
    %dma_start3A_465 = arith.constant 0 : i32
    %dma_start3A_466 = arith.constant 0 : i32
    %dma_start3A_467 = tpu.memref_slice %dma_start3A_464[%dma_start3A_465, %dma_start3A_466] : memref<100000x32xf32, #tpu.memory_space<hbm>> -> memref<100000x32xf32, #tpu.memory_space<hbm>>
    tpu.enqueue_indirect_dma source(%dma_start3A_467 : memref<100000x32xf32, #tpu.memory_space<hbm>>) target(%arg6 : memref<512x32xf32, #tpu.memory_space<vmem>>) offsets(%arg5 : memref<512xi32, #tpu.memory_space<vmem>>) semaphore(%arg7 : memref<!tpu.dma_semaphore, #tpu.memory_space<semaphore_mem>>)
    %dma_wait3A_468 = arith.constant 0 : i32
    %dma_wait3A_469 = arith.constant 0 : i32
    %dma_wait3A_470 = arith.constant 0 : i32
    %dma_wait3A_471 = tpu.memref_slice %arg2[%dma_wait3A_468, %dma_wait3A_469, %dma_wait3A_470] : memref<26x100000x32xf32, #tpu.memory_space<hbm>> -> memref<1x100000x32xf32, #tpu.memory_space<hbm>>
    %dma_wait3A_472 = tpu.memref_squeeze %dma_wait3A_471 : memref<1x100000x32xf32, #tpu.memory_space<hbm>> -> memref<100000x32xf32, #tpu.memory_space<hbm>>
    %dma_wait3A_473 = arith.constant 0 : i32
    %dma_wait3A_474 = arith.constant 0 : i32
    %dma_wait3A_475 = tpu.memref_slice %dma_wait3A_472[%dma_wait3A_473, %dma_wait3A_474] : memref<100000x32xf32, #tpu.memory_space<hbm>> -> memref<100000x32xf32, #tpu.memory_space<hbm>>
    tpu.wait_indirect_dma semaphore(%arg7 : memref<!tpu.dma_semaphore, #tpu.memory_space<semaphore_mem>>) src(%dma_wait3A_475 : memref<100000x32xf32, #tpu.memory_space<hbm>>) dst(%arg6 : memref<512x32xf32, #tpu.memory_space<vmem>>)
    "tpu.region"() ({
      %run_scoped3A_476 = tpu.sem_alloc : memref<!tpu.dma_semaphore, #tpu.memory_space<semaphore_mem>>
      %dma_start3A_477 = arith.constant 864 : i32
      %dma_start3A_478 = tpu.memref_slice %arg4[%mul3A_2, %dma_start3A_477] : memref<16384x896xf32, #tpu.memory_space<hbm>> -> memref<512x32xf32, #tpu.memory_space<hbm>>
      %dma_start3A_479 = arith.constant 864 : i32
      %dma_start3A_480 = tpu.memref_slice %arg4[%mul3A_2, %dma_start3A_479] : memref<16384x896xf32, #tpu.memory_space<hbm>> -> memref<512x32xf32, #tpu.memory_space<hbm>>
      tpu.enqueue_dma source(%arg6 : memref<512x32xf32, #tpu.memory_space<vmem>>) target(%dma_start3A_480 : memref<512x32xf32, #tpu.memory_space<hbm>>) target_semaphore(%run_scoped3A_476 : memref<!tpu.dma_semaphore, #tpu.memory_space<semaphore_mem>>)
      %dma_wait3A_481 = arith.constant 864 : i32
      %dma_wait3A_482 = tpu.memref_slice %arg4[%mul3A_2, %dma_wait3A_481] : memref<16384x896xf32, #tpu.memory_space<hbm>> -> memref<512x32xf32, #tpu.memory_space<hbm>>
      %dma_wait3A_483 = arith.constant 864 : i32
      %dma_wait3A_484 = tpu.memref_slice %arg4[%mul3A_2, %dma_wait3A_483] : memref<16384x896xf32, #tpu.memory_space<hbm>> -> memref<512x32xf32, #tpu.memory_space<hbm>>
      tpu.wait_dma2 semaphore(%run_scoped3A_476 : memref<!tpu.dma_semaphore, #tpu.memory_space<semaphore_mem>>) src(%arg6 : memref<512x32xf32, #tpu.memory_space<vmem>>) dst(%dma_wait3A_484 : memref<512x32xf32, #tpu.memory_space<hbm>>)
      tpu.yield
    }) : () -> ()
    return
  }
}

module attributes {stable_mosaic.version = 14 : i64} {
  func.func @_num_tower_body(%arg0: memref<16384x13xf32, #tpu.memory_space<vmem>>, %arg1: memref<13x128xf32, #tpu.memory_space<vmem>>, %arg2: memref<1x128xf32, #tpu.memory_space<vmem>>, %arg3: memref<128x128xf32, #tpu.memory_space<vmem>>, %arg4: memref<1x128xf32, #tpu.memory_space<vmem>>, %arg5: memref<1x13xf32, #tpu.memory_space<vmem>>, %arg6: memref<1x13xf32, #tpu.memory_space<vmem>>, %arg7: memref<1x128xf32, #tpu.memory_space<vmem>>, %arg8: memref<1x128xf32, #tpu.memory_space<vmem>>, %arg9: memref<1x128xf32, #tpu.memory_space<vmem>>, %arg10: memref<1x128xf32, #tpu.memory_space<vmem>>, %arg11: memref<16384x128xf32, #tpu.memory_space<vmem>>) attributes {dimension_semantics = [], scalar_prefetch = 0 : i64, scratch_operands = 0 : i64, tpu.core_type = #tpu.core_type<tc>} {
    %get3A = arith.constant 0 : index
    %get3A_0 = arith.constant 0 : index
    %get3A_1 = vector.load %arg0[%get3A, %get3A_0] : memref<16384x13xf32, #tpu.memory_space<vmem>>, vector<16384x13xf32>
    %reduce_sum3A = arith.constant dense<0.000000e+00> : vector<13xf32>
    %reduce_sum3A_2 = vector.multi_reduction <add>, %get3A_1, %reduce_sum3A [0] : vector<16384x13xf32> to vector<13xf32>
    %broadcast_in_dim3A = vector.shape_cast %reduce_sum3A_2 : vector<13xf32> to vector<1x13xf32>
    %div3A = arith.constant 1.638400e+04 : f32
    %div3A_3 = vector.broadcast %div3A : f32 to vector<1x13xf32>
    %div3A_4 = arith.divf %broadcast_in_dim3A, %div3A_3 : vector<1x13xf32>
    %sub3A = vector.broadcast %div3A_4 : vector<1x13xf32> to vector<16384x13xf32>
    %sub3A_5 = arith.subf %get3A_1, %sub3A : vector<16384x13xf32>
    %integer_pow3A = arith.mulf %sub3A_5, %sub3A_5 : vector<16384x13xf32>
    %reduce_sum3A_6 = arith.constant dense<0.000000e+00> : vector<13xf32>
    %reduce_sum3A_7 = vector.multi_reduction <add>, %integer_pow3A, %reduce_sum3A_6 [0] : vector<16384x13xf32> to vector<13xf32>
    %broadcast_in_dim3A_8 = vector.shape_cast %reduce_sum3A_7 : vector<13xf32> to vector<1x13xf32>
    %div3A_9 = arith.constant 1.638400e+04 : f32
    %div3A_10 = vector.broadcast %div3A_9 : f32 to vector<1x13xf32>
    %div3A_11 = arith.divf %broadcast_in_dim3A_8, %div3A_10 : vector<1x13xf32>
    %get3A_12 = arith.constant 0 : index
    %get3A_13 = arith.constant 0 : index
    %get3A_14 = vector.load %arg5[%get3A_12, %get3A_13] : memref<1x13xf32, #tpu.memory_space<vmem>>, vector<1x13xf32>
    %sub3A_15 = vector.broadcast %div3A_4 : vector<1x13xf32> to vector<16384x13xf32>
    %sub3A_16 = arith.subf %get3A_1, %sub3A_15 : vector<16384x13xf32>
    %mul3A = vector.broadcast %get3A_14 : vector<1x13xf32> to vector<16384x13xf32>
    %mul3A_17 = arith.mulf %mul3A, %sub3A_16 : vector<16384x13xf32>
    %add3A = arith.constant 9.99999974E-6 : f32
    %add3A_18 = vector.broadcast %add3A : f32 to vector<1x13xf32>
    %add3A_19 = arith.addf %div3A_11, %add3A_18 : vector<1x13xf32>
    %sqrt3A = math.sqrt %add3A_19 : vector<1x13xf32>
    %div3A_20 = vector.broadcast %sqrt3A : vector<1x13xf32> to vector<16384x13xf32>
    %div3A_21 = arith.divf %mul3A_17, %div3A_20 : vector<16384x13xf32>
    %get3A_22 = arith.constant 0 : index
    %get3A_23 = arith.constant 0 : index
    %get3A_24 = vector.load %arg6[%get3A_22, %get3A_23] : memref<1x13xf32, #tpu.memory_space<vmem>>, vector<1x13xf32>
    %add3A_25 = vector.broadcast %get3A_24 : vector<1x13xf32> to vector<16384x13xf32>
    %add3A_26 = arith.addf %div3A_21, %add3A_25 : vector<16384x13xf32>
    %get3A_27 = arith.constant 0 : index
    %get3A_28 = arith.constant 0 : index
    %get3A_29 = vector.load %arg1[%get3A_27, %get3A_28] : memref<13x128xf32, #tpu.memory_space<vmem>>, vector<13x128xf32>
    %dot_general3A = arith.constant dense<0.000000e+00> : vector<16384x128xf32>
    %dot_general3A_30 = tpu.matmul %add3A_26, %get3A_29, %dot_general3A {dimension_numbers = #tpu.dot_dimension_numbers<[1], [0], [0], [1], [0, 0, 1, 1], [], []>, transpose_lhs_hint = false} : vector<16384x13xf32>, vector<13x128xf32>, vector<16384x128xf32> -> vector<16384x128xf32>
    %get3A_31 = arith.constant 0 : index
    %get3A_32 = arith.constant 0 : index
    %get3A_33 = vector.load %arg2[%get3A_31, %get3A_32] : memref<1x128xf32, #tpu.memory_space<vmem>>, vector<1x128xf32>
    %add3A_34 = vector.broadcast %get3A_33 : vector<1x128xf32> to vector<16384x128xf32>
    %add3A_35 = arith.addf %dot_general3A_30, %add3A_34 : vector<16384x128xf32>
    %reduce_sum3A_36 = arith.constant dense<0.000000e+00> : vector<128xf32>
    %reduce_sum3A_37 = vector.multi_reduction <add>, %add3A_35, %reduce_sum3A_36 [0] : vector<16384x128xf32> to vector<128xf32>
    %broadcast_in_dim3A_38 = vector.shape_cast %reduce_sum3A_37 : vector<128xf32> to vector<1x128xf32>
    %div3A_39 = arith.constant 1.638400e+04 : f32
    %div3A_40 = vector.broadcast %div3A_39 : f32 to vector<1x128xf32>
    %div3A_41 = arith.divf %broadcast_in_dim3A_38, %div3A_40 : vector<1x128xf32>
    %sub3A_42 = vector.broadcast %div3A_41 : vector<1x128xf32> to vector<16384x128xf32>
    %sub3A_43 = arith.subf %add3A_35, %sub3A_42 : vector<16384x128xf32>
    %integer_pow3A_44 = arith.mulf %sub3A_43, %sub3A_43 : vector<16384x128xf32>
    %reduce_sum3A_45 = arith.constant dense<0.000000e+00> : vector<128xf32>
    %reduce_sum3A_46 = vector.multi_reduction <add>, %integer_pow3A_44, %reduce_sum3A_45 [0] : vector<16384x128xf32> to vector<128xf32>
    %broadcast_in_dim3A_47 = vector.shape_cast %reduce_sum3A_46 : vector<128xf32> to vector<1x128xf32>
    %div3A_48 = arith.constant 1.638400e+04 : f32
    %div3A_49 = vector.broadcast %div3A_48 : f32 to vector<1x128xf32>
    %div3A_50 = arith.divf %broadcast_in_dim3A_47, %div3A_49 : vector<1x128xf32>
    %get3A_51 = arith.constant 0 : index
    %get3A_52 = arith.constant 0 : index
    %get3A_53 = vector.load %arg7[%get3A_51, %get3A_52] : memref<1x128xf32, #tpu.memory_space<vmem>>, vector<1x128xf32>
    %sub3A_54 = vector.broadcast %div3A_41 : vector<1x128xf32> to vector<16384x128xf32>
    %sub3A_55 = arith.subf %add3A_35, %sub3A_54 : vector<16384x128xf32>
    %mul3A_56 = vector.broadcast %get3A_53 : vector<1x128xf32> to vector<16384x128xf32>
    %mul3A_57 = arith.mulf %mul3A_56, %sub3A_55 : vector<16384x128xf32>
    %add3A_58 = arith.constant 9.99999974E-6 : f32
    %add3A_59 = vector.broadcast %add3A_58 : f32 to vector<1x128xf32>
    %add3A_60 = arith.addf %div3A_50, %add3A_59 : vector<1x128xf32>
    %sqrt3A_61 = math.sqrt %add3A_60 : vector<1x128xf32>
    %div3A_62 = vector.broadcast %sqrt3A_61 : vector<1x128xf32> to vector<16384x128xf32>
    %div3A_63 = arith.divf %mul3A_57, %div3A_62 : vector<16384x128xf32>
    %get3A_64 = arith.constant 0 : index
    %get3A_65 = arith.constant 0 : index
    %get3A_66 = vector.load %arg8[%get3A_64, %get3A_65] : memref<1x128xf32, #tpu.memory_space<vmem>>, vector<1x128xf32>
    %add3A_67 = vector.broadcast %get3A_66 : vector<1x128xf32> to vector<16384x128xf32>
    %add3A_68 = arith.addf %div3A_63, %add3A_67 : vector<16384x128xf32>
    %ge3A = arith.constant 0.000000e+00 : f32
    %ge3A_69 = vector.broadcast %ge3A : f32 to vector<16384x128xf32>
    %ge3A_70 = arith.cmpf oge, %add3A_68, %ge3A_69 : vector<16384x128xf32>
    %mul3A_71 = arith.constant 0.00999999977 : f32
    %mul3A_72 = vector.broadcast %mul3A_71 : f32 to vector<16384x128xf32>
    %mul3A_73 = arith.mulf %mul3A_72, %add3A_68 : vector<16384x128xf32>
    %select_n3A = arith.select %ge3A_70, %add3A_68, %mul3A_73 : vector<16384x128xi1>, vector<16384x128xf32>
    %get3A_74 = arith.constant 0 : index
    %get3A_75 = arith.constant 0 : index
    %get3A_76 = vector.load %arg3[%get3A_74, %get3A_75] : memref<128x128xf32, #tpu.memory_space<vmem>>, vector<128x128xf32>
    %dot_general3A_77 = arith.constant dense<0.000000e+00> : vector<16384x128xf32>
    %dot_general3A_78 = tpu.matmul %select_n3A, %get3A_76, %dot_general3A_77 {dimension_numbers = #tpu.dot_dimension_numbers<[1], [0], [0], [1], [0, 0, 1, 1], [], []>, transpose_lhs_hint = false} : vector<16384x128xf32>, vector<128x128xf32>, vector<16384x128xf32> -> vector<16384x128xf32>
    %get3A_79 = arith.constant 0 : index
    %get3A_80 = arith.constant 0 : index
    %get3A_81 = vector.load %arg4[%get3A_79, %get3A_80] : memref<1x128xf32, #tpu.memory_space<vmem>>, vector<1x128xf32>
    %add3A_82 = vector.broadcast %get3A_81 : vector<1x128xf32> to vector<16384x128xf32>
    %add3A_83 = arith.addf %dot_general3A_78, %add3A_82 : vector<16384x128xf32>
    %reduce_sum3A_84 = arith.constant dense<0.000000e+00> : vector<128xf32>
    %reduce_sum3A_85 = vector.multi_reduction <add>, %add3A_83, %reduce_sum3A_84 [0] : vector<16384x128xf32> to vector<128xf32>
    %broadcast_in_dim3A_86 = vector.shape_cast %reduce_sum3A_85 : vector<128xf32> to vector<1x128xf32>
    %div3A_87 = arith.constant 1.638400e+04 : f32
    %div3A_88 = vector.broadcast %div3A_87 : f32 to vector<1x128xf32>
    %div3A_89 = arith.divf %broadcast_in_dim3A_86, %div3A_88 : vector<1x128xf32>
    %sub3A_90 = vector.broadcast %div3A_89 : vector<1x128xf32> to vector<16384x128xf32>
    %sub3A_91 = arith.subf %add3A_83, %sub3A_90 : vector<16384x128xf32>
    %integer_pow3A_92 = arith.mulf %sub3A_91, %sub3A_91 : vector<16384x128xf32>
    %reduce_sum3A_93 = arith.constant dense<0.000000e+00> : vector<128xf32>
    %reduce_sum3A_94 = vector.multi_reduction <add>, %integer_pow3A_92, %reduce_sum3A_93 [0] : vector<16384x128xf32> to vector<128xf32>
    %broadcast_in_dim3A_95 = vector.shape_cast %reduce_sum3A_94 : vector<128xf32> to vector<1x128xf32>
    %div3A_96 = arith.constant 1.638400e+04 : f32
    %div3A_97 = vector.broadcast %div3A_96 : f32 to vector<1x128xf32>
    %div3A_98 = arith.divf %broadcast_in_dim3A_95, %div3A_97 : vector<1x128xf32>
    %get3A_99 = arith.constant 0 : index
    %get3A_100 = arith.constant 0 : index
    %get3A_101 = vector.load %arg9[%get3A_99, %get3A_100] : memref<1x128xf32, #tpu.memory_space<vmem>>, vector<1x128xf32>
    %sub3A_102 = vector.broadcast %div3A_89 : vector<1x128xf32> to vector<16384x128xf32>
    %sub3A_103 = arith.subf %add3A_83, %sub3A_102 : vector<16384x128xf32>
    %mul3A_104 = vector.broadcast %get3A_101 : vector<1x128xf32> to vector<16384x128xf32>
    %mul3A_105 = arith.mulf %mul3A_104, %sub3A_103 : vector<16384x128xf32>
    %add3A_106 = arith.constant 9.99999974E-6 : f32
    %add3A_107 = vector.broadcast %add3A_106 : f32 to vector<1x128xf32>
    %add3A_108 = arith.addf %div3A_98, %add3A_107 : vector<1x128xf32>
    %sqrt3A_109 = math.sqrt %add3A_108 : vector<1x128xf32>
    %div3A_110 = vector.broadcast %sqrt3A_109 : vector<1x128xf32> to vector<16384x128xf32>
    %div3A_111 = arith.divf %mul3A_105, %div3A_110 : vector<16384x128xf32>
    %get3A_112 = arith.constant 0 : index
    %get3A_113 = arith.constant 0 : index
    %get3A_114 = vector.load %arg10[%get3A_112, %get3A_113] : memref<1x128xf32, #tpu.memory_space<vmem>>, vector<1x128xf32>
    %add3A_115 = vector.broadcast %get3A_114 : vector<1x128xf32> to vector<16384x128xf32>
    %add3A_116 = arith.addf %div3A_111, %add3A_115 : vector<16384x128xf32>
    %ge3A_117 = arith.constant 0.000000e+00 : f32
    %ge3A_118 = vector.broadcast %ge3A_117 : f32 to vector<16384x128xf32>
    %ge3A_119 = arith.cmpf oge, %add3A_116, %ge3A_118 : vector<16384x128xf32>
    %mul3A_120 = arith.constant 0.00999999977 : f32
    %mul3A_121 = vector.broadcast %mul3A_120 : f32 to vector<16384x128xf32>
    %mul3A_122 = arith.mulf %mul3A_121, %add3A_116 : vector<16384x128xf32>
    %select_n3A_123 = arith.select %ge3A_119, %add3A_116, %mul3A_122 : vector<16384x128xi1>, vector<16384x128xf32>
    %swap3A = arith.constant 0 : index
    %swap3A_124 = arith.constant 0 : index
    %swap3A_125 = vector.load %arg11[%swap3A, %swap3A_124] : memref<16384x128xf32, #tpu.memory_space<vmem>>, vector<16384x128xf32>
    tpu.vector_store %arg11[%swap3A, %swap3A_124], %select_n3A_123 {strides = array<i32>} : memref<16384x128xf32, #tpu.memory_space<vmem>>, vector<16384x128xf32>,
    return
  }
}

module attributes {stable_mosaic.version = 14 : i64} {
  func.func @_mid_body(%arg0: i32, %arg1: memref<1024x896xf32, #tpu.memory_space<vmem>>, %arg2: memref<1024x128xf32, #tpu.memory_space<vmem>>, %arg3: memref<896x128xf32, #tpu.memory_space<vmem>>, %arg4: memref<1x128xf32, #tpu.memory_space<vmem>>, %arg5: memref<1x128xf32, #tpu.memory_space<vmem>>, %arg6: memref<1x128xf32, #tpu.memory_space<vmem>>, %arg7: memref<256x256xf32, #tpu.memory_space<vmem>>, %arg8: memref<1x256xf32, #tpu.memory_space<vmem>>, %arg9: memref<1024x256xf32, #tpu.memory_space<vmem>>, %arg10: memref<2x256xf32, #tpu.memory_space<vmem>>) attributes {dimension_semantics = [#tpu.dimension_semantics<arbitrary>], iteration_bounds = array<i64: 16>, scalar_prefetch = 0 : i64, scratch_operands = 0 : i64, tpu.core_type = #tpu.core_type<tc>, window_params = [{transform_indices = @transform_0, window_bounds = array<i64: 1024, 896>}, {transform_indices = @transform_1, window_bounds = array<i64: 1024, 128>}, {pipeline_mode = #tpu.pipeline_mode<synchronous>, transform_indices = @transform_2, window_bounds = array<i64: 896, 128>}, {pipeline_mode = #tpu.pipeline_mode<synchronous>, transform_indices = @transform_3, window_bounds = array<i64: 1, 128>}, {pipeline_mode = #tpu.pipeline_mode<synchronous>, transform_indices = @transform_4, window_bounds = array<i64: 1, 128>}, {pipeline_mode = #tpu.pipeline_mode<synchronous>, transform_indices = @transform_5, window_bounds = array<i64: 1, 128>}, {pipeline_mode = #tpu.pipeline_mode<synchronous>, transform_indices = @transform_6, window_bounds = array<i64: 256, 256>}, {pipeline_mode = #tpu.pipeline_mode<synchronous>, transform_indices = @transform_7, window_bounds = array<i64: 1, 256>}, {transform_indices = @transform_8, window_bounds = array<i64: 1024, 256>}, {pipeline_mode = #tpu.pipeline_mode<synchronous>, transform_indices = @transform_9, window_bounds = array<i64: 2, 256>}]} {
    %get3A = arith.constant 0 : index
    %get3A_0 = arith.constant 0 : index
    %get3A_1 = vector.load %arg1[%get3A, %get3A_0] : memref<1024x896xf32, #tpu.memory_space<vmem>>, vector<1024x896xf32>
    %get3A_2 = arith.constant 0 : index
    %get3A_3 = arith.constant 0 : index
    %get3A_4 = vector.load %arg3[%get3A_2, %get3A_3] : memref<896x128xf32, #tpu.memory_space<vmem>>, vector<896x128xf32>
    %dot_general3A = arith.constant dense<0.000000e+00> : vector<1024x128xf32>
    %dot_general3A_5 = tpu.matmul %get3A_1, %get3A_4, %dot_general3A {dimension_numbers = #tpu.dot_dimension_numbers<[1], [0], [0], [1], [0, 0, 1, 1], [], []>, transpose_lhs_hint = false} : vector<1024x896xf32>, vector<896x128xf32>, vector<1024x128xf32> -> vector<1024x128xf32>
    %get3A_6 = arith.constant 0 : index
    %get3A_7 = arith.constant 0 : index
    %get3A_8 = vector.load %arg4[%get3A_6, %get3A_7] : memref<1x128xf32, #tpu.memory_space<vmem>>, vector<1x128xf32>
    %add3A = vector.broadcast %get3A_8 : vector<1x128xf32> to vector<1024x128xf32>
    %add3A_9 = arith.addf %dot_general3A_5, %add3A : vector<1024x128xf32>
    %reduce_sum3A = arith.constant dense<0.000000e+00> : vector<1024xf32>
    %reduce_sum3A_10 = vector.multi_reduction <add>, %add3A_9, %reduce_sum3A [1] : vector<1024x128xf32> to vector<1024xf32>
    %broadcast_in_dim3A = vector.shape_cast %reduce_sum3A_10 : vector<1024xf32> to vector<1024x1xf32>
    %div3A = arith.constant 1.280000e+02 : f32
    %div3A_11 = vector.broadcast %div3A : f32 to vector<1024x1xf32>
    %div3A_12 = arith.divf %broadcast_in_dim3A, %div3A_11 : vector<1024x1xf32>
    %sub3A = vector.broadcast %div3A_12 : vector<1024x1xf32> to vector<1024x128xf32>
    %sub3A_13 = arith.subf %add3A_9, %sub3A : vector<1024x128xf32>
    %integer_pow3A = arith.mulf %sub3A_13, %sub3A_13 : vector<1024x128xf32>
    %reduce_sum3A_14 = arith.constant dense<0.000000e+00> : vector<1024xf32>
    %reduce_sum3A_15 = vector.multi_reduction <add>, %integer_pow3A, %reduce_sum3A_14 [1] : vector<1024x128xf32> to vector<1024xf32>
    %broadcast_in_dim3A_16 = vector.shape_cast %reduce_sum3A_15 : vector<1024xf32> to vector<1024x1xf32>
    %div3A_17 = arith.constant 1.280000e+02 : f32
    %div3A_18 = vector.broadcast %div3A_17 : f32 to vector<1024x1xf32>
    %div3A_19 = arith.divf %broadcast_in_dim3A_16, %div3A_18 : vector<1024x1xf32>
    %get3A_20 = arith.constant 0 : index
    %get3A_21 = arith.constant 0 : index
    %get3A_22 = vector.load %arg5[%get3A_20, %get3A_21] : memref<1x128xf32, #tpu.memory_space<vmem>>, vector<1x128xf32>
    %sub3A_23 = vector.broadcast %div3A_12 : vector<1024x1xf32> to vector<1024x128xf32>
    %sub3A_24 = arith.subf %add3A_9, %sub3A_23 : vector<1024x128xf32>
    %mul3A = vector.broadcast %get3A_22 : vector<1x128xf32> to vector<1024x128xf32>
    %mul3A_25 = arith.mulf %mul3A, %sub3A_24 : vector<1024x128xf32>
    %add3A_26 = arith.constant 9.99999974E-6 : f32
    %add3A_27 = vector.broadcast %add3A_26 : f32 to vector<1024x1xf32>
    %add3A_28 = arith.addf %div3A_19, %add3A_27 : vector<1024x1xf32>
    %sqrt3A = math.sqrt %add3A_28 : vector<1024x1xf32>
    %div3A_29 = vector.broadcast %sqrt3A : vector<1024x1xf32> to vector<1024x128xf32>
    %div3A_30 = arith.divf %mul3A_25, %div3A_29 : vector<1024x128xf32>
    %get3A_31 = arith.constant 0 : index
    %get3A_32 = arith.constant 0 : index
    %get3A_33 = vector.load %arg6[%get3A_31, %get3A_32] : memref<1x128xf32, #tpu.memory_space<vmem>>, vector<1x128xf32>
    %add3A_34 = vector.broadcast %get3A_33 : vector<1x128xf32> to vector<1024x128xf32>
    %add3A_35 = arith.addf %div3A_30, %add3A_34 : vector<1024x128xf32>
    %get3A_36 = arith.constant 0 : index
    %get3A_37 = arith.constant 0 : index
    %get3A_38 = vector.load %arg2[%get3A_36, %get3A_37] : memref<1024x128xf32, #tpu.memory_space<vmem>>, vector<1024x128xf32>
    %get3A_39 = arith.constant 0 : index
    %get3A_40 = arith.constant 0 : index
    %get3A_41 = vector.load %arg7[%get3A_39, %get3A_40] : memref<256x256xf32, #tpu.memory_space<vmem>>, vector<128x256xf32>
    %dot_general3A_42 = arith.constant dense<0.000000e+00> : vector<1024x256xf32>
    %dot_general3A_43 = tpu.matmul %get3A_38, %get3A_41, %dot_general3A_42 {dimension_numbers = #tpu.dot_dimension_numbers<[1], [0], [0], [1], [0, 0, 1, 1], [], []>, transpose_lhs_hint = false} : vector<1024x128xf32>, vector<128x256xf32>, vector<1024x256xf32> -> vector<1024x256xf32>
    %get3A_44 = arith.constant 128 : index
    %get3A_45 = arith.constant 0 : index
    %get3A_46 = vector.load %arg7[%get3A_44, %get3A_45] : memref<256x256xf32, #tpu.memory_space<vmem>>, vector<128x256xf32>
    %dot_general3A_47 = arith.constant dense<0.000000e+00> : vector<1024x256xf32>
    %dot_general3A_48 = tpu.matmul %add3A_35, %get3A_46, %dot_general3A_47 {dimension_numbers = #tpu.dot_dimension_numbers<[1], [0], [0], [1], [0, 0, 1, 1], [], []>, transpose_lhs_hint = false} : vector<1024x128xf32>, vector<128x256xf32>, vector<1024x256xf32> -> vector<1024x256xf32>
    %add3A_49 = arith.addf %dot_general3A_43, %dot_general3A_48 : vector<1024x256xf32>
    %get3A_50 = arith.constant 0 : index
    %get3A_51 = arith.constant 0 : index
    %get3A_52 = vector.load %arg8[%get3A_50, %get3A_51] : memref<1x256xf32, #tpu.memory_space<vmem>>, vector<1x256xf32>
    %add3A_53 = vector.broadcast %get3A_52 : vector<1x256xf32> to vector<1024x256xf32>
    %add3A_54 = arith.addf %add3A_49, %add3A_53 : vector<1024x256xf32>
    %swap3A = arith.constant 0 : index
    %swap3A_55 = arith.constant 0 : index
    %swap3A_56 = vector.load %arg9[%swap3A, %swap3A_55] : memref<1024x256xf32, #tpu.memory_space<vmem>>, vector<1024x256xf32>
    tpu.vector_store %arg9[%swap3A, %swap3A_55], %add3A_54 {strides = array<i32>} : memref<1024x256xf32, #tpu.memory_space<vmem>>, vector<1024x256xf32>,
    %reduce_sum3A_57 = arith.constant dense<0.000000e+00> : vector<256xf32>
    %reduce_sum3A_58 = vector.multi_reduction <add>, %add3A_54, %reduce_sum3A_57 [0] : vector<1024x256xf32> to vector<256xf32>
    %broadcast_in_dim3A_59 = vector.shape_cast %reduce_sum3A_58 : vector<256xf32> to vector<1x256xf32>
    %mul3A_60 = arith.mulf %add3A_54, %add3A_54 : vector<1024x256xf32>
    %reduce_sum3A_61 = arith.constant dense<0.000000e+00> : vector<256xf32>
    %reduce_sum3A_62 = vector.multi_reduction <add>, %mul3A_60, %reduce_sum3A_61 [0] : vector<1024x256xf32> to vector<256xf32>
    %broadcast_in_dim3A_63 = vector.shape_cast %reduce_sum3A_62 : vector<256xf32> to vector<1x256xf32>
    %concatenate3A = tpu.concatenate %broadcast_in_dim3A_59, %broadcast_in_dim3A_63 in 0 : vector<1x256xf32>, vector<1x256xf32> -> vector<2x256xf32>
    %eq3A = arith.constant 0 : i32
    %eq3A_64 = arith.cmpi eq, %arg0, %eq3A : i32
    %convert_element_type3A = arith.extui %eq3A_64 : i1 to i32
    %cond3A = arith.constant 0 : i32
    %cond3A_65 = arith.cmpi ne, %convert_element_type3A, %cond3A : i32
    scf.if %cond3A_65 {
      %swap3A_70 = arith.constant 0 : index
      %swap3A_71 = arith.constant 0 : index
      %swap3A_72 = vector.load %arg10[%swap3A_70, %swap3A_71] : memref<2x256xf32, #tpu.memory_space<vmem>>, vector<2x256xf32>
      tpu.vector_store %arg10[%swap3A_70, %swap3A_71], %concatenate3A {strides = array<i32>} : memref<2x256xf32, #tpu.memory_space<vmem>>, vector<2x256xf32>,
    } else {
    }
    %gt3A = arith.constant 0 : i32
    %gt3A_66 = arith.cmpi sgt, %arg0, %gt3A : i32
    %convert_element_type3A_67 = arith.extui %gt3A_66 : i1 to i32
    %cond3A_68 = arith.constant 0 : i32
    %cond3A_69 = arith.cmpi ne, %convert_element_type3A_67, %cond3A_68 : i32
    scf.if %cond3A_69 {
      %get3A_70 = arith.constant 0 : index
      %get3A_71 = arith.constant 0 : index
      %get3A_72 = vector.load %arg10[%get3A_70, %get3A_71] : memref<2x256xf32, #tpu.memory_space<vmem>>, vector<2x256xf32>
      %add3A_73 = arith.addf %get3A_72, %concatenate3A : vector<2x256xf32>
      %swap3A_74 = arith.constant 0 : index
      %swap3A_75 = arith.constant 0 : index
      %swap3A_76 = vector.load %arg10[%swap3A_74, %swap3A_75] : memref<2x256xf32, #tpu.memory_space<vmem>>, vector<2x256xf32>
      tpu.vector_store %arg10[%swap3A_74, %swap3A_75], %add3A_73 {strides = array<i32>} : memref<2x256xf32, #tpu.memory_space<vmem>>, vector<2x256xf32>,
    } else {
    }
    return
  }
  func.func @transform_0(%arg0: i32) -> (i32, i32) {
    %c0_i32 = arith.constant 0 : i32
    %c0_i32_0 = arith.constant 0 : i32
    return %arg0, %c0_i32 : i32, i32
  }
  func.func @transform_1(%arg0: i32) -> (i32, i32) {
    %c0_i32 = arith.constant 0 : i32
    %c0_i32_0 = arith.constant 0 : i32
    return %arg0, %c0_i32 : i32, i32
  }
  func.func @transform_2(%arg0: i32) -> (i32, i32) {
    %c0_i32 = arith.constant 0 : i32
    %c0_i32_0 = arith.constant 0 : i32
    %c0_i32_1 = arith.constant 0 : i32
    return %c0_i32, %c0_i32_0 : i32, i32
  }
  func.func @transform_3(%arg0: i32) -> (i32, i32) {
    %c0_i32 = arith.constant 0 : i32
    %c0_i32_0 = arith.constant 0 : i32
    %c0_i32_1 = arith.constant 0 : i32
    return %c0_i32, %c0_i32_0 : i32, i32
  }
  func.func @transform_4(%arg0: i32) -> (i32, i32) {
    %c0_i32 = arith.constant 0 : i32
    %c0_i32_0 = arith.constant 0 : i32
    %c0_i32_1 = arith.constant 0 : i32
    return %c0_i32, %c0_i32_0 : i32, i32
  }
  func.func @transform_5(%arg0: i32) -> (i32, i32) {
    %c0_i32 = arith.constant 0 : i32
    %c0_i32_0 = arith.constant 0 : i32
    %c0_i32_1 = arith.constant 0 : i32
    return %c0_i32, %c0_i32_0 : i32, i32
  }
  func.func @transform_6(%arg0: i32) -> (i32, i32) {
    %c0_i32 = arith.constant 0 : i32
    %c0_i32_0 = arith.constant 0 : i32
    %c0_i32_1 = arith.constant 0 : i32
    return %c0_i32, %c0_i32_0 : i32, i32
  }
  func.func @transform_7(%arg0: i32) -> (i32, i32) {
    %c0_i32 = arith.constant 0 : i32
    %c0_i32_0 = arith.constant 0 : i32
    %c0_i32_1 = arith.constant 0 : i32
    return %c0_i32, %c0_i32_0 : i32, i32
  }
  func.func @transform_8(%arg0: i32) -> (i32, i32) {
    %c0_i32 = arith.constant 0 : i32
    %c0_i32_0 = arith.constant 0 : i32
    return %arg0, %c0_i32 : i32, i32
  }
  func.func @transform_9(%arg0: i32) -> (i32, i32) {
    %c0_i32 = arith.constant 0 : i32
    %c0_i32_0 = arith.constant 0 : i32
    %c0_i32_1 = arith.constant 0 : i32
    return %c0_i32, %c0_i32_0 : i32, i32
  }
}

module attributes {stable_mosaic.version = 14 : i64} {
  func.func @_head_body(%arg0: i32, %arg1: memref<1024x256xf32, #tpu.memory_space<vmem>>, %arg2: memref<2x256xf32, #tpu.memory_space<vmem>>, %arg3: memref<256x64xf32, #tpu.memory_space<vmem>>, %arg4: memref<1x64xf32, #tpu.memory_space<vmem>>, %arg5: memref<1x256xf32, #tpu.memory_space<vmem>>, %arg6: memref<1x256xf32, #tpu.memory_space<vmem>>, %arg7: memref<1024x64xf32, #tpu.memory_space<vmem>>) attributes {dimension_semantics = [#tpu.dimension_semantics<arbitrary>], iteration_bounds = array<i64: 16>, scalar_prefetch = 0 : i64, scratch_operands = 0 : i64, tpu.core_type = #tpu.core_type<tc>, window_params = [{transform_indices = @transform_0, window_bounds = array<i64: 1024, 256>}, {pipeline_mode = #tpu.pipeline_mode<synchronous>, transform_indices = @transform_1, window_bounds = array<i64: 2, 256>}, {pipeline_mode = #tpu.pipeline_mode<synchronous>, transform_indices = @transform_2, window_bounds = array<i64: 256, 64>}, {pipeline_mode = #tpu.pipeline_mode<synchronous>, transform_indices = @transform_3, window_bounds = array<i64: 1, 64>}, {pipeline_mode = #tpu.pipeline_mode<synchronous>, transform_indices = @transform_4, window_bounds = array<i64: 1, 256>}, {pipeline_mode = #tpu.pipeline_mode<synchronous>, transform_indices = @transform_5, window_bounds = array<i64: 1, 256>}, {transform_indices = @transform_6, window_bounds = array<i64: 1024, 64>}]} {
    %get3A = arith.constant 0 : index
    %get3A_0 = arith.constant 0 : index
    %get3A_1 = vector.load %arg2[%get3A, %get3A_0] : memref<2x256xf32, #tpu.memory_space<vmem>>, vector<2x256xf32>
    %slice3A = vector.extract_strided_slice %get3A_1 {offsets = [0, 0], sizes = [1, 256], strides = [1, 1]} : vector<2x256xf32> to vector<1x256xf32>
    %mul3A = arith.constant 6.10351563E-5 : f32
    %mul3A_2 = vector.broadcast %mul3A : f32 to vector<1x256xf32>
    %mul3A_3 = arith.mulf %slice3A, %mul3A_2 : vector<1x256xf32>
    %slice3A_4 = vector.extract_strided_slice %get3A_1 {offsets = [1, 0], sizes = [1, 256], strides = [1, 1]} : vector<2x256xf32> to vector<1x256xf32>
    %mul3A_5 = arith.constant 6.10351563E-5 : f32
    %mul3A_6 = vector.broadcast %mul3A_5 : f32 to vector<1x256xf32>
    %mul3A_7 = arith.mulf %slice3A_4, %mul3A_6 : vector<1x256xf32>
    %mul3A_8 = arith.mulf %mul3A_3, %mul3A_3 : vector<1x256xf32>
    %sub3A = arith.subf %mul3A_7, %mul3A_8 : vector<1x256xf32>
    %get3A_9 = arith.constant 0 : index
    %get3A_10 = arith.constant 0 : index
    %get3A_11 = vector.load %arg5[%get3A_9, %get3A_10] : memref<1x256xf32, #tpu.memory_space<vmem>>, vector<1x256xf32>
    %get3A_12 = arith.constant 0 : index
    %get3A_13 = arith.constant 0 : index
    %get3A_14 = vector.load %arg1[%get3A_12, %get3A_13] : memref<1024x256xf32, #tpu.memory_space<vmem>>, vector<1024x256xf32>
    %sub3A_15 = vector.broadcast %mul3A_3 : vector<1x256xf32> to vector<1024x256xf32>
    %sub3A_16 = arith.subf %get3A_14, %sub3A_15 : vector<1024x256xf32>
    %mul3A_17 = vector.broadcast %get3A_11 : vector<1x256xf32> to vector<1024x256xf32>
    %mul3A_18 = arith.mulf %mul3A_17, %sub3A_16 : vector<1024x256xf32>
    %add3A = arith.constant 9.99999974E-6 : f32
    %add3A_19 = vector.broadcast %add3A : f32 to vector<1x256xf32>
    %add3A_20 = arith.addf %sub3A, %add3A_19 : vector<1x256xf32>
    %sqrt3A = math.sqrt %add3A_20 : vector<1x256xf32>
    %div3A = vector.broadcast %sqrt3A : vector<1x256xf32> to vector<1024x256xf32>
    %div3A_21 = arith.divf %mul3A_18, %div3A : vector<1024x256xf32>
    %get3A_22 = arith.constant 0 : index
    %get3A_23 = arith.constant 0 : index
    %get3A_24 = vector.load %arg6[%get3A_22, %get3A_23] : memref<1x256xf32, #tpu.memory_space<vmem>>, vector<1x256xf32>
    %add3A_25 = vector.broadcast %get3A_24 : vector<1x256xf32> to vector<1024x256xf32>
    %add3A_26 = arith.addf %div3A_21, %add3A_25 : vector<1024x256xf32>
    %ge3A = arith.constant 0.000000e+00 : f32
    %ge3A_27 = vector.broadcast %ge3A : f32 to vector<1024x256xf32>
    %ge3A_28 = arith.cmpf oge, %add3A_26, %ge3A_27 : vector<1024x256xf32>
    %mul3A_29 = arith.constant 0.00999999977 : f32
    %mul3A_30 = vector.broadcast %mul3A_29 : f32 to vector<1024x256xf32>
    %mul3A_31 = arith.mulf %mul3A_30, %add3A_26 : vector<1024x256xf32>
    %select_n3A = arith.select %ge3A_28, %add3A_26, %mul3A_31 : vector<1024x256xi1>, vector<1024x256xf32>
    %get3A_32 = arith.constant 0 : index
    %get3A_33 = arith.constant 0 : index
    %get3A_34 = vector.load %arg3[%get3A_32, %get3A_33] : memref<256x64xf32, #tpu.memory_space<vmem>>, vector<256x64xf32>
    %dot_general3A = arith.constant dense<0.000000e+00> : vector<1024x64xf32>
    %dot_general3A_35 = tpu.matmul %select_n3A, %get3A_34, %dot_general3A {dimension_numbers = #tpu.dot_dimension_numbers<[1], [0], [0], [1], [0, 0, 1, 1], [], []>, transpose_lhs_hint = false} : vector<1024x256xf32>, vector<256x64xf32>, vector<1024x64xf32> -> vector<1024x64xf32>
    %get3A_36 = arith.constant 0 : index
    %get3A_37 = arith.constant 0 : index
    %get3A_38 = vector.load %arg4[%get3A_36, %get3A_37] : memref<1x64xf32, #tpu.memory_space<vmem>>, vector<1x64xf32>
    %add3A_39 = vector.broadcast %get3A_38 : vector<1x64xf32> to vector<1024x64xf32>
    %add3A_40 = arith.addf %dot_general3A_35, %add3A_39 : vector<1024x64xf32>
    %mul3A_41 = arith.mulf %add3A_40, %add3A_40 : vector<1024x64xf32>
    %reduce_sum3A = arith.constant dense<0.000000e+00> : vector<1024xf32>
    %reduce_sum3A_42 = vector.multi_reduction <add>, %mul3A_41, %reduce_sum3A [1] : vector<1024x64xf32> to vector<1024xf32>
    %broadcast_in_dim3A = vector.shape_cast %reduce_sum3A_42 : vector<1024xf32> to vector<1024x1xf32>
    %sqrt3A_43 = math.sqrt %broadcast_in_dim3A : vector<1024x1xf32>
    %div3A_44 = vector.broadcast %sqrt3A_43 : vector<1024x1xf32> to vector<1024x64xf32>
    %div3A_45 = arith.divf %add3A_40, %div3A_44 : vector<1024x64xf32>
    %swap3A = arith.constant 0 : index
    %swap3A_46 = arith.constant 0 : index
    %swap3A_47 = vector.load %arg7[%swap3A, %swap3A_46] : memref<1024x64xf32, #tpu.memory_space<vmem>>, vector<1024x64xf32>
    tpu.vector_store %arg7[%swap3A, %swap3A_46], %div3A_45 {strides = array<i32>} : memref<1024x64xf32, #tpu.memory_space<vmem>>, vector<1024x64xf32>,
    return
  }
  func.func @transform_0(%arg0: i32) -> (i32, i32) {
    %c0_i32 = arith.constant 0 : i32
    %c0_i32_0 = arith.constant 0 : i32
    return %arg0, %c0_i32 : i32, i32
  }
  func.func @transform_1(%arg0: i32) -> (i32, i32) {
    %c0_i32 = arith.constant 0 : i32
    %c0_i32_0 = arith.constant 0 : i32
    %c0_i32_1 = arith.constant 0 : i32
    return %c0_i32, %c0_i32_0 : i32, i32
  }
  func.func @transform_2(%arg0: i32) -> (i32, i32) {
    %c0_i32 = arith.constant 0 : i32
    %c0_i32_0 = arith.constant 0 : i32
    %c0_i32_1 = arith.constant 0 : i32
    return %c0_i32, %c0_i32_0 : i32, i32
  }
  func.func @transform_3(%arg0: i32) -> (i32, i32) {
    %c0_i32 = arith.constant 0 : i32
    %c0_i32_0 = arith.constant 0 : i32
    %c0_i32_1 = arith.constant 0 : i32
    return %c0_i32, %c0_i32_0 : i32, i32
  }
  func.func @transform_4(%arg0: i32) -> (i32, i32) {
    %c0_i32 = arith.constant 0 : i32
    %c0_i32_0 = arith.constant 0 : i32
    %c0_i32_1 = arith.constant 0 : i32
    return %c0_i32, %c0_i32_0 : i32, i32
  }
  func.func @transform_5(%arg0: i32) -> (i32, i32) {
    %c0_i32 = arith.constant 0 : i32
    %c0_i32_0 = arith.constant 0 : i32
    %c0_i32_1 = arith.constant 0 : i32
    return %c0_i32, %c0_i32_0 : i32, i32
  }
  func.func @transform_6(%arg0: i32) -> (i32, i32) {
    %c0_i32 = arith.constant 0 : i32
    %c0_i32_0 = arith.constant 0 : i32
    return %arg0, %c0_i32 : i32, i32
  }
}

</mosaic_0001>

<sc_bundles>
// kernel: kernel.6.cloned.1.call-start
scs
__scs_entry_jumppad:
0x0: {  	(pc) =	sbr.rel $0x88, $3  }
0x1: {  	(tag) =	ssettag $0x0;
	lr =	simm.s32 $0x1  }
0x2: {  	[smem:$0x3F8A] =	sst lr;
	_ =	strace $0xD0000000  }
0x3: {  	_ = 	snop  }
0x4: {  	_ = 	snop  }
0x5: {  	_ = 	snop  }
0x6: {  	_ = 	snop  }
0x7: {  	_ = 	snop  }
__scs_overlays_trampoline_lowered:
0x8: {  	[smem:$0x3F99] =	sst s0  }
0x9: {  	[smem:$0x3F9A] =	sst s1  }
0xa: {  	[smem:$0x3F9B] =	sst s2  }
0xb: {  	[smem:$0x3F9C] =	sst s3  }
0xc: {  	[smem:$0x3F9D] =	sst s4  }
0xd: {  	[smem:$0x3F9E] =	sst s5  }
0xe: {  	[smem:$0x3F9F] =	sst s6  }
0xf: {  	[smem:$0x3FA0] =	sst s7  }
0x10: {  	[smem:$0x3FA1] =	sst s8  }
0x11: {  	[smem:$0x3FA2] =	sst s9;
	s0 =	simm.s32 @!p0 $0x0  }
0x12: {  	s1 =	sld [smem:$0x3F88];
	s0 =	simm.s32 @p0 $0x1  }
0x13: {  	[smem:$0x3FA3] =	sst s0;
	s0 =	simm.s32 @!p1 $0x0  }
0x14: {  	s2 =	sld [smem:$0x3F87];
	s0 =	simm.s32 @p1 $0x1  }
0x15: {  	[smem:$0x3FA4] =	sst s0;
	s0 =	simm.s32 @!p2 $0x0  }
0x16: {  	s3 =	sld [smem:$0x3FDB];
	s0 =	simm.s32 @p2 $0x1  }
0x17: {  	s4 =	simm.s32 $0x1BF5;
	[smem:$0x3FA6] =	sst s0  }
0x18: {  	s0 =	sld [smem:$0x3F89];
	_ =	swait.ge [sflag:s4], $0x0  }
0x19: {  	s7 =	sld [smem:$0x3F8A]  }
0x1a: {  	s8 =	sadd.s32 $0xFFFFE003, lr  }
0x1b: {  	s9 =	sadd.s32 $0xFFFFFEF7, lr;
	s5 =	simm.s32 $0xFFFFFFFF;
	p2 =	slt.u32 s8, $0xFFFFF086  }
0x1c: {  	p1 =	slt.u32 s9, $0xF7A;
	s5 =	simm.s32 @!p2 $0x0  }
0x1d: {  	s5 =	simm.s32 @p1 $0x1;
	p0 =	seq.s32 s7, s2  }
0x1e: {  	s7 =	smul.u32 @!p0 $0xF7A, s2;
	p2 =	seq.s32 @!p0 s5, $0x0  }
0x1f: {  	s9 =	smul.u32 $0xF7A, s1;
	s8 =	simm.s32 @!p0 $0x1BF5;
	p2 =	por !p2, p0  }
0x20: {  	[sflag:s8] =	ssyncset.s32 @!p0 $0xFFFFF086;
	s6 =	sadd.s32 @!p0 s3, s7;
	s7 =	simm.s32 @!p0 $0x108  }
0x21: {  	s3 =	sadd.s32 s3, s9;
	s6 =	sadd.s32 @!p0 $0x88, s6;
	s7 =	simm.s32 @p2 $0x1082  }
0x22: {  	[simem:s7], [sflag:s8] =	dma.local @!p0 [hbm:s6], $0xF7A  }
0x23: {  	s9 =	sor.u32 $0xD0000000, s2;
	s6 =	simm.s32 $0x108;
	_ =	swait.ge @!p0 [sflag:s8], $0x0  }
0x24: {  	s3 =	sadd.s32 $0x88, s3;
	s6 =	simm.s32 @!p1 $0x1082;
	[sflag:s4] =	ssyncset.s32 $0xFFFFF086  }
0x25: {  	[simem:s6], [sflag:s4] =	dma.local [hbm:s3], $0xF7A  }
0x26: {  	[smem:$0x3F8A] =	sst s1;
	(tag) =	ssettag s2;
	_ =	strace s9  }
0x27: {  	s1 =	sld [smem:$0x3F9A]  }
0x28: {  	s2 =	sld [smem:$0x3F9B]  }
0x29: {  	s4 =	sld [smem:$0x3F9D]  }
0x2a: {  	p0 =	seq.s32 s5, $0x0;
	s5 =	sld [smem:$0x3F9E]  }
0x2b: {  	s6 =	sld [smem:$0x3F9F]  }
0x2c: {  	s7 =	sld [smem:$0x3FA0]  }
0x2d: {  	s3 =	simm.s32 $0x108;
	s8 =	sld [smem:$0x3FA1]  }
0x2e: {  	s3 =	simm.s32 @!p0 $0x1082;
	s9 =	sld [smem:$0x3FA2]  }
0x2f: {  	lr =	sadd.s32 s0, s3;
	s0 =	sld [smem:$0x3F99]  }
0x30: {  	s3 =	sld [smem:$0x3F9C]  }
0x31: {  	[smem:$0x3FA5] =	sst s10  }
0x32: {  	s10 =	sld [smem:$0x3FA3];
	_ =	sdelay $0x3  }
0x33: {  	p0 =	seq.s32 s10, $0x1;
	s10 =	sld [smem:$0x3FA5];
	_ =	sdelay $0x3  }
0x34: {  	[smem:$0x3FA5] =	sst s10  }
0x35: {  	s10 =	sld [smem:$0x3FA4];
	_ =	sdelay $0x3  }
0x36: {  	p1 =	seq.s32 s10, $0x1;
	s10 =	sld [smem:$0x3FA5];
	_ =	sdelay $0x3  }
0x37: {  	[smem:$0x3FA5] =	sst s10  }
0x38: {  	s10 =	sld [smem:$0x3FA6]  }
0x39: {  	_ = 	snop;
	(pc) =	sbr.ind lr, $3  }
0x3a: {  	_ = 	snop  }
0x3b: {  	_ = 	snop  }
0x3c: {  	p2 =	seq.s32 s10, $0x1;
	s10 =	sld [smem:$0x3FA5]  }
0x3d: {  	_ =	shalt  }
0x3e: {  	_ =	shalt  }
0x3f: {  	_ =	shalt  }
0x40: {  	_ =	shalt  }
0x41: {  	_ =	shalt  }
0x42: {  	_ =	shalt  }
0x43: {  	_ =	shalt  }
0x44: {  	_ =	shalt  }
0x45: {  	_ =	shalt  }
0x46: {  	_ =	shalt  }
0x47: {  	_ =	shalt  }
0x48: {  	_ =	shalt  }
0x49: {  	_ =	shalt  }
0x4a: {  	_ =	shalt  }
0x4b: {  	_ =	shalt  }
0x4c: {  	_ =	shalt  }
0x4d: {  	_ =	shalt  }
0x4e: {  	_ =	shalt  }
0x4f: {  	_ =	shalt  }
0x50: {  	_ =	shalt  }
0x51: {  	_ =	shalt  }
0x52: {  	_ =	shalt  }
0x53: {  	_ =	shalt  }
0x54: {  	_ =	shalt  }
0x55: {  	_ =	shalt  }
0x56: {  	_ =	shalt  }
0x57: {  	_ =	shalt  }
0x58: {  	_ =	shalt  }
0x59: {  	_ =	shalt  }
0x5a: {  	_ =	shalt  }
0x5b: {  	_ =	shalt  }
0x5c: {  	_ =	shalt  }
0x5d: {  	_ =	shalt  }
0x5e: {  	_ =	shalt  }
0x5f: {  	_ =	shalt  }
0x60: {  	_ =	shalt  }
0x61: {  	_ =	shalt  }
0x62: {  	_ =	shalt  }
0x63: {  	_ =	shalt  }
0x64: {  	_ =	shalt  }
0x65: {  	_ =	shalt  }
0x66: {  	_ =	shalt  }
0x67: {  	_ =	shalt  }
0x68: {  	_ =	shalt  }
0x69: {  	_ =	shalt  }
0x6a: {  	_ =	shalt  }
0x6b: {  	_ =	shalt  }
0x6c: {  	_ =	shalt  }
0x6d: {  	_ =	shalt  }
0x6e: {  	_ =	shalt  }
0x6f: {  	_ =	shalt  }
0x70: {  	_ =	shalt  }
0x71: {  	_ =	shalt  }
0x72: {  	_ =	shalt  }
0x73: {  	_ =	shalt  }
0x74: {  	_ =	shalt  }
0x75: {  	_ =	shalt  }
0x76: {  	_ =	shalt  }
0x77: {  	_ =	shalt  }
0x78: {  	_ =	shalt  }
0x79: {  	_ =	shalt  }
0x7a: {  	_ =	shalt  }
0x7b: {  	_ =	shalt  }
0x7c: {  	_ =	shalt  }
0x7d: {  	_ =	shalt  }
0x7e: {  	_ =	shalt  }
0x7f: {  	_ =	shalt  }
0x80: {  	_ =	shalt  }
0x81: {  	_ =	shalt  }
0x82: {  	_ =	shalt  }
0x83: {  	_ =	shalt  }
0x84: {  	_ =	shalt  }
0x85: {  	_ =	shalt  }
0x86: {  	_ =	shalt  }
0x87: {  	_ =	shalt  }
.Lfunc_end0:
.L_simem_size_0:
called_computation_lowered:
.L_overlay_start_0:
0x88: {  	s2 =	sld [smem:$0x3FD9]  }
0x89: {  	s3 =	sld [smem:$0x3FFE];
	_ =	sdelay $0x1  }
0x8a: {  	s1 =	srdreg.scid  }
0x8b: {  	s0 =	sand.u32 $0x1, s1  }
0x8c: {  	s17 =	sshll.u32 s0, $0xA;
	s2 =	sadd.s32 s3, s2  }
0x8d: {  	s2 =	sadd.s32 s2, s17  }
0x8e: {  	[smem:$0x3FB1] =	sst s2  }
0x8f: {  	_ = 	snop  }
0x90: {  	s2 =	sld [smem:$0x3FD0];
	(tm) =	ssettm $0x1  }
0x91: {  	s18 =	sld [smem:$0x3FFB];
	_ =	sdelay $0x3  }
0x92: {  	_ =	strace s18  }
0x93: {  	s3 =	sld [smem:$0x3FFC];
	_ =	sdelay $0x3  }
0x94: {  	_ =	strace s3  }
0x95: {  	s3 =	sld [smem:$0x3FFD];
	_ =	sdelay $0x3  }
0x96: {  	_ =	strace s3  }
0x97: {  	_ =	strace $0x8FFFFFFF  }
0x98: {  	s19 =	sld [smem:$0x3FDB];
	_ =	sdelay $0x1  }
0x99: {  	s4 =	simm.s32 $_scs_section_size  }
0x9a: {  	s5 =	simm.s32 $_size__tile_overlayer_lowered;
	s6 =	simm.s32 $_tile_overlayer_lowered  }
0x9b: {  	s22 =	simm.s32 $0x1BFF;
	s21 =	sshll.u32 s6, $0x1;
	s3 =	sadd.s32 s4, s19  }
0x9c: {  	s7 =	simm.s32 $0x0;
	s20 =	sshll.u32 s5, $0x1;
	s5 =	sadd.s32 s21, s3  }
0x9d: {  	[timem:s7], [sflag:s22] =	dma.local [hbm:s5], s20  }
0x9e: {  	_ =	swait.ge [sflag:s22], s20  }
0x9f: {  	s4 =	ssub.s32 $0x0, s20;
	[sflag:s22] =	ssyncset.done $0x0  }
0xa0: {  	[sflag:s22] =	ssyncadd.s32 s4;
	_ =	sdelay $0x1  }
0xa1: {  	s23 =	simm.s32 $0x1B8B  }
0xa2: {  	_ =	swait.ge [sflag:s23], $0x1  }
0xa3: {  	[sflag:s23] =	ssyncset.done $0x0  }
0xa4: {  	s25 =	simm.s32 $0x1B8E;
	s24 =	sld [smem:$0x3FFE];
	[sflag:s23] =	ssyncadd.s32 $0xFFFFFFFF  }
0xa5: {  	s26 =	simm.s32 $execute0_lowered;
	[smem:$0x3FD2] =	sst s25  }
0xa6: {  	s5 =	sshll.u32 s26, $0x1;
	_ =	strace $0x80000046;
	[dreg:$0x1] =	wrdreg $0xFFFFFFFF  }
0xa7: {  	s28 =	simm.s32 $_size_execute0_lowered;
	s3 =	sadd.s32 s3, s5;
	[dreg:$0x0] =	wrdreg $0x0  }
0xa8: {  	s5 =	sshll.u32 s28, $0x1;
	[dreg:$0x2] =	wrdreg s3  }
0xa9: {  	[dreg:$0x3] =	wrdreg s5  }
0xaa: {  	[dreg:$0x4] =	wrdreg $0xC0  }
0xab: {  	_ =	task [dreg:s7], $0x5FFFF  }
0xac: {  	[dreg:$0x1] =	wrdreg $0xFFFFFFFF  }
0xad: {  	[dreg:$0x0] =	wrdreg $0x60  }
0xae: {  	[dreg:$0x2] =	wrdreg s24  }
0xaf: {  	[dreg:$0x3] =	wrdreg s2  }
0xb0: {  	[dreg:$0x4] =	wrdreg $0x9  }
0xb1: {  	_ =	task.clear_ibuf [dreg:s7], $0x5FFFF;
	_ =	strace $0x90000046  }
0xb2: {  	s29 =	simm.s32 $0x9;
	_ =	strace $0x80000048  }
0xb3: {  	_ =	swait.ge [sflag:s29], $0x1  }
0xb4: {  	[sflag:s29] =	ssyncadd.s32 $0xFFFFFFFF  }
0xb5: {  	_ =	strace $0x90000048  }
0xb6: {  	_ =	sfence  }
0xb7: {  	s30 =	sld [smem:$0x0];
	_ =	sdelay $0x2  }
0xb8: {  	s31 =	sshll.u32 s1, $0xD;
	s1 =	sshrl.u32 s1, $0x2  }
0xb9: {  	s3 =	sand.u32 $0x4000, s31;
	s1 =	sadd.s32 s1, s30  }
0xba: {  	s0 =	sor.u32 s3, s0;
	s1 =	sshll.u32 s1, $0x11  }
0xbb: {  	s0 =	sor.u32 s1, s0  }
0xbc: {  	s0 =	sadd.s32 $0x8F2B, s0  }
0xbd: {  	[sflag:s0] =	ssyncadd.remote.s32 $0x1  }
0xbe: {  	_ =	sfence.sel $0xFFFF  }
0xbf: {  	[dreg:$0x0] =	wrdreg $0xFFFFFFFF;
	(pc) =	sbr.abs _section_cstart, $3  }
0xc0: {  	[dreg:$0x1] =	wrdreg $0xFFFFFFFF  }
0xc1: {  	_ =	task.clear_ibuf [dreg:s7], $0x2FFFF;
	_ =	strace $0x9FFFFFFF  }
0xc2: {  	(tm) =	ssettm $0x7FFFFFFF  }
0xc3: {  	_ =	shalt  }
tec
execute0_lowered:
.L_overlay_start_1:
0x0: {  	(tag) =	ssettag $0x1  }
0x1: {  	s1 =	srdreg.scid  }
0x2: {  	s0 =	stileid.u32;
	s1 =	sand.u32 $0x1, s1  }
0x3: {  	s28 =	rddreg [dreg:$0x0];
	s2 =	sshll.u32 s0, $0xA;
	s3 =	sshll.u32 s1, $0x9  }
0x4: {  	s4 =	rddreg [dreg:$0x1];
	s3 =	sor.u32 s3, s2;
	s2 =	simm.s32 $0x0  }
0x5: {  	s13 =	sadd.s32 $0x2811080, s28;
	[smem:$0x7FF] =	sst s2  }
0x6: {  	s16 =	sadd.s32 $0x2872B00, s28;
	_ =	strace $0x80000047;
	[dreg:$0x5] =	wrdreg s13  }
0x7: {  	s19 =	sadd.s32 $0x28D4580, s28;
	[dreg:$0x8] =	wrdreg s16  }
0x8: {  	s22 =	sadd.s32 $0x2936000, s28;
	s25 =	sadd.s32 $0x2997A80, s28;
	[dreg:$0xb] =	wrdreg s19  }
0x9: {  	s5 =	smul.u32 $0x70, s3;
	s3 =	sshrl.u32 s3, $0x3;
	[dreg:$0xe] =	wrdreg s22  }
0xa: {  	s8 =	sadd.s32 $0x2A5AF80, s28;
	s3 =	sadd.s32 s4, s3;
	[dreg:$0x11] =	wrdreg s25  }
0xb: {  	[dreg:$0x17] =	wrdreg s8;
	s12 =	sadd.s32 $0x800, s3  }
0xc: {  	[tilespmem:s2], [sflag:$0x2] =	stream.linear.gather [hbm4b:s3+s2], $0x200, $0x38;
	[tilespmem:$0x4200] =	vst v63  }
0xd: {  	s15 =	sadd.s32 $0x1000, s3;
	[dreg:$0x4] =	wrdreg s12  }
0xe: {  	s18 =	sadd.s32 $0x1800, s3;
	[dreg:$0x7] =	wrdreg s15  }
0xf: {  	s21 =	sadd.s32 $0x2000, s3;
	[dreg:$0xa] =	wrdreg s18  }
0x10: {  	s24 =	sadd.s32 $0x2800, s3;
	[dreg:$0xd] =	wrdreg s21  }
0x11: {  	s0 =	sadd.s32 $0x3000, s3;
	[dreg:$0x10] =	wrdreg s24  }
0x12: {  	s31 =	sadd.s32 s5, s28;
	s5 =	sadd.s32 $0x29F9500, s28;
	[dreg:$0x13] =	wrdreg s0  }
0x13: {  	s7 =	sadd.s32 $0x3800, s3;
	[dreg:$0x14] =	wrdreg s5  }
0x14: {  	s10 =	sadd.s32 $0x4000, s3;
	[dreg:$0x16] =	wrdreg s7  }
0x15: {  	s13 =	sadd.s32 $0x4800, s3;
	[dreg:$0x19] =	wrdreg s10  }
0x16: {  	s16 =	sadd.s32 $0x5000, s3;
	[dreg:$0x1c] =	wrdreg s13  }
0x17: {  	s19 =	sadd.s32 $0x5800, s3;
	[dreg:$0x1f] =	wrdreg s16  }
0x18: {  	s22 =	sadd.s32 $0x6000, s3;
	[smem:$0x7E4] =	sst s19  }
0x19: {  	s25 =	sadd.s32 $0x6800, s3;
	[smem:$0x7E7] =	sst s22  }
0x1a: {  	s8 =	sadd.s32 $0x7800, s3;
	[smem:$0x7EA] =	sst s25  }
0x1b: {  	s11 =	sadd.s32 $0x3200, s31;
	[smem:$0x7F0] =	sst s8  }
0x1c: {  	s14 =	sadd.s32 $0x3204, s31;
	[dreg:$0x3] =	wrdreg s11  }
0x1d: {  	s17 =	sadd.s32 $0x3208, s31;
	[dreg:$0x6] =	wrdreg s14  }
0x1e: {  	s20 =	sadd.s32 $0x320C, s31;
	[dreg:$0x9] =	wrdreg s17  }
0x1f: {  	s23 =	sadd.s32 $0x3210, s31;
	[dreg:$0xc] =	wrdreg s20  }
0x20: {  	s26 =	sadd.s32 $0x3214, s31;
	[dreg:$0xf] =	wrdreg s23  }
0x21: {  	s6 =	sadd.s32 $0x3218, s31;
	[dreg:$0x12] =	wrdreg s26  }
0x22: {  	s9 =	sadd.s32 $0x321C, s31;
	[dreg:$0x15] =	wrdreg s6  }
0x23: {  	s12 =	sadd.s32 $0x3220, s31;
	[dreg:$0x18] =	wrdreg s9  }
0x24: {  	s15 =	sadd.s32 $0x3224, s31;
	[dreg:$0x1b] =	wrdreg s12  }
0x25: {  	s18 =	sadd.s32 $0x3228, s31;
	[dreg:$0x1e] =	wrdreg s15  }
0x26: {  	s21 =	sadd.s32 $0x322C, s31;
	[smem:$0x7E3] =	sst s18  }
0x27: {  	s24 =	sadd.s32 $0x3230, s31;
	[smem:$0x7E6] =	sst s21  }
0x28: {  	s0 =	sadd.s32 $0x3234, s31;
	[smem:$0x7E9] =	sst s24  }
0x29: {  	s5 =	sadd.s32 $0x7000, s3;
	[smem:$0x7EC] =	sst s0  }
0x2a: {  	s7 =	sadd.s32 $0x3238, s31;
	[smem:$0x7ED] =	sst s5  }
0x2b: {  	s10 =	sadd.s32 $0x323C, s31;
	[smem:$0x7EF] =	sst s7  }
0x2c: {  	s13 =	sadd.s32 $0x3240, s31;
	[smem:$0x7F2] =	sst s10  }
0x2d: {  	s16 =	sadd.s32 $0x3244, s31;
	[smem:$0x7F5] =	sst s13  }
0x2e: {  	s19 =	sadd.s32 $0x3248, s31;
	[smem:$0x7F8] =	sst s16  }
0x2f: {  	s11 =	sadd.s32 $0x2ABCA00, s28;
	[smem:$0x7FB] =	sst s19  }
0x30: {  	s14 =	sadd.s32 $0x2B1E480, s28;
	[dreg:$0x1a] =	wrdreg s11  }
0x31: {  	s17 =	sadd.s32 $0x2B7FF00, s28;
	[dreg:$0x1d] =	wrdreg s14  }
0x32: {  	s20 =	sadd.s32 $0x2BE1980, s28;
	[smem:$0x7E2] =	sst s17  }
0x33: {  	s23 =	sadd.s32 $0x2C43400, s28;
	[smem:$0x7E5] =	sst s20  }
0x34: {  	s26 =	sadd.s32 $0x2CA4E80, s28;
	[smem:$0x7E8] =	sst s23  }
0x35: {  	s6 =	sadd.s32 $0x2D06900, s28;
	[smem:$0x7EB] =	sst s26  }
0x36: {  	s9 =	sadd.s32 $0x2D68380, s28;
	[smem:$0x7EE] =	sst s6  }
0x37: {  	s12 =	sadd.s32 $0x2DC9E00, s28;
	[smem:$0x7F1] =	sst s9  }
0x38: {  	s15 =	sadd.s32 $0x2E2B880, s28;
	[smem:$0x7F4] =	sst s12  }
0x39: {  	s18 =	sadd.s32 $0x2E8D300, s28;
	[smem:$0x7F7] =	sst s15  }
0x3a: {  	s21 =	sadd.s32 $0x2EEED80, s28;
	[smem:$0x7FA] =	sst s18  }
0x3b: {  	s11 =	sadd.s32 $0x8000, s3;
	[smem:$0x7FD] =	sst s21  }
0x3c: {  	s14 =	sadd.s32 $0x8800, s3;
	[smem:$0x7F3] =	sst s11  }
0x3d: {  	s17 =	sadd.s32 $0x9000, s3;
	[smem:$0x7F6] =	sst s14  }
0x3e: {  	s20 =	sadd.s32 $0x9800, s3;
	[smem:$0x7F9] =	sst s17  }
0x3f: {  	s4 =	simm.s32 $0x2;
	[smem:$0x7FC] =	sst s20  }
0x40: {  	_ =	swait.ge [sflag:s4], $0x200  }
0x41: {  	s5 =	sadd.s32 $0x27AF600, s28;
	[sflag:s4] =	ssyncset.done $0x0  }
0x42: {  	s7 =	simm.s32 $0x1;
	s6 =	simm.s32 $0x200;
	[sflag:s4] =	ssyncadd.s32 $0xFFFFFE00  }
0x43: {  	[tilespmem:s6], [sflag:$0x1] =	stream.indirect.gather [hbm4b:s5+s6], $0x20, s2, s6, $0xb8;
	[tilespmem:$0x4200] =	vst v63  }
0x44: {  	_ =	swait.ge [sflag:s7], $0x4000  }
0x45: {  	s8 =	simm.s32 $0x20;
	[sflag:s7] =	ssyncset.done $0x0  }
0x46: {  	s9 =	simm.s32 $0x380;
	s10 =	rddreg [dreg:$0x3];
	[sflag:s7] =	ssyncadd.s32 $0xFFFFC000  }
0x47: {  	[hbm4b:s10+s8] =	stream.strided.scatter [tilespmem:s6], [sflag:$0x2], $0x4000, s9, s8, $0x38;
	[tilespmem:$0x4200] =	vst v63  }
0x48: {  	_ =	swait.ge [sflag:s4], $0x4000  }
0x49: {  	[sflag:s4] =	ssyncset.done $0x0  }
0x4a: {  	s22 =	rddreg [dreg:$0x4];
	[sflag:s4] =	ssyncadd.s32 $0xFFFFC000  }
0x4b: {  	[tilespmem:s2], [sflag:$0x2] =	stream.linear.gather [hbm4b:s22+s2], $0x200, $0x38;
	[tilespmem:$0x4200] =	vst v63  }
0x4c: {  	_ =	swait.ge [sflag:s4], $0x200  }
0x4d: {  	[sflag:s4] =	ssyncset.done $0x0  }
0x4e: {  	s23 =	rddreg [dreg:$0x5];
	[sflag:s4] =	ssyncadd.s32 $0xFFFFFE00  }
0x4f: {  	[tilespmem:s6], [sflag:$0x1] =	stream.indirect.gather [hbm4b:s23+s6], $0x20, s2, s6, $0xb8;
	[tilespmem:$0x4200] =	vst v63  }
0x50: {  	_ =	swait.ge [sflag:s7], $0x4000  }
0x51: {  	[sflag:s7] =	ssyncset.done $0x0  }
0x52: {  	s24 =	rddreg [dreg:$0x6];
	[sflag:s7] =	ssyncadd.s32 $0xFFFFC000  }
0x53: {  	[hbm4b:s24+s8] =	stream.strided.scatter [tilespmem:s6], [sflag:$0x2], $0x4000, s9, s8, $0x38;
	[tilespmem:$0x4200] =	vst v63  }
0x54: {  	_ =	swait.ge [sflag:s4], $0x4000  }
0x55: {  	[sflag:s4] =	ssyncset.done $0x0  }
0x56: {  	s25 =	rddreg [dreg:$0x7];
	[sflag:s4] =	ssyncadd.s32 $0xFFFFC000  }
0x57: {  	[tilespmem:s2], [sflag:$0x2] =	stream.linear.gather [hbm4b:s25+s2], $0x200, $0x38;
	[tilespmem:$0x4200] =	vst v63  }
0x58: {  	_ =	swait.ge [sflag:s4], $0x200  }
0x59: {  	[sflag:s4] =	ssyncset.done $0x0  }
0x5a: {  	s26 =	rddreg [dreg:$0x8];
	[sflag:s4] =	ssyncadd.s32 $0xFFFFFE00  }
0x5b: {  	[tilespmem:s6], [sflag:$0x1] =	stream.indirect.gather [hbm4b:s26+s6], $0x20, s2, s6, $0xb8;
	[tilespmem:$0x4200] =	vst v63  }
0x5c: {  	_ =	swait.ge [sflag:s7], $0x4000  }
0x5d: {  	[sflag:s7] =	ssyncset.done $0x0  }
0x5e: {  	s0 =	rddreg [dreg:$0x9];
	[sflag:s7] =	ssyncadd.s32 $0xFFFFC000  }
0x5f: {  	[hbm4b:s0+s8] =	stream.strided.scatter [tilespmem:s6], [sflag:$0x2], $0x4000, s9, s8, $0x38;
	[tilespmem:$0x4200] =	vst v63  }
0x60: {  	_ =	swait.ge [sflag:s4], $0x4000  }
0x61: {  	[sflag:s4] =	ssyncset.done $0x0  }
0x62: {  	s11 =	rddreg [dreg:$0xa];
	[sflag:s4] =	ssyncadd.s32 $0xFFFFC000  }
0x63: {  	[tilespmem:s2], [sflag:$0x2] =	stream.linear.gather [hbm4b:s11+s2], $0x200, $0x38;
	[tilespmem:$0x4200] =	vst v63  }
0x64: {  	_ =	swait.ge [sflag:s4], $0x200  }
0x65: {  	[sflag:s4] =	ssyncset.done $0x0  }
0x66: {  	s12 =	rddreg [dreg:$0xb];
	[sflag:s4] =	ssyncadd.s32 $0xFFFFFE00  }
0x67: {  	[tilespmem:s6], [sflag:$0x1] =	stream.indirect.gather [hbm4b:s12+s6], $0x20, s2, s6, $0xb8;
	[tilespmem:$0x4200] =	vst v63  }
0x68: {  	_ =	swait.ge [sflag:s7], $0x4000  }
0x69: {  	[sflag:s7] =	ssyncset.done $0x0  }
0x6a: {  	s13 =	rddreg [dreg:$0xc];
	[sflag:s7] =	ssyncadd.s32 $0xFFFFC000  }
0x6b: {  	[hbm4b:s13+s8] =	stream.strided.scatter [tilespmem:s6], [sflag:$0x2], $0x4000, s9, s8, $0x38;
	[tilespmem:$0x4200] =	vst v63  }
0x6c: {  	_ =	swait.ge [sflag:s4], $0x4000  }
0x6d: {  	[sflag:s4] =	ssyncset.done $0x0  }
0x6e: {  	s14 =	rddreg [dreg:$0xd];
	[sflag:s4] =	ssyncadd.s32 $0xFFFFC000  }
0x6f: {  	[tilespmem:s2], [sflag:$0x2] =	stream.linear.gather [hbm4b:s14+s2], $0x200, $0x38;
	[tilespmem:$0x4200] =	vst v63  }
0x70: {  	_ =	swait.ge [sflag:s4], $0x200  }
0x71: {  	[sflag:s4] =	ssyncset.done $0x0  }
0x72: {  	s15 =	rddreg [dreg:$0xe];
	[sflag:s4] =	ssyncadd.s32 $0xFFFFFE00  }
0x73: {  	[tilespmem:s6], [sflag:$0x1] =	stream.indirect.gather [hbm4b:s15+s6], $0x20, s2, s6, $0xb8;
	[tilespmem:$0x4200] =	vst v63  }
0x74: {  	_ =	swait.ge [sflag:s7], $0x4000  }
0x75: {  	[sflag:s7] =	ssyncset.done $0x0  }
0x76: {  	s16 =	rddreg [dreg:$0xf];
	[sflag:s7] =	ssyncadd.s32 $0xFFFFC000  }
0x77: {  	[hbm4b:s16+s8] =	stream.strided.scatter [tilespmem:s6], [sflag:$0x2], $0x4000, s9, s8, $0x38;
	[tilespmem:$0x4200] =	vst v63  }
0x78: {  	_ =	swait.ge [sflag:s4], $0x4000  }
0x79: {  	[sflag:s4] =	ssyncset.done $0x0  }
0x7a: {  	s17 =	rddreg [dreg:$0x10];
	[sflag:s4] =	ssyncadd.s32 $0xFFFFC000  }
0x7b: {  	[tilespmem:s2], [sflag:$0x2] =	stream.linear.gather [hbm4b:s17+s2], $0x200, $0x38;
	[tilespmem:$0x4200] =	vst v63  }
0x7c: {  	_ =	swait.ge [sflag:s4], $0x200  }
0x7d: {  	[sflag:s4] =	ssyncset.done $0x0  }
0x7e: {  	s18 =	rddreg [dreg:$0x11];
	[sflag:s4] =	ssyncadd.s32 $0xFFFFFE00  }
0x7f: {  	[tilespmem:s6], [sflag:$0x1] =	stream.indirect.gather [hbm4b:s18+s6], $0x20, s2, s6, $0xb8;
	[tilespmem:$0x4200] =	vst v63  }
0x80: {  	_ =	swait.ge [sflag:s7], $0x4000  }
0x81: {  	[sflag:s7] =	ssyncset.done $0x0  }
0x82: {  	s19 =	rddreg [dreg:$0x12];
	[sflag:s7] =	ssyncadd.s32 $0xFFFFC000  }
0x83: {  	[hbm4b:s19+s8] =	stream.strided.scatter [tilespmem:s6], [sflag:$0x2], $0x4000, s9, s8, $0x38;
	[tilespmem:$0x4200] =	vst v63  }
0x84: {  	_ =	swait.ge [sflag:s4], $0x4000  }
0x85: {  	[sflag:s4] =	ssyncset.done $0x0  }
0x86: {  	s20 =	rddreg [dreg:$0x13];
	[sflag:s4] =	ssyncadd.s32 $0xFFFFC000  }
0x87: {  	[tilespmem:s2], [sflag:$0x2] =	stream.linear.gather [hbm4b:s20+s2], $0x200, $0x38;
	[tilespmem:$0x4200] =	vst v63  }
0x88: {  	_ =	swait.ge [sflag:s4], $0x200  }
0x89: {  	[sflag:s4] =	ssyncset.done $0x0  }
0x8a: {  	s21 =	rddreg [dreg:$0x14];
	[sflag:s4] =	ssyncadd.s32 $0xFFFFFE00  }
0x8b: {  	[tilespmem:s6], [sflag:$0x1] =	stream.indirect.gather [hbm4b:s21+s6], $0x20, s2, s6, $0xb8;
	[tilespmem:$0x4200] =	vst v63  }
0x8c: {  	_ =	swait.ge [sflag:s7], $0x4000  }
0x8d: {  	[sflag:s7] =	ssyncset.done $0x0  }
0x8e: {  	s22 =	rddreg [dreg:$0x15];
	[sflag:s7] =	ssyncadd.s32 $0xFFFFC000  }
0x8f: {  	[hbm4b:s22+s8] =	stream.strided.scatter [tilespmem:s6], [sflag:$0x2], $0x4000, s9, s8, $0x38;
	[tilespmem:$0x4200] =	vst v63  }
0x90: {  	_ =	swait.ge [sflag:s4], $0x4000  }
0x91: {  	[sflag:s4] =	ssyncset.done $0x0  }
0x92: {  	s23 =	rddreg [dreg:$0x16];
	[sflag:s4] =	ssyncadd.s32 $0xFFFFC000  }
0x93: {  	[tilespmem:s2], [sflag:$0x2] =	stream.linear.gather [hbm4b:s23+s2], $0x200, $0x38;
	[tilespmem:$0x4200] =	vst v63  }
0x94: {  	_ =	swait.ge [sflag:s4], $0x200  }
0x95: {  	[sflag:s4] =	ssyncset.done $0x0  }
0x96: {  	s24 =	rddreg [dreg:$0x17];
	[sflag:s4] =	ssyncadd.s32 $0xFFFFFE00  }
0x97: {  	[tilespmem:s6], [sflag:$0x1] =	stream.indirect.gather [hbm4b:s24+s6], $0x20, s2, s6, $0xb8;
	[tilespmem:$0x4200] =	vst v63  }
0x98: {  	_ =	swait.ge [sflag:s7], $0x4000  }
0x99: {  	[sflag:s7] =	ssyncset.done $0x0  }
0x9a: {  	s25 =	rddreg [dreg:$0x18];
	[sflag:s7] =	ssyncadd.s32 $0xFFFFC000  }
0x9b: {  	[hbm4b:s25+s8] =	stream.strided.scatter [tilespmem:s6], [sflag:$0x2], $0x4000, s9, s8, $0x38;
	[tilespmem:$0x4200] =	vst v63  }
0x9c: {  	_ =	swait.ge [sflag:s4], $0x4000  }
0x9d: {  	[sflag:s4] =	ssyncset.done $0x0  }
0x9e: {  	s26 =	rddreg [dreg:$0x19];
	[sflag:s4] =	ssyncadd.s32 $0xFFFFC000  }
0x9f: {  	[tilespmem:s2], [sflag:$0x2] =	stream.linear.gather [hbm4b:s26+s2], $0x200, $0x38;
	[tilespmem:$0x4200] =	vst v63  }
0xa0: {  	_ =	swait.ge [sflag:s4], $0x200  }
0xa1: {  	[sflag:s4] =	ssyncset.done $0x0  }
0xa2: {  	s0 =	rddreg [dreg:$0x1a];
	[sflag:s4] =	ssyncadd.s32 $0xFFFFFE00  }
0xa3: {  	[tilespmem:s6], [sflag:$0x1] =	stream.indirect.gather [hbm4b:s0+s6], $0x20, s2, s6, $0xb8;
	[tilespmem:$0x4200] =	vst v63  }
0xa4: {  	_ =	swait.ge [sflag:s7], $0x4000  }
0xa5: {  	[sflag:s7] =	ssyncset.done $0x0  }
0xa6: {  	s11 =	rddreg [dreg:$0x1b];
	[sflag:s7] =	ssyncadd.s32 $0xFFFFC000  }
0xa7: {  	[hbm4b:s11+s8] =	stream.strided.scatter [tilespmem:s6], [sflag:$0x2], $0x4000, s9, s8, $0x38;
	[tilespmem:$0x4200] =	vst v63  }
0xa8: {  	_ =	swait.ge [sflag:s4], $0x4000  }
0xa9: {  	[sflag:s4] =	ssyncset.done $0x0  }
0xaa: {  	s12 =	rddreg [dreg:$0x1c];
	[sflag:s4] =	ssyncadd.s32 $0xFFFFC000  }
0xab: {  	[tilespmem:s2], [sflag:$0x2] =	stream.linear.gather [hbm4b:s12+s2], $0x200, $0x38;
	[tilespmem:$0x4200] =	vst v63  }
0xac: {  	_ =	swait.ge [sflag:s4], $0x200  }
0xad: {  	[sflag:s4] =	ssyncset.done $0x0  }
0xae: {  	s13 =	rddreg [dreg:$0x1d];
	[sflag:s4] =	ssyncadd.s32 $0xFFFFFE00  }
0xaf: {  	[tilespmem:s6], [sflag:$0x1] =	stream.indirect.gather [hbm4b:s13+s6], $0x20, s2, s6, $0xb8;
	[tilespmem:$0x4200] =	vst v63  }
0xb0: {  	_ =	swait.ge [sflag:s7], $0x4000  }
0xb1: {  	[sflag:s7] =	ssyncset.done $0x0  }
0xb2: {  	s14 =	rddreg [dreg:$0x1e];
	[sflag:s7] =	ssyncadd.s32 $0xFFFFC000  }
0xb3: {  	[hbm4b:s14+s8] =	stream.strided.scatter [tilespmem:s6], [sflag:$0x2], $0x4000, s9, s8, $0x38;
	[tilespmem:$0x4200] =	vst v63  }
0xb4: {  	_ =	swait.ge [sflag:s4], $0x4000  }
0xb5: {  	[sflag:s4] =	ssyncset.done $0x0  }
0xb6: {  	s15 =	rddreg [dreg:$0x1f];
	[sflag:s4] =	ssyncadd.s32 $0xFFFFC000  }
0xb7: {  	[tilespmem:s2], [sflag:$0x2] =	stream.linear.gather [hbm4b:s15+s2], $0x200, $0x38;
	[tilespmem:$0x4200] =	vst v63  }
0xb8: {  	_ =	swait.ge [sflag:s4], $0x200  }
0xb9: {  	s16 =	sld [smem:$0x7E2]  }
0xba: {  	[sflag:s4] =	ssyncset.done $0x0  }
0xbb: {  	[sflag:s4] =	ssyncadd.s32 $0xFFFFFE00  }
0xbc: {  	[tilespmem:s6], [sflag:$0x1] =	stream.indirect.gather [hbm4b:s16+s6], $0x20, s2, s6, $0xb8;
	[tilespmem:$0x4200] =	vst v63  }
0xbd: {  	_ =	swait.ge [sflag:s7], $0x4000  }
0xbe: {  	s17 =	sld [smem:$0x7E3]  }
0xbf: {  	[sflag:s7] =	ssyncset.done $0x0  }
0xc0: {  	[sflag:s7] =	ssyncadd.s32 $0xFFFFC000  }
0xc1: {  	[hbm4b:s17+s8] =	stream.strided.scatter [tilespmem:s6], [sflag:$0x2], $0x4000, s9, s8, $0x38;
	[tilespmem:$0x4200] =	vst v63  }
0xc2: {  	_ =	swait.ge [sflag:s4], $0x4000  }
0xc3: {  	s18 =	sld [smem:$0x7E4]  }
0xc4: {  	[sflag:s4] =	ssyncset.done $0x0  }
0xc5: {  	[sflag:s4] =	ssyncadd.s32 $0xFFFFC000  }
0xc6: {  	[tilespmem:s2], [sflag:$0x2] =	stream.linear.gather [hbm4b:s18+s2], $0x200, $0x38;
	[tilespmem:$0x4200] =	vst v63  }
0xc7: {  	_ =	swait.ge [sflag:s4], $0x200  }
0xc8: {  	s19 =	sld [smem:$0x7E5]  }
0xc9: {  	[sflag:s4] =	ssyncset.done $0x0  }
0xca: {  	[sflag:s4] =	ssyncadd.s32 $0xFFFFFE00  }
0xcb: {  	[tilespmem:s6], [sflag:$0x1] =	stream.indirect.gather [hbm4b:s19+s6], $0x20, s2, s6, $0xb8;
	[tilespmem:$0x4200] =	vst v63  }
0xcc: {  	_ =	swait.ge [sflag:s7], $0x4000  }
0xcd: {  	s20 =	sld [smem:$0x7E6]  }
0xce: {  	[sflag:s7] =	ssyncset.done $0x0  }
0xcf: {  	[sflag:s7] =	ssyncadd.s32 $0xFFFFC000  }
0xd0: {  	[hbm4b:s20+s8] =	stream.strided.scatter [tilespmem:s6], [sflag:$0x2], $0x4000, s9, s8, $0x38;
	[tilespmem:$0x4200] =	vst v63  }
0xd1: {  	_ =	swait.ge [sflag:s4], $0x4000  }
0xd2: {  	s21 =	sld [smem:$0x7E7]  }
0xd3: {  	[sflag:s4] =	ssyncset.done $0x0  }
0xd4: {  	[sflag:s4] =	ssyncadd.s32 $0xFFFFC000  }
0xd5: {  	[tilespmem:s2], [sflag:$0x2] =	stream.linear.gather [hbm4b:s21+s2], $0x200, $0x38;
	[tilespmem:$0x4200] =	vst v63  }
0xd6: {  	_ =	swait.ge [sflag:s4], $0x200  }
0xd7: {  	s22 =	sld [smem:$0x7E8]  }
0xd8: {  	[sflag:s4] =	ssyncset.done $0x0  }
0xd9: {  	[sflag:s4] =	ssyncadd.s32 $0xFFFFFE00  }
0xda: {  	[tilespmem:s6], [sflag:$0x1] =	stream.indirect.gather [hbm4b:s22+s6], $0x20, s2, s6, $0xb8;
	[tilespmem:$0x4200] =	vst v63  }
0xdb: {  	_ =	swait.ge [sflag:s7], $0x4000  }
0xdc: {  	s23 =	sld [smem:$0x7E9]  }
0xdd: {  	[sflag:s7] =	ssyncset.done $0x0  }
0xde: {  	[sflag:s7] =	ssyncadd.s32 $0xFFFFC000  }
0xdf: {  	[hbm4b:s23+s8] =	stream.strided.scatter [tilespmem:s6], [sflag:$0x2], $0x4000, s9, s8, $0x38;
	[tilespmem:$0x4200] =	vst v63  }
0xe0: {  	_ =	swait.ge [sflag:s4], $0x4000  }
0xe1: {  	s24 =	sld [smem:$0x7EA]  }
0xe2: {  	[sflag:s4] =	ssyncset.done $0x0  }
0xe3: {  	[sflag:s4] =	ssyncadd.s32 $0xFFFFC000  }
0xe4: {  	[tilespmem:s2], [sflag:$0x2] =	stream.linear.gather [hbm4b:s24+s2], $0x200, $0x38;
	[tilespmem:$0x4200] =	vst v63  }
0xe5: {  	_ =	swait.ge [sflag:s4], $0x200  }
0xe6: {  	s25 =	sld [smem:$0x7EB]  }
0xe7: {  	[sflag:s4] =	ssyncset.done $0x0  }
0xe8: {  	[sflag:s4] =	ssyncadd.s32 $0xFFFFFE00  }
0xe9: {  	[tilespmem:s6], [sflag:$0x1] =	stream.indirect.gather [hbm4b:s25+s6], $0x20, s2, s6, $0xb8;
	[tilespmem:$0x4200] =	vst v63  }
0xea: {  	_ =	swait.ge [sflag:s7], $0x4000  }
0xeb: {  	s26 =	sld [smem:$0x7EC]  }
0xec: {  	[sflag:s7] =	ssyncset.done $0x0  }
0xed: {  	[sflag:s7] =	ssyncadd.s32 $0xFFFFC000  }
0xee: {  	[hbm4b:s26+s8] =	stream.strided.scatter [tilespmem:s6], [sflag:$0x2], $0x4000, s9, s8, $0x38;
	[tilespmem:$0x4200] =	vst v63  }
0xef: {  	_ =	swait.ge [sflag:s4], $0x4000  }
0xf0: {  	s0 =	sld [smem:$0x7ED]  }
0xf1: {  	[sflag:s4] =	ssyncset.done $0x0  }
0xf2: {  	[sflag:s4] =	ssyncadd.s32 $0xFFFFC000  }
0xf3: {  	[tilespmem:s2], [sflag:$0x2] =	stream.linear.gather [hbm4b:s0+s2], $0x200, $0x38;
	[tilespmem:$0x4200] =	vst v63  }
0xf4: {  	_ =	swait.ge [sflag:s4], $0x200  }
0xf5: {  	s11 =	sld [smem:$0x7EE]  }
0xf6: {  	[sflag:s4] =	ssyncset.done $0x0  }
0xf7: {  	[sflag:s4] =	ssyncadd.s32 $0xFFFFFE00  }
0xf8: {  	[tilespmem:s6], [sflag:$0x1] =	stream.indirect.gather [hbm4b:s11+s6], $0x20, s2, s6, $0xb8;
	[tilespmem:$0x4200] =	vst v63  }
0xf9: {  	_ =	swait.ge [sflag:s7], $0x4000  }
0xfa: {  	s12 =	sld [smem:$0x7EF]  }
0xfb: {  	[sflag:s7] =	ssyncset.done $0x0  }
0xfc: {  	[sflag:s7] =	ssyncadd.s32 $0xFFFFC000  }
0xfd: {  	[hbm4b:s12+s8] =	stream.strided.scatter [tilespmem:s6], [sflag:$0x2], $0x4000, s9, s8, $0x38;
	[tilespmem:$0x4200] =	vst v63  }
0xfe: {  	_ =	swait.ge [sflag:s4], $0x4000  }
0xff: {  	s13 =	sld [smem:$0x7F0]  }
0x100: {  	[sflag:s4] =	ssyncset.done $0x0  }
0x101: {  	[sflag:s4] =	ssyncadd.s32 $0xFFFFC000  }
0x102: {  	[tilespmem:s2], [sflag:$0x2] =	stream.linear.gather [hbm4b:s13+s2], $0x200, $0x38;
	[tilespmem:$0x4200] =	vst v63  }
0x103: {  	_ =	swait.ge [sflag:s4], $0x200  }
0x104: {  	s14 =	sld [smem:$0x7F1]  }
0x105: {  	[sflag:s4] =	ssyncset.done $0x0  }
0x106: {  	[sflag:s4] =	ssyncadd.s32 $0xFFFFFE00  }
0x107: {  	[tilespmem:s6], [sflag:$0x1] =	stream.indirect.gather [hbm4b:s14+s6], $0x20, s2, s6, $0xb8;
	[tilespmem:$0x4200] =	vst v63  }
0x108: {  	_ =	swait.ge [sflag:s7], $0x4000  }
0x109: {  	s15 =	sld [smem:$0x7F2]  }
0x10a: {  	[sflag:s7] =	ssyncset.done $0x0  }
0x10b: {  	[sflag:s7] =	ssyncadd.s32 $0xFFFFC000  }
0x10c: {  	[hbm4b:s15+s8] =	stream.strided.scatter [tilespmem:s6], [sflag:$0x2], $0x4000, s9, s8, $0x38;
	[tilespmem:$0x4200] =	vst v63  }
0x10d: {  	_ =	swait.ge [sflag:s4], $0x4000  }
0x10e: {  	s16 =	sld [smem:$0x7F3]  }
0x10f: {  	[sflag:s4] =	ssyncset.done $0x0  }
0x110: {  	[sflag:s4] =	ssyncadd.s32 $0xFFFFC000  }
0x111: {  	[tilespmem:s2], [sflag:$0x2] =	stream.linear.gather [hbm4b:s16+s2], $0x200, $0x38;
	[tilespmem:$0x4200] =	vst v63  }
0x112: {  	_ =	swait.ge [sflag:s4], $0x200  }
0x113: {  	s17 =	sld [smem:$0x7F4]  }
0x114: {  	[sflag:s4] =	ssyncset.done $0x0  }
0x115: {  	[sflag:s4] =	ssyncadd.s32 $0xFFFFFE00  }
0x116: {  	[tilespmem:s6], [sflag:$0x1] =	stream.indirect.gather [hbm4b:s17+s6], $0x20, s2, s6, $0xb8;
	[tilespmem:$0x4200] =	vst v63  }
0x117: {  	_ =	swait.ge [sflag:s7], $0x4000  }
0x118: {  	s18 =	sld [smem:$0x7F5]  }
0x119: {  	[sflag:s7] =	ssyncset.done $0x0  }
0x11a: {  	[sflag:s7] =	ssyncadd.s32 $0xFFFFC000  }
0x11b: {  	[hbm4b:s18+s8] =	stream.strided.scatter [tilespmem:s6], [sflag:$0x2], $0x4000, s9, s8, $0x38;
	[tilespmem:$0x4200] =	vst v63  }
0x11c: {  	_ =	swait.ge [sflag:s4], $0x4000  }
0x11d: {  	s19 =	sld [smem:$0x7F6]  }
0x11e: {  	[sflag:s4] =	ssyncset.done $0x0  }
0x11f: {  	[sflag:s4] =	ssyncadd.s32 $0xFFFFC000  }
0x120: {  	[tilespmem:s2], [sflag:$0x2] =	stream.linear.gather [hbm4b:s19+s2], $0x200, $0x38;
	[tilespmem:$0x4200] =	vst v63  }
0x121: {  	_ =	swait.ge [sflag:s4], $0x200  }
0x122: {  	s20 =	sld [smem:$0x7F7]  }
0x123: {  	[sflag:s4] =	ssyncset.done $0x0  }
0x124: {  	[sflag:s4] =	ssyncadd.s32 $0xFFFFFE00  }
0x125: {  	[tilespmem:s6], [sflag:$0x1] =	stream.indirect.gather [hbm4b:s20+s6], $0x20, s2, s6, $0xb8;
	[tilespmem:$0x4200] =	vst v63  }
0x126: {  	_ =	swait.ge [sflag:s7], $0x4000  }
0x127: {  	s21 =	sld [smem:$0x7F8]  }
0x128: {  	[sflag:s7] =	ssyncset.done $0x0  }
0x129: {  	[sflag:s7] =	ssyncadd.s32 $0xFFFFC000  }
0x12a: {  	[hbm4b:s21+s8] =	stream.strided.scatter [tilespmem:s6], [sflag:$0x2], $0x4000, s9, s8, $0x38;
	[tilespmem:$0x4200] =	vst v63  }
0x12b: {  	_ =	swait.ge [sflag:s4], $0x4000  }
0x12c: {  	s22 =	sld [smem:$0x7F9]  }
0x12d: {  	[sflag:s4] =	ssyncset.done $0x0  }
0x12e: {  	[sflag:s4] =	ssyncadd.s32 $0xFFFFC000  }
0x12f: {  	[tilespmem:s2], [sflag:$0x2] =	stream.linear.gather [hbm4b:s22+s2], $0x200, $0x38;
	[tilespmem:$0x4200] =	vst v63  }
0x130: {  	_ =	swait.ge [sflag:s4], $0x200  }
0x131: {  	s23 =	sld [smem:$0x7FA]  }
0x132: {  	[sflag:s4] =	ssyncset.done $0x0  }
0x133: {  	[sflag:s4] =	ssyncadd.s32 $0xFFFFFE00  }
0x134: {  	[tilespmem:s6], [sflag:$0x1] =	stream.indirect.gather [hbm4b:s23+s6], $0x20, s2, s6, $0xb8;
	[tilespmem:$0x4200] =	vst v63  }
0x135: {  	_ =	swait.ge [sflag:s7], $0x4000  }
0x136: {  	s24 =	sld [smem:$0x7FB]  }
0x137: {  	[sflag:s7] =	ssyncset.done $0x0  }
0x138: {  	[sflag:s7] =	ssyncadd.s32 $0xFFFFC000  }
0x139: {  	[hbm4b:s24+s8] =	stream.strided.scatter [tilespmem:s6], [sflag:$0x2], $0x4000, s9, s8, $0x38;
	[tilespmem:$0x4200] =	vst v63  }
0x13a: {  	_ =	swait.ge [sflag:s4], $0x4000  }
0x13b: {  	s25 =	sld [smem:$0x7FC]  }
0x13c: {  	[sflag:s4] =	ssyncset.done $0x0  }
0x13d: {  	[sflag:s4] =	ssyncadd.s32 $0xFFFFC000  }
0x13e: {  	[tilespmem:s2], [sflag:$0x2] =	stream.linear.gather [hbm4b:s25+s2], $0x200, $0x38;
	[tilespmem:$0x4200] =	vst v63  }
0x13f: {  	_ =	swait.ge [sflag:s4], $0x200  }
0x140: {  	s26 =	sld [smem:$0x7FD]  }
0x141: {  	[sflag:s4] =	ssyncset.done $0x0  }
0x142: {  	[sflag:s4] =	ssyncadd.s32 $0xFFFFFE00  }
0x143: {  	[tilespmem:s6], [sflag:$0x1] =	stream.indirect.gather [hbm4b:s26+s6], $0x20, s2, s6, $0xb8;
	[tilespmem:$0x4200] =	vst v63  }
0x144: {  	_ =	swait.ge [sflag:s7], $0x4000  }
0x145: {  	[sflag:s7] =	ssyncset.done $0x0  }
0x146: {  	s10 =	sadd.s32 $0x324C, s31;
	[sflag:s7] =	ssyncadd.s32 $0xFFFFC000  }
0x147: {  	[hbm4b:s10+s8] =	stream.strided.scatter [tilespmem:s6], [sflag:$0x2], $0x4000, s9, s8, $0x38;
	[tilespmem:$0x4200] =	vst v63  }
0x148: {  	_ =	swait.ge [sflag:s4], $0x4000  }
0x149: {  	[sflag:s4] =	ssyncset.done $0x0  }
0x14a: {  	s11 =	sadd.s32 $0xA000, s3;
	[sflag:s4] =	ssyncadd.s32 $0xFFFFC000  }
0x14b: {  	[tilespmem:s2], [sflag:$0x2] =	stream.linear.gather [hbm4b:s11+s2], $0x200, $0x38;
	[tilespmem:$0x4200] =	vst v63  }
0x14c: {  	_ =	swait.ge [sflag:s4], $0x200  }
0x14d: {  	[sflag:s4] =	ssyncset.done $0x0  }
0x14e: {  	s12 =	sadd.s32 $0x2F50800, s28;
	[sflag:s4] =	ssyncadd.s32 $0xFFFFFE00  }
0x14f: {  	[tilespmem:s6], [sflag:$0x1] =	stream.indirect.gather [hbm4b:s12+s6], $0x20, s2, s6, $0xb8;
	[tilespmem:$0x4200] =	vst v63  }
0x150: {  	_ =	swait.ge [sflag:s7], $0x4000  }
0x151: {  	[sflag:s7] =	ssyncset.done $0x0  }
0x152: {  	s13 =	sadd.s32 $0x3250, s31;
	[sflag:s7] =	ssyncadd.s32 $0xFFFFC000  }
0x153: {  	[hbm4b:s13+s8] =	stream.strided.scatter [tilespmem:s6], [sflag:$0x2], $0x4000, s9, s8, $0x38;
	[tilespmem:$0x4200] =	vst v63  }
0x154: {  	_ =	swait.ge [sflag:s4], $0x4000  }
0x155: {  	[sflag:s4] =	ssyncset.done $0x0  }
0x156: {  	s14 =	sadd.s32 $0xA800, s3;
	[sflag:s4] =	ssyncadd.s32 $0xFFFFC000  }
0x157: {  	[tilespmem:s2], [sflag:$0x2] =	stream.linear.gather [hbm4b:s14+s2], $0x200, $0x38;
	[tilespmem:$0x4200] =	vst v63  }
0x158: {  	_ =	swait.ge [sflag:s4], $0x200  }
0x159: {  	[sflag:s4] =	ssyncset.done $0x0  }
0x15a: {  	s15 =	sadd.s32 $0x2FB2280, s28;
	[sflag:s4] =	ssyncadd.s32 $0xFFFFFE00  }
0x15b: {  	[tilespmem:s6], [sflag:$0x1] =	stream.indirect.gather [hbm4b:s15+s6], $0x20, s2, s6, $0xb8;
	[tilespmem:$0x4200] =	vst v63  }
0x15c: {  	_ =	swait.ge [sflag:s7], $0x4000  }
0x15d: {  	[sflag:s7] =	ssyncset.done $0x0  }
0x15e: {  	s16 =	sadd.s32 $0x3254, s31;
	[sflag:s7] =	ssyncadd.s32 $0xFFFFC000  }
0x15f: {  	[hbm4b:s16+s8] =	stream.strided.scatter [tilespmem:s6], [sflag:$0x2], $0x4000, s9, s8, $0x38;
	[tilespmem:$0x4200] =	vst v63  }
0x160: {  	_ =	swait.ge [sflag:s4], $0x4000  }
0x161: {  	[sflag:s4] =	ssyncset.done $0x0  }
0x162: {  	s17 =	sadd.s32 $0xB000, s3;
	[sflag:s4] =	ssyncadd.s32 $0xFFFFC000  }
0x163: {  	[tilespmem:s2], [sflag:$0x2] =	stream.linear.gather [hbm4b:s17+s2], $0x200, $0x38;
	[tilespmem:$0x4200] =	vst v63  }
0x164: {  	_ =	swait.ge [sflag:s4], $0x200  }
0x165: {  	[sflag:s4] =	ssyncset.done $0x0  }
0x166: {  	s18 =	sadd.s32 $0x3013D00, s28;
	[sflag:s4] =	ssyncadd.s32 $0xFFFFFE00  }
0x167: {  	[tilespmem:s6], [sflag:$0x1] =	stream.indirect.gather [hbm4b:s18+s6], $0x20, s2, s6, $0xb8;
	[tilespmem:$0x4200] =	vst v63  }
0x168: {  	_ =	swait.ge [sflag:s7], $0x4000  }
0x169: {  	[sflag:s7] =	ssyncset.done $0x0  }
0x16a: {  	s19 =	sadd.s32 $0x3258, s31;
	[sflag:s7] =	ssyncadd.s32 $0xFFFFC000  }
0x16b: {  	[hbm4b:s19+s8] =	stream.strided.scatter [tilespmem:s6], [sflag:$0x2], $0x4000, s9, s8, $0x38;
	[tilespmem:$0x4200] =	vst v63  }
0x16c: {  	_ =	swait.ge [sflag:s4], $0x4000  }
0x16d: {  	[sflag:s4] =	ssyncset.done $0x0  }
0x16e: {  	s20 =	sadd.s32 $0xB800, s3;
	[sflag:s4] =	ssyncadd.s32 $0xFFFFC000  }
0x16f: {  	[tilespmem:s2], [sflag:$0x2] =	stream.linear.gather [hbm4b:s20+s2], $0x200, $0x38;
	[tilespmem:$0x4200] =	vst v63  }
0x170: {  	_ =	swait.ge [sflag:s4], $0x200  }
0x171: {  	[sflag:s4] =	ssyncset.done $0x0  }
0x172: {  	s21 =	sadd.s32 $0x3075780, s28;
	[sflag:s4] =	ssyncadd.s32 $0xFFFFFE00  }
0x173: {  	[tilespmem:s6], [sflag:$0x1] =	stream.indirect.gather [hbm4b:s21+s6], $0x20, s2, s6, $0xb8;
	[tilespmem:$0x4200] =	vst v63  }
0x174: {  	_ =	swait.ge [sflag:s7], $0x4000  }
0x175: {  	[sflag:s7] =	ssyncset.done $0x0  }
0x176: {  	s22 =	sadd.s32 $0x325C, s31;
	[sflag:s7] =	ssyncadd.s32 $0xFFFFC000  }
0x177: {  	[hbm4b:s22+s8] =	stream.strided.scatter [tilespmem:s6], [sflag:$0x2], $0x4000, s9, s8, $0x38;
	[tilespmem:$0x4200] =	vst v63  }
0x178: {  	_ =	swait.ge [sflag:s4], $0x4000  }
0x179: {  	[sflag:s4] =	ssyncset.done $0x0  }
0x17a: {  	s23 =	sadd.s32 $0xC000, s3;
	[sflag:s4] =	ssyncadd.s32 $0xFFFFC000  }
0x17b: {  	[tilespmem:s2], [sflag:$0x2] =	stream.linear.gather [hbm4b:s23+s2], $0x200, $0x38;
	[tilespmem:$0x4200] =	vst v63  }
0x17c: {  	_ =	swait.ge [sflag:s4], $0x200  }
0x17d: {  	[sflag:s4] =	ssyncset.done $0x0  }
0x17e: {  	s24 =	sadd.s32 $0x30D7200, s28;
	[sflag:s4] =	ssyncadd.s32 $0xFFFFFE00  }
0x17f: {  	[tilespmem:s6], [sflag:$0x1] =	stream.indirect.gather [hbm4b:s24+s6], $0x20, s2, s6, $0xb8;
	[tilespmem:$0x4200] =	vst v63  }
0x180: {  	_ =	swait.ge [sflag:s7], $0x4000  }
0x181: {  	[sflag:s7] =	ssyncset.done $0x0  }
0x182: {  	s25 =	sadd.s32 $0x3260, s31;
	[sflag:s7] =	ssyncadd.s32 $0xFFFFC000  }
0x183: {  	[hbm4b:s25+s8] =	stream.strided.scatter [tilespmem:s6], [sflag:$0x2], $0x4000, s9, s8, $0x38;
	[tilespmem:$0x4200] =	vst v63  }
0x184: {  	_ =	swait.ge [sflag:s4], $0x4000  }
0x185: {  	[sflag:s4] =	ssyncset.done $0x0  }
0x186: {  	s26 =	sadd.s32 $0xC800, s3;
	[sflag:s4] =	ssyncadd.s32 $0xFFFFC000  }
0x187: {  	[tilespmem:s2], [sflag:$0x2] =	stream.linear.gather [hbm4b:s26+s2], $0x200, $0x38;
	[tilespmem:$0x4200] =	vst v63  }
0x188: {  	_ =	swait.ge [sflag:s4], $0x200  }
0x189: {  	[sflag:s4] =	ssyncset.done $0x0  }
0x18a: {  	s28 =	sadd.s32 $0x3138C80, s28;
	[sflag:s4] =	ssyncadd.s32 $0xFFFFFE00  }
0x18b: {  	[tilespmem:s6], [sflag:$0x1] =	stream.indirect.gather [hbm4b:s28+s6], $0x20, s2, s6, $0xb8;
	[tilespmem:$0x4200] =	vst v63  }
0x18c: {  	_ =	swait.ge [sflag:s7], $0x4000  }
0x18d: {  	[sflag:s7] =	ssyncset.done $0x0  }
0x18e: {  	s29 =	sadd.s32 $0x3264, s31;
	[sflag:s7] =	ssyncadd.s32 $0xFFFFC000  }
0x18f: {  	[hbm4b:s29+s8] =	stream.strided.scatter [tilespmem:s6], [sflag:$0x2], $0x4000, s9, s8, $0x38;
	[tilespmem:$0x4200] =	vst v63  }
0x190: {  	_ =	swait.ge [sflag:s4], $0x4000  }
0x191: {  	[sflag:s4] =	ssyncset.done $0x0  }
0x192: {  	[sflag:s4] =	ssyncadd.s32 $0xFFFFC000  }
0x193: {  	[tilespmem:s2], [sflag:$0x2] =	stream.linear.gather [hbm4b:s3+s2], $0x200, $0x38;
	[tilespmem:$0x4200] =	vst v63  }
0x194: {  	_ =	swait.ge [sflag:s4], $0x200  }
0x195: {  	[sflag:s4] =	ssyncset.done $0x0  }
0x196: {  	[sflag:s4] =	ssyncadd.s32 $0xFFFFFE00  }
0x197: {  	[tilespmem:s6], [sflag:$0x1] =	stream.indirect.gather [hbm4b:s5+s6], $0x20, s2, s6, $0xb8;
	[tilespmem:$0x4200] =	vst v63  }
0x198: {  	_ =	swait.ge [sflag:s7], $0x4000  }
0x199: {  	[sflag:s7] =	ssyncset.done $0x0  }
0x19a: {  	s30 =	sadd.s32 $0x3268, s31;
	[sflag:s7] =	ssyncadd.s32 $0xFFFFC000  }
0x19b: {  	[hbm4b:s30+s8] =	stream.strided.scatter [tilespmem:s6], [sflag:$0x2], $0x4000, s9, s8, $0x38;
	[tilespmem:$0x4200] =	vst v63  }
0x19c: {  	_ =	swait.ge [sflag:s4], $0x4000  }
0x19d: {  	[sflag:s4] =	ssyncset.done $0x0  }
0x19e: {  	s1 =	ssub.s32 $0x2, s1;
	[sflag:s4] =	ssyncadd.s32 $0xFFFFC000  }
0x19f: {  	[tilespmem:s2], [sflag:$0x2] =	stream.linear.gather [hbm4b:s3+s2], $0x200, $0x38;
	[tilespmem:$0x4200] =	vst v63  }
0x1a0: {  	s0 =	sshrl.u32 s1, $0x1;
	_ =	swait.ge [sflag:s4], $0x200  }
0x1a1: {  	s0 =	ssub.s32 s1, s0;
	[sflag:s4] =	ssyncset.done $0x0  }
0x1a2: {  	s0 =	smax.u32 s0, $0x1;
	[sflag:s4] =	ssyncadd.s32 $0xFFFFFE00  }
0x1a3: {  	[tilespmem:s6], [sflag:$0x1] =	stream.indirect.gather [hbm4b:s5+s6], $0x20, s2, s6, $0xb8;
	[tilespmem:$0x4200] =	vst v63  }
0x1a4: {  	p0 =	sne.s32 s0, $0x1;
	_ =	swait.ge [sflag:s7], $0x4000  }
.Ltmp0:
0x1a5: {  	[sflag:s7] =	ssyncset.done $0x0;
	(pc) =	sbr.rel @!p0 .LBB2_2-.Ltmp0, $4  }
0x1a6: {  	s31 =	sadd.s32 $0x326C, s31;
	[sflag:s7] =	ssyncadd.s32 $0xFFFFC000  }
0x1a7: {  	[hbm4b:s31+s8] =	stream.strided.scatter [tilespmem:s6], [sflag:$0x2], $0x4000, s9, s8, $0x38;
	[tilespmem:$0x4200] =	vst v63  }
0x1a8: {  	_ =	swait.ge [sflag:s4], $0x4000  }
0x1a9: {  	s1 =	sadd.s32 $0xFFFFFFFF, s0;
	[sflag:s4] =	ssyncset.done $0x0  }
.LBB2_1:
0x1aa: {  	[sflag:s4] =	ssyncadd.s32 $0xFFFFC000  }
0x1ab: {  	[tilespmem:s2], [sflag:$0x2] =	stream.linear.gather [hbm4b:s3+s2], $0x200, $0x38;
	[tilespmem:$0x4200] =	vst v63  }
0x1ac: {  	_ =	swait.ge [sflag:s4], $0x200  }
0x1ad: {  	[sflag:s4] =	ssyncset.done $0x0  }
0x1ae: {  	[sflag:s4] =	ssyncadd.s32 $0xFFFFFE00  }
0x1af: {  	[tilespmem:s6], [sflag:$0x1] =	stream.indirect.gather [hbm4b:s5+s6], $0x20, s2, s6, $0xb8;
	[tilespmem:$0x4200] =	vst v63  }
0x1b0: {  	_ =	swait.ge [sflag:s7], $0x4000  }
0x1b1: {  	[sflag:s7] =	ssyncset.done $0x0  }
0x1b2: {  	s0 =	rddreg [dreg:$0x3];
	[sflag:s7] =	ssyncadd.s32 $0xFFFFC000  }
0x1b3: {  	[hbm4b:s0+s8] =	stream.strided.scatter [tilespmem:s6], [sflag:$0x2], $0x4000, s9, s8, $0x38;
	[tilespmem:$0x4200] =	vst v63  }
0x1b4: {  	_ =	swait.ge [sflag:s4], $0x4000  }
0x1b5: {  	[sflag:s4] =	ssyncset.done $0x0  }
0x1b6: {  	s0 =	rddreg [dreg:$0x4];
	[sflag:s4] =	ssyncadd.s32 $0xFFFFC000  }
0x1b7: {  	[tilespmem:s2], [sflag:$0x2] =	stream.linear.gather [hbm4b:s0+s2], $0x200, $0x38;
	[tilespmem:$0x4200] =	vst v63  }
0x1b8: {  	_ =	swait.ge [sflag:s4], $0x200  }
0x1b9: {  	[sflag:s4] =	ssyncset.done $0x0  }
0x1ba: {  	s0 =	rddreg [dreg:$0x5];
	[sflag:s4] =	ssyncadd.s32 $0xFFFFFE00  }
0x1bb: {  	[tilespmem:s6], [sflag:$0x1] =	stream.indirect.gather [hbm4b:s0+s6], $0x20, s2, s6, $0xb8;
	[tilespmem:$0x4200] =	vst v63  }
0x1bc: {  	_ =	swait.ge [sflag:s7], $0x4000  }
0x1bd: {  	[sflag:s7] =	ssyncset.done $0x0  }
0x1be: {  	s0 =	rddreg [dreg:$0x6];
	[sflag:s7] =	ssyncadd.s32 $0xFFFFC000  }
0x1bf: {  	[hbm4b:s0+s8] =	stream.strided.scatter [tilespmem:s6], [sflag:$0x2], $0x4000, s9, s8, $0x38;
	[tilespmem:$0x4200] =	vst v63  }
0x1c0: {  	_ =	swait.ge [sflag:s4], $0x4000  }
0x1c1: {  	[sflag:s4] =	ssyncset.done $0x0  }
0x1c2: {  	s0 =	rddreg [dreg:$0x7];
	[sflag:s4] =	ssyncadd.s32 $0xFFFFC000  }
0x1c3: {  	[tilespmem:s2], [sflag:$0x2] =	stream.linear.gather [hbm4b:s0+s2], $0x200, $0x38;
	[tilespmem:$0x4200] =	vst v63  }
0x1c4: {  	_ =	swait.ge [sflag:s4], $0x200  }
0x1c5: {  	[sflag:s4] =	ssyncset.done $0x0  }
0x1c6: {  	s0 =	rddreg [dreg:$0x8];
	[sflag:s4] =	ssyncadd.s32 $0xFFFFFE00  }
0x1c7: {  	[tilespmem:s6], [sflag:$0x1] =	stream.indirect.gather [hbm4b:s0+s6], $0x20, s2, s6, $0xb8;
	[tilespmem:$0x4200] =	vst v63  }
0x1c8: {  	_ =	swait.ge [sflag:s7], $0x4000  }
0x1c9: {  	[sflag:s7] =	ssyncset.done $0x0  }
0x1ca: {  	s0 =	rddreg [dreg:$0x9];
	[sflag:s7] =	ssyncadd.s32 $0xFFFFC000  }
0x1cb: {  	[hbm4b:s0+s8] =	stream.strided.scatter [tilespmem:s6], [sflag:$0x2], $0x4000, s9, s8, $0x38;
	[tilespmem:$0x4200] =	vst v63  }
0x1cc: {  	_ =	swait.ge [sflag:s4], $0x4000  }
0x1cd: {  	[sflag:s4] =	ssyncset.done $0x0  }
0x1ce: {  	s0 =	rddreg [dreg:$0xa];
	[sflag:s4] =	ssyncadd.s32 $0xFFFFC000  }
0x1cf: {  	[tilespmem:s2], [sflag:$0x2] =	stream.linear.gather [hbm4b:s0+s2], $0x200, $0x38;
	[tilespmem:$0x4200] =	vst v63  }
0x1d0: {  	_ =	swait.ge [sflag:s4], $0x200  }
0x1d1: {  	[sflag:s4] =	ssyncset.done $0x0  }
0x1d2: {  	s0 =	rddreg [dreg:$0xb];
	[sflag:s4] =	ssyncadd.s32 $0xFFFFFE00  }
0x1d3: {  	[tilespmem:s6], [sflag:$0x1] =	stream.indirect.gather [hbm4b:s0+s6], $0x20, s2, s6, $0xb8;
	[tilespmem:$0x4200] =	vst v63  }
0x1d4: {  	_ =	swait.ge [sflag:s7], $0x4000  }
0x1d5: {  	[sflag:s7] =	ssyncset.done $0x0  }
0x1d6: {  	s0 =	rddreg [dreg:$0xc];
	[sflag:s7] =	ssyncadd.s32 $0xFFFFC000  }
0x1d7: {  	[hbm4b:s0+s8] =	stream.strided.scatter [tilespmem:s6], [sflag:$0x2], $0x4000, s9, s8, $0x38;
	[tilespmem:$0x4200] =	vst v63  }
0x1d8: {  	_ =	swait.ge [sflag:s4], $0x4000  }
0x1d9: {  	[sflag:s4] =	ssyncset.done $0x0  }
0x1da: {  	s0 =	rddreg [dreg:$0xd];
	[sflag:s4] =	ssyncadd.s32 $0xFFFFC000  }
0x1db: {  	[tilespmem:s2], [sflag:$0x2] =	stream.linear.gather [hbm4b:s0+s2], $0x200, $0x38;
	[tilespmem:$0x4200] =	vst v63  }
0x1dc: {  	_ =	swait.ge [sflag:s4], $0x200  }
0x1dd: {  	[sflag:s4] =	ssyncset.done $0x0  }
0x1de: {  	s0 =	rddreg [dreg:$0xe];
	[sflag:s4] =	ssyncadd.s32 $0xFFFFFE00  }
0x1df: {  	[tilespmem:s6], [sflag:$0x1] =	stream.indirect.gather [hbm4b:s0+s6], $0x20, s2, s6, $0xb8;
	[tilespmem:$0x4200] =	vst v63  }
0x1e0: {  	_ =	swait.ge [sflag:s7], $0x4000  }
0x1e1: {  	[sflag:s7] =	ssyncset.done $0x0  }
0x1e2: {  	s0 =	rddreg [dreg:$0xf];
	[sflag:s7] =	ssyncadd.s32 $0xFFFFC000  }
0x1e3: {  	[hbm4b:s0+s8] =	stream.strided.scatter [tilespmem:s6], [sflag:$0x2], $0x4000, s9, s8, $0x38;
	[tilespmem:$0x4200] =	vst v63  }
0x1e4: {  	_ =	swait.ge [sflag:s4], $0x4000  }
0x1e5: {  	[sflag:s4] =	ssyncset.done $0x0  }
0x1e6: {  	s0 =	rddreg [dreg:$0x10];
	[sflag:s4] =	ssyncadd.s32 $0xFFFFC000  }
0x1e7: {  	[tilespmem:s2], [sflag:$0x2] =	stream.linear.gather [hbm4b:s0+s2], $0x200, $0x38;
	[tilespmem:$0x4200] =	vst v63  }
0x1e8: {  	_ =	swait.ge [sflag:s4], $0x200  }
0x1e9: {  	[sflag:s4] =	ssyncset.done $0x0  }
0x1ea: {  	s0 =	rddreg [dreg:$0x11];
	[sflag:s4] =	ssyncadd.s32 $0xFFFFFE00  }
0x1eb: {  	[tilespmem:s6], [sflag:$0x1] =	stream.indirect.gather [hbm4b:s0+s6], $0x20, s2, s6, $0xb8;
	[tilespmem:$0x4200] =	vst v63  }
0x1ec: {  	_ =	swait.ge [sflag:s7], $0x4000  }
0x1ed: {  	[sflag:s7] =	ssyncset.done $0x0  }
0x1ee: {  	s0 =	rddreg [dreg:$0x12];
	[sflag:s7] =	ssyncadd.s32 $0xFFFFC000  }
0x1ef: {  	[hbm4b:s0+s8] =	stream.strided.scatter [tilespmem:s6], [sflag:$0x2], $0x4000, s9, s8, $0x38;
	[tilespmem:$0x4200] =	vst v63  }
0x1f0: {  	_ =	swait.ge [sflag:s4], $0x4000  }
0x1f1: {  	[sflag:s4] =	ssyncset.done $0x0  }
0x1f2: {  	s0 =	rddreg [dreg:$0x13];
	[sflag:s4] =	ssyncadd.s32 $0xFFFFC000  }
0x1f3: {  	[tilespmem:s2], [sflag:$0x2] =	stream.linear.gather [hbm4b:s0+s2], $0x200, $0x38;
	[tilespmem:$0x4200] =	vst v63  }
0x1f4: {  	_ =	swait.ge [sflag:s4], $0x200  }
0x1f5: {  	[sflag:s4] =	ssyncset.done $0x0  }
0x1f6: {  	s0 =	rddreg [dreg:$0x14];
	[sflag:s4] =	ssyncadd.s32 $0xFFFFFE00  }
0x1f7: {  	[tilespmem:s6], [sflag:$0x1] =	stream.indirect.gather [hbm4b:s0+s6], $0x20, s2, s6, $0xb8;
	[tilespmem:$0x4200] =	vst v63  }
0x1f8: {  	_ =	swait.ge [sflag:s7], $0x4000  }
0x1f9: {  	[sflag:s7] =	ssyncset.done $0x0  }
0x1fa: {  	s0 =	rddreg [dreg:$0x15];
	[sflag:s7] =	ssyncadd.s32 $0xFFFFC000  }
0x1fb: {  	[hbm4b:s0+s8] =	stream.strided.scatter [tilespmem:s6], [sflag:$0x2], $0x4000, s9, s8, $0x38;
	[tilespmem:$0x4200] =	vst v63  }
0x1fc: {  	_ =	swait.ge [sflag:s4], $0x4000  }
0x1fd: {  	[sflag:s4] =	ssyncset.done $0x0  }
0x1fe: {  	s0 =	rddreg [dreg:$0x16];
	[sflag:s4] =	ssyncadd.s32 $0xFFFFC000  }
0x1ff: {  	[tilespmem:s2], [sflag:$0x2] =	stream.linear.gather [hbm4b:s0+s2], $0x200, $0x38;
	[tilespmem:$0x4200] =	vst v63  }
0x200: {  	_ =	swait.ge [sflag:s4], $0x200  }
0x201: {  	[sflag:s4] =	ssyncset.done $0x0  }
0x202: {  	s0 =	rddreg [dreg:$0x17];
	[sflag:s4] =	ssyncadd.s32 $0xFFFFFE00  }
0x203: {  	[tilespmem:s6], [sflag:$0x1] =	stream.indirect.gather [hbm4b:s0+s6], $0x20, s2, s6, $0xb8;
	[tilespmem:$0x4200] =	vst v63  }
0x204: {  	_ =	swait.ge [sflag:s7], $0x4000  }
0x205: {  	[sflag:s7] =	ssyncset.done $0x0  }
0x206: {  	s0 =	rddreg [dreg:$0x18];
	[sflag:s7] =	ssyncadd.s32 $0xFFFFC000  }
0x207: {  	[hbm4b:s0+s8] =	stream.strided.scatter [tilespmem:s6], [sflag:$0x2], $0x4000, s9, s8, $0x38;
	[tilespmem:$0x4200] =	vst v63  }
0x208: {  	_ =	swait.ge [sflag:s4], $0x4000  }
0x209: {  	[sflag:s4] =	ssyncset.done $0x0  }
0x20a: {  	s0 =	rddreg [dreg:$0x19];
	[sflag:s4] =	ssyncadd.s32 $0xFFFFC000  }
0x20b: {  	[tilespmem:s2], [sflag:$0x2] =	stream.linear.gather [hbm4b:s0+s2], $0x200, $0x38;
	[tilespmem:$0x4200] =	vst v63  }
0x20c: {  	_ =	swait.ge [sflag:s4], $0x200  }
0x20d: {  	[sflag:s4] =	ssyncset.done $0x0  }
0x20e: {  	s0 =	rddreg [dreg:$0x1a];
	[sflag:s4] =	ssyncadd.s32 $0xFFFFFE00  }
0x20f: {  	[tilespmem:s6], [sflag:$0x1] =	stream.indirect.gather [hbm4b:s0+s6], $0x20, s2, s6, $0xb8;
	[tilespmem:$0x4200] =	vst v63  }
0x210: {  	_ =	swait.ge [sflag:s7], $0x4000  }
0x211: {  	[sflag:s7] =	ssyncset.done $0x0  }
0x212: {  	s0 =	rddreg [dreg:$0x1b];
	[sflag:s7] =	ssyncadd.s32 $0xFFFFC000  }
0x213: {  	[hbm4b:s0+s8] =	stream.strided.scatter [tilespmem:s6], [sflag:$0x2], $0x4000, s9, s8, $0x38;
	[tilespmem:$0x4200] =	vst v63  }
0x214: {  	_ =	swait.ge [sflag:s4], $0x4000  }
0x215: {  	[sflag:s4] =	ssyncset.done $0x0  }
0x216: {  	s0 =	rddreg [dreg:$0x1c];
	[sflag:s4] =	ssyncadd.s32 $0xFFFFC000  }
0x217: {  	[tilespmem:s2], [sflag:$0x2] =	stream.linear.gather [hbm4b:s0+s2], $0x200, $0x38;
	[tilespmem:$0x4200] =	vst v63  }
0x218: {  	_ =	swait.ge [sflag:s4], $0x200  }
0x219: {  	[sflag:s4] =	ssyncset.done $0x0  }
0x21a: {  	s0 =	rddreg [dreg:$0x1d];
	[sflag:s4] =	ssyncadd.s32 $0xFFFFFE00  }
0x21b: {  	[tilespmem:s6], [sflag:$0x1] =	stream.indirect.gather [hbm4b:s0+s6], $0x20, s2, s6, $0xb8;
	[tilespmem:$0x4200] =	vst v63  }
0x21c: {  	_ =	swait.ge [sflag:s7], $0x4000  }
0x21d: {  	[sflag:s7] =	ssyncset.done $0x0  }
0x21e: {  	s0 =	rddreg [dreg:$0x1e];
	[sflag:s7] =	ssyncadd.s32 $0xFFFFC000  }
0x21f: {  	[hbm4b:s0+s8] =	stream.strided.scatter [tilespmem:s6], [sflag:$0x2], $0x4000, s9, s8, $0x38;
	[tilespmem:$0x4200] =	vst v63  }
0x220: {  	_ =	swait.ge [sflag:s4], $0x4000  }
0x221: {  	[sflag:s4] =	ssyncset.done $0x0  }
0x222: {  	s0 =	rddreg [dreg:$0x1f];
	[sflag:s4] =	ssyncadd.s32 $0xFFFFC000  }
0x223: {  	[tilespmem:s2], [sflag:$0x2] =	stream.linear.gather [hbm4b:s0+s2], $0x200, $0x38;
	[tilespmem:$0x4200] =	vst v63  }
0x224: {  	_ =	swait.ge [sflag:s4], $0x200  }
0x225: {  	s0 =	sld [smem:$0x7E2]  }
0x226: {  	[sflag:s4] =	ssyncset.done $0x0  }
0x227: {  	[sflag:s4] =	ssyncadd.s32 $0xFFFFFE00  }
0x228: {  	[tilespmem:s6], [sflag:$0x1] =	stream.indirect.gather [hbm4b:s0+s6], $0x20, s2, s6, $0xb8;
	[tilespmem:$0x4200] =	vst v63  }
0x229: {  	_ =	swait.ge [sflag:s7], $0x4000  }
0x22a: {  	s0 =	sld [smem:$0x7E3]  }
0x22b: {  	[sflag:s7] =	ssyncset.done $0x0  }
0x22c: {  	[sflag:s7] =	ssyncadd.s32 $0xFFFFC000  }
0x22d: {  	[hbm4b:s0+s8] =	stream.strided.scatter [tilespmem:s6], [sflag:$0x2], $0x4000, s9, s8, $0x38;
	[tilespmem:$0x4200] =	vst v63  }
0x22e: {  	_ =	swait.ge [sflag:s4], $0x4000  }
0x22f: {  	s0 =	sld [smem:$0x7E4]  }
0x230: {  	[sflag:s4] =	ssyncset.done $0x0  }
0x231: {  	[sflag:s4] =	ssyncadd.s32 $0xFFFFC000  }
0x232: {  	[tilespmem:s2], [sflag:$0x2] =	stream.linear.gather [hbm4b:s0+s2], $0x200, $0x38;
	[tilespmem:$0x4200] =	vst v63  }
0x233: {  	_ =	swait.ge [sflag:s4], $0x200  }
0x234: {  	s0 =	sld [smem:$0x7E5]  }
0x235: {  	[sflag:s4] =	ssyncset.done $0x0  }
0x236: {  	[sflag:s4] =	ssyncadd.s32 $0xFFFFFE00  }
0x237: {  	[tilespmem:s6], [sflag:$0x1] =	stream.indirect.gather [hbm4b:s0+s6], $0x20, s2, s6, $0xb8;
	[tilespmem:$0x4200] =	vst v63  }
0x238: {  	_ =	swait.ge [sflag:s7], $0x4000  }
0x239: {  	s0 =	sld [smem:$0x7E6]  }
0x23a: {  	[sflag:s7] =	ssyncset.done $0x0  }
0x23b: {  	[sflag:s7] =	ssyncadd.s32 $0xFFFFC000  }
0x23c: {  	[hbm4b:s0+s8] =	stream.strided.scatter [tilespmem:s6], [sflag:$0x2], $0x4000, s9, s8, $0x38;
	[tilespmem:$0x4200] =	vst v63  }
0x23d: {  	_ =	swait.ge [sflag:s4], $0x4000  }
0x23e: {  	s0 =	sld [smem:$0x7E7]  }
0x23f: {  	[sflag:s4] =	ssyncset.done $0x0  }
0x240: {  	[sflag:s4] =	ssyncadd.s32 $0xFFFFC000  }
0x241: {  	[tilespmem:s2], [sflag:$0x2] =	stream.linear.gather [hbm4b:s0+s2], $0x200, $0x38;
	[tilespmem:$0x4200] =	vst v63  }
0x242: {  	_ =	swait.ge [sflag:s4], $0x200  }
0x243: {  	s0 =	sld [smem:$0x7E8]  }
0x244: {  	[sflag:s4] =	ssyncset.done $0x0  }
0x245: {  	[sflag:s4] =	ssyncadd.s32 $0xFFFFFE00  }
0x246: {  	[tilespmem:s6], [sflag:$0x1] =	stream.indirect.gather [hbm4b:s0+s6], $0x20, s2, s6, $0xb8;
	[tilespmem:$0x4200] =	vst v63  }
0x247: {  	_ =	swait.ge [sflag:s7], $0x4000  }
0x248: {  	s0 =	sld [smem:$0x7E9]  }
0x249: {  	[sflag:s7] =	ssyncset.done $0x0  }
0x24a: {  	[sflag:s7] =	ssyncadd.s32 $0xFFFFC000  }
0x24b: {  	[hbm4b:s0+s8] =	stream.strided.scatter [tilespmem:s6], [sflag:$0x2], $0x4000, s9, s8, $0x38;
	[tilespmem:$0x4200] =	vst v63  }
0x24c: {  	_ =	swait.ge [sflag:s4], $0x4000  }
0x24d: {  	s0 =	sld [smem:$0x7EA]  }
0x24e: {  	[sflag:s4] =	ssyncset.done $0x0  }
0x24f: {  	[sflag:s4] =	ssyncadd.s32 $0xFFFFC000  }
0x250: {  	[tilespmem:s2], [sflag:$0x2] =	stream.linear.gather [hbm4b:s0+s2], $0x200, $0x38;
	[tilespmem:$0x4200] =	vst v63  }
0x251: {  	_ =	swait.ge [sflag:s4], $0x200  }
0x252: {  	s0 =	sld [smem:$0x7EB]  }
0x253: {  	[sflag:s4] =	ssyncset.done $0x0  }
0x254: {  	[sflag:s4] =	ssyncadd.s32 $0xFFFFFE00  }
0x255: {  	[tilespmem:s6], [sflag:$0x1] =	stream.indirect.gather [hbm4b:s0+s6], $0x20, s2, s6, $0xb8;
	[tilespmem:$0x4200] =	vst v63  }
0x256: {  	_ =	swait.ge [sflag:s7], $0x4000  }
0x257: {  	s0 =	sld [smem:$0x7EC]  }
0x258: {  	[sflag:s7] =	ssyncset.done $0x0  }
0x259: {  	[sflag:s7] =	ssyncadd.s32 $0xFFFFC000  }
0x25a: {  	[hbm4b:s0+s8] =	stream.strided.scatter [tilespmem:s6], [sflag:$0x2], $0x4000, s9, s8, $0x38;
	[tilespmem:$0x4200] =	vst v63  }
0x25b: {  	_ =	swait.ge [sflag:s4], $0x4000  }
0x25c: {  	s0 =	sld [smem:$0x7ED]  }
0x25d: {  	[sflag:s4] =	ssyncset.done $0x0  }
0x25e: {  	[sflag:s4] =	ssyncadd.s32 $0xFFFFC000  }
0x25f: {  	[tilespmem:s2], [sflag:$0x2] =	stream.linear.gather [hbm4b:s0+s2], $0x200, $0x38;
	[tilespmem:$0x4200] =	vst v63  }
0x260: {  	_ =	swait.ge [sflag:s4], $0x200  }
0x261: {  	s0 =	sld [smem:$0x7EE]  }
0x262: {  	[sflag:s4] =	ssyncset.done $0x0  }
0x263: {  	[sflag:s4] =	ssyncadd.s32 $0xFFFFFE00  }
0x264: {  	[tilespmem:s6], [sflag:$0x1] =	stream.indirect.gather [hbm4b:s0+s6], $0x20, s2, s6, $0xb8;
	[tilespmem:$0x4200] =	vst v63  }
0x265: {  	_ =	swait.ge [sflag:s7], $0x4000  }
0x266: {  	s0 =	sld [smem:$0x7EF]  }
0x267: {  	[sflag:s7] =	ssyncset.done $0x0  }
0x268: {  	[sflag:s7] =	ssyncadd.s32 $0xFFFFC000  }
0x269: {  	[hbm4b:s0+s8] =	stream.strided.scatter [tilespmem:s6], [sflag:$0x2], $0x4000, s9, s8, $0x38;
	[tilespmem:$0x4200] =	vst v63  }
0x26a: {  	_ =	swait.ge [sflag:s4], $0x4000  }
0x26b: {  	s0 =	sld [smem:$0x7F0]  }
0x26c: {  	[sflag:s4] =	ssyncset.done $0x0  }
0x26d: {  	[sflag:s4] =	ssyncadd.s32 $0xFFFFC000  }
0x26e: {  	[tilespmem:s2], [sflag:$0x2] =	stream.linear.gather [hbm4b:s0+s2], $0x200, $0x38;
	[tilespmem:$0x4200] =	vst v63  }
0x26f: {  	_ =	swait.ge [sflag:s4], $0x200  }
0x270: {  	s0 =	sld [smem:$0x7F1]  }
0x271: {  	[sflag:s4] =	ssyncset.done $0x0  }
0x272: {  	[sflag:s4] =	ssyncadd.s32 $0xFFFFFE00  }
0x273: {  	[tilespmem:s6], [sflag:$0x1] =	stream.indirect.gather [hbm4b:s0+s6], $0x20, s2, s6, $0xb8;
	[tilespmem:$0x4200] =	vst v63  }
0x274: {  	_ =	swait.ge [sflag:s7], $0x4000  }
0x275: {  	s0 =	sld [smem:$0x7F2]  }
0x276: {  	[sflag:s7] =	ssyncset.done $0x0  }
0x277: {  	[sflag:s7] =	ssyncadd.s32 $0xFFFFC000  }
0x278: {  	[hbm4b:s0+s8] =	stream.strided.scatter [tilespmem:s6], [sflag:$0x2], $0x4000, s9, s8, $0x38;
	[tilespmem:$0x4200] =	vst v63  }
0x279: {  	_ =	swait.ge [sflag:s4], $0x4000  }
0x27a: {  	s0 =	sld [smem:$0x7F3]  }
0x27b: {  	[sflag:s4] =	ssyncset.done $0x0  }
0x27c: {  	[sflag:s4] =	ssyncadd.s32 $0xFFFFC000  }
0x27d: {  	[tilespmem:s2], [sflag:$0x2] =	stream.linear.gather [hbm4b:s0+s2], $0x200, $0x38;
	[tilespmem:$0x4200] =	vst v63  }
0x27e: {  	_ =	swait.ge [sflag:s4], $0x200  }
0x27f: {  	s0 =	sld [smem:$0x7F4]  }
0x280: {  	[sflag:s4] =	ssyncset.done $0x0  }
0x281: {  	[sflag:s4] =	ssyncadd.s32 $0xFFFFFE00  }
0x282: {  	[tilespmem:s6], [sflag:$0x1] =	stream.indirect.gather [hbm4b:s0+s6], $0x20, s2, s6, $0xb8;
	[tilespmem:$0x4200] =	vst v63  }
0x283: {  	_ =	swait.ge [sflag:s7], $0x4000  }
0x284: {  	s0 =	sld [smem:$0x7F5]  }
0x285: {  	[sflag:s7] =	ssyncset.done $0x0  }
0x286: {  	[sflag:s7] =	ssyncadd.s32 $0xFFFFC000  }
0x287: {  	[hbm4b:s0+s8] =	stream.strided.scatter [tilespmem:s6], [sflag:$0x2], $0x4000, s9, s8, $0x38;
	[tilespmem:$0x4200] =	vst v63  }
0x288: {  	_ =	swait.ge [sflag:s4], $0x4000  }
0x289: {  	s0 =	sld [smem:$0x7F6]  }
0x28a: {  	[sflag:s4] =	ssyncset.done $0x0  }
0x28b: {  	[sflag:s4] =	ssyncadd.s32 $0xFFFFC000  }
0x28c: {  	[tilespmem:s2], [sflag:$0x2] =	stream.linear.gather [hbm4b:s0+s2], $0x200, $0x38;
	[tilespmem:$0x4200] =	vst v63  }
0x28d: {  	_ =	swait.ge [sflag:s4], $0x200  }
0x28e: {  	s0 =	sld [smem:$0x7F7]  }
0x28f: {  	[sflag:s4] =	ssyncset.done $0x0  }
0x290: {  	[sflag:s4] =	ssyncadd.s32 $0xFFFFFE00  }
0x291: {  	[tilespmem:s6], [sflag:$0x1] =	stream.indirect.gather [hbm4b:s0+s6], $0x20, s2, s6, $0xb8;
	[tilespmem:$0x4200] =	vst v63  }
0x292: {  	_ =	swait.ge [sflag:s7], $0x4000  }
0x293: {  	s0 =	sld [smem:$0x7F8]  }
0x294: {  	[sflag:s7] =	ssyncset.done $0x0  }
0x295: {  	[sflag:s7] =	ssyncadd.s32 $0xFFFFC000  }
0x296: {  	[hbm4b:s0+s8] =	stream.strided.scatter [tilespmem:s6], [sflag:$0x2], $0x4000, s9, s8, $0x38;
	[tilespmem:$0x4200] =	vst v63  }
0x297: {  	_ =	swait.ge [sflag:s4], $0x4000  }
0x298: {  	s0 =	sld [smem:$0x7F9]  }
0x299: {  	[sflag:s4] =	ssyncset.done $0x0  }
0x29a: {  	[sflag:s4] =	ssyncadd.s32 $0xFFFFC000  }
0x29b: {  	[tilespmem:s2], [sflag:$0x2] =	stream.linear.gather [hbm4b:s0+s2], $0x200, $0x38;
	[tilespmem:$0x4200] =	vst v63  }
0x29c: {  	_ =	swait.ge [sflag:s4], $0x200  }
0x29d: {  	s0 =	sld [smem:$0x7FA]  }
0x29e: {  	[sflag:s4] =	ssyncset.done $0x0  }
0x29f: {  	[sflag:s4] =	ssyncadd.s32 $0xFFFFFE00  }
0x2a0: {  	[tilespmem:s6], [sflag:$0x1] =	stream.indirect.gather [hbm4b:s0+s6], $0x20, s2, s6, $0xb8;
	[tilespmem:$0x4200] =	vst v63  }
0x2a1: {  	_ =	swait.ge [sflag:s7], $0x4000  }
0x2a2: {  	s0 =	sld [smem:$0x7FB]  }
0x2a3: {  	[sflag:s7] =	ssyncset.done $0x0  }
0x2a4: {  	[sflag:s7] =	ssyncadd.s32 $0xFFFFC000  }
0x2a5: {  	[hbm4b:s0+s8] =	stream.strided.scatter [tilespmem:s6], [sflag:$0x2], $0x4000, s9, s8, $0x38;
	[tilespmem:$0x4200] =	vst v63  }
0x2a6: {  	_ =	swait.ge [sflag:s4], $0x4000  }
0x2a7: {  	s0 =	sld [smem:$0x7FC]  }
0x2a8: {  	[sflag:s4] =	ssyncset.done $0x0  }
0x2a9: {  	[sflag:s4] =	ssyncadd.s32 $0xFFFFC000  }
0x2aa: {  	[tilespmem:s2], [sflag:$0x2] =	stream.linear.gather [hbm4b:s0+s2], $0x200, $0x38;
	[tilespmem:$0x4200] =	vst v63  }
0x2ab: {  	_ =	swait.ge [sflag:s4], $0x200  }
0x2ac: {  	s0 =	sld [smem:$0x7FD]  }
0x2ad: {  	[sflag:s4] =	ssyncset.done $0x0  }
0x2ae: {  	[sflag:s4] =	ssyncadd.s32 $0xFFFFFE00  }
0x2af: {  	[tilespmem:s6], [sflag:$0x1] =	stream.indirect.gather [hbm4b:s0+s6], $0x20, s2, s6, $0xb8;
	[tilespmem:$0x4200] =	vst v63  }
0x2b0: {  	_ =	swait.ge [sflag:s7], $0x4000  }
0x2b1: {  	[sflag:s7] =	ssyncset.done $0x0  }
0x2b2: {  	[sflag:s7] =	ssyncadd.s32 $0xFFFFC000  }
0x2b3: {  	[hbm4b:s10+s8] =	stream.strided.scatter [tilespmem:s6], [sflag:$0x2], $0x4000, s9, s8, $0x38;
	[tilespmem:$0x4200] =	vst v63  }
0x2b4: {  	_ =	swait.ge [sflag:s4], $0x4000  }
0x2b5: {  	[sflag:s4] =	ssyncset.done $0x0  }
0x2b6: {  	[sflag:s4] =	ssyncadd.s32 $0xFFFFC000  }
0x2b7: {  	[tilespmem:s2], [sflag:$0x2] =	stream.linear.gather [hbm4b:s11+s2], $0x200, $0x38;
	[tilespmem:$0x4200] =	vst v63  }
0x2b8: {  	_ =	swait.ge [sflag:s4], $0x200  }
0x2b9: {  	[sflag:s4] =	ssyncset.done $0x0  }
0x2ba: {  	[sflag:s4] =	ssyncadd.s32 $0xFFFFFE00  }
0x2bb: {  	[tilespmem:s6], [sflag:$0x1] =	stream.indirect.gather [hbm4b:s12+s6], $0x20, s2, s6, $0xb8;
	[tilespmem:$0x4200] =	vst v63  }
0x2bc: {  	_ =	swait.ge [sflag:s7], $0x4000  }
0x2bd: {  	[sflag:s7] =	ssyncset.done $0x0  }
0x2be: {  	[sflag:s7] =	ssyncadd.s32 $0xFFFFC000  }
0x2bf: {  	[hbm4b:s13+s8] =	stream.strided.scatter [tilespmem:s6], [sflag:$0x2], $0x4000, s9, s8, $0x38;
	[tilespmem:$0x4200] =	vst v63  }
0x2c0: {  	_ =	swait.ge [sflag:s4], $0x4000  }
0x2c1: {  	[sflag:s4] =	ssyncset.done $0x0  }
0x2c2: {  	[sflag:s4] =	ssyncadd.s32 $0xFFFFC000  }
0x2c3: {  	[tilespmem:s2], [sflag:$0x2] =	stream.linear.gather [hbm4b:s14+s2], $0x200, $0x38;
	[tilespmem:$0x4200] =	vst v63  }
0x2c4: {  	_ =	swait.ge [sflag:s4], $0x200  }
0x2c5: {  	[sflag:s4] =	ssyncset.done $0x0  }
0x2c6: {  	[sflag:s4] =	ssyncadd.s32 $0xFFFFFE00  }
0x2c7: {  	[tilespmem:s6], [sflag:$0x1] =	stream.indirect.gather [hbm4b:s15+s6], $0x20, s2, s6, $0xb8;
	[tilespmem:$0x4200] =	vst v63  }
0x2c8: {  	_ =	swait.ge [sflag:s7], $0x4000  }
0x2c9: {  	[sflag:s7] =	ssyncset.done $0x0  }
0x2ca: {  	[sflag:s7] =	ssyncadd.s32 $0xFFFFC000  }
0x2cb: {  	[hbm4b:s16+s8] =	stream.strided.scatter [tilespmem:s6], [sflag:$0x2], $0x4000, s9, s8, $0x38;
	[tilespmem:$0x4200] =	vst v63  }
0x2cc: {  	_ =	swait.ge [sflag:s4], $0x4000  }
0x2cd: {  	[sflag:s4] =	ssyncset.done $0x0  }
0x2ce: {  	[sflag:s4] =	ssyncadd.s32 $0xFFFFC000  }
0x2cf: {  	[tilespmem:s2], [sflag:$0x2] =	stream.linear.gather [hbm4b:s17+s2], $0x200, $0x38;
	[tilespmem:$0x4200] =	vst v63  }
0x2d0: {  	_ =	swait.ge [sflag:s4], $0x200  }
0x2d1: {  	[sflag:s4] =	ssyncset.done $0x0  }
0x2d2: {  	[sflag:s4] =	ssyncadd.s32 $0xFFFFFE00  }
0x2d3: {  	[tilespmem:s6], [sflag:$0x1] =	stream.indirect.gather [hbm4b:s18+s6], $0x20, s2, s6, $0xb8;
	[tilespmem:$0x4200] =	vst v63  }
0x2d4: {  	_ =	swait.ge [sflag:s7], $0x4000  }
0x2d5: {  	[sflag:s7] =	ssyncset.done $0x0  }
0x2d6: {  	[sflag:s7] =	ssyncadd.s32 $0xFFFFC000  }
0x2d7: {  	[hbm4b:s19+s8] =	stream.strided.scatter [tilespmem:s6], [sflag:$0x2], $0x4000, s9, s8, $0x38;
	[tilespmem:$0x4200] =	vst v63  }
0x2d8: {  	_ =	swait.ge [sflag:s4], $0x4000  }
0x2d9: {  	[sflag:s4] =	ssyncset.done $0x0  }
0x2da: {  	[sflag:s4] =	ssyncadd.s32 $0xFFFFC000  }
0x2db: {  	[tilespmem:s2], [sflag:$0x2] =	stream.linear.gather [hbm4b:s20+s2], $0x200, $0x38;
	[tilespmem:$0x4200] =	vst v63  }
0x2dc: {  	_ =	swait.ge [sflag:s4], $0x200  }
0x2dd: {  	[sflag:s4] =	ssyncset.done $0x0  }
0x2de: {  	[sflag:s4] =	ssyncadd.s32 $0xFFFFFE00  }
0x2df: {  	[tilespmem:s6], [sflag:$0x1] =	stream.indirect.gather [hbm4b:s21+s6], $0x20, s2, s6, $0xb8;
	[tilespmem:$0x4200] =	vst v63  }
0x2e0: {  	_ =	swait.ge [sflag:s7], $0x4000  }
0x2e1: {  	[sflag:s7] =	ssyncset.done $0x0  }
0x2e2: {  	[sflag:s7] =	ssyncadd.s32 $0xFFFFC000  }
0x2e3: {  	[hbm4b:s22+s8] =	stream.strided.scatter [tilespmem:s6], [sflag:$0x2], $0x4000, s9, s8, $0x38;
	[tilespmem:$0x4200] =	vst v63  }
0x2e4: {  	_ =	swait.ge [sflag:s4], $0x4000  }
0x2e5: {  	[sflag:s4] =	ssyncset.done $0x0  }
0x2e6: {  	[sflag:s4] =	ssyncadd.s32 $0xFFFFC000  }
0x2e7: {  	[tilespmem:s2], [sflag:$0x2] =	stream.linear.gather [hbm4b:s23+s2], $0x200, $0x38;
	[tilespmem:$0x4200] =	vst v63  }
0x2e8: {  	_ =	swait.ge [sflag:s4], $0x200  }
0x2e9: {  	[sflag:s4] =	ssyncset.done $0x0  }
0x2ea: {  	[sflag:s4] =	ssyncadd.s32 $0xFFFFFE00  }
0x2eb: {  	[tilespmem:s6], [sflag:$0x1] =	stream.indirect.gather [hbm4b:s24+s6], $0x20, s2, s6, $0xb8;
	[tilespmem:$0x4200] =	vst v63  }
0x2ec: {  	_ =	swait.ge [sflag:s7], $0x4000  }
0x2ed: {  	[sflag:s7] =	ssyncset.done $0x0  }
0x2ee: {  	[sflag:s7] =	ssyncadd.s32 $0xFFFFC000  }
0x2ef: {  	[hbm4b:s25+s8] =	stream.strided.scatter [tilespmem:s6], [sflag:$0x2], $0x4000, s9, s8, $0x38;
	[tilespmem:$0x4200] =	vst v63  }
0x2f0: {  	_ =	swait.ge [sflag:s4], $0x4000  }
0x2f1: {  	[sflag:s4] =	ssyncset.done $0x0  }
0x2f2: {  	[sflag:s4] =	ssyncadd.s32 $0xFFFFC000  }
0x2f3: {  	[tilespmem:s2], [sflag:$0x2] =	stream.linear.gather [hbm4b:s26+s2], $0x200, $0x38;
	[tilespmem:$0x4200] =	vst v63  }
0x2f4: {  	_ =	swait.ge [sflag:s4], $0x200  }
0x2f5: {  	[sflag:s4] =	ssyncset.done $0x0  }
0x2f6: {  	[sflag:s4] =	ssyncadd.s32 $0xFFFFFE00  }
0x2f7: {  	[tilespmem:s6], [sflag:$0x1] =	stream.indirect.gather [hbm4b:s28+s6], $0x20, s2, s6, $0xb8;
	[tilespmem:$0x4200] =	vst v63  }
0x2f8: {  	_ =	swait.ge [sflag:s7], $0x4000  }
0x2f9: {  	[sflag:s7] =	ssyncset.done $0x0  }
0x2fa: {  	[sflag:s7] =	ssyncadd.s32 $0xFFFFC000  }
0x2fb: {  	[hbm4b:s29+s8] =	stream.strided.scatter [tilespmem:s6], [sflag:$0x2], $0x4000, s9, s8, $0x38;
	[tilespmem:$0x4200] =	vst v63  }
0x2fc: {  	_ =	swait.ge [sflag:s4], $0x4000  }
0x2fd: {  	[sflag:s4] =	ssyncset.done $0x0  }
0x2fe: {  	[sflag:s4] =	ssyncadd.s32 $0xFFFFC000  }
0x2ff: {  	[tilespmem:s2], [sflag:$0x2] =	stream.linear.gather [hbm4b:s3+s2], $0x200, $0x38;
	[tilespmem:$0x4200] =	vst v63  }
0x300: {  	_ =	swait.ge [sflag:s4], $0x200  }
0x301: {  	[sflag:s4] =	ssyncset.done $0x0  }
0x302: {  	[sflag:s4] =	ssyncadd.s32 $0xFFFFFE00  }
0x303: {  	[tilespmem:s6], [sflag:$0x1] =	stream.indirect.gather [hbm4b:s5+s6], $0x20, s2, s6, $0xb8;
	[tilespmem:$0x4200] =	vst v63  }
0x304: {  	_ =	swait.ge [sflag:s7], $0x4000  }
0x305: {  	[sflag:s7] =	ssyncset.done $0x0  }
0x306: {  	[sflag:s7] =	ssyncadd.s32 $0xFFFFC000  }
0x307: {  	[hbm4b:s30+s8] =	stream.strided.scatter [tilespmem:s6], [sflag:$0x2], $0x4000, s9, s8, $0x38;
	[tilespmem:$0x4200] =	vst v63  }
0x308: {  	_ =	swait.ge [sflag:s4], $0x4000  }
0x309: {  	[sflag:s4] =	ssyncset.done $0x0  }
0x30a: {  	[sflag:s4] =	ssyncadd.s32 $0xFFFFC000  }
0x30b: {  	[tilespmem:s2], [sflag:$0x2] =	stream.linear.gather [hbm4b:s3+s2], $0x200, $0x38;
	[tilespmem:$0x4200] =	vst v63  }
0x30c: {  	_ =	swait.ge [sflag:s4], $0x200  }
0x30d: {  	[sflag:s4] =	ssyncset.done $0x0  }
0x30e: {  	[sflag:s4] =	ssyncadd.s32 $0xFFFFFE00  }
0x30f: {  	[tilespmem:s6], [sflag:$0x1] =	stream.indirect.gather [hbm4b:s5+s6], $0x20, s2, s6, $0xb8;
	[tilespmem:$0x4200] =	vst v63  }
0x310: {  	p0 =	sne.s32 s1, $0x1;
	_ =	swait.ge [sflag:s7], $0x4000  }
.Ltmp1:
0x311: {  	[sflag:s7] =	ssyncset.done $0x0;
	(pc) =	sbr.rel @p0 .LBB2_1-.Ltmp1, $4  }
0x312: {  	[sflag:s7] =	ssyncadd.s32 $0xFFFFC000  }
0x313: {  	[hbm4b:s31+s8] =	stream.strided.scatter [tilespmem:s6], [sflag:$0x2], $0x4000, s9, s8, $0x38;
	[tilespmem:$0x4200] =	vst v63  }
0x314: {  	_ =	swait.ge [sflag:s4], $0x4000  }
0x315: {  	s1 =	sadd.s32 $0xFFFFFFFF, s1;
	[sflag:s4] =	ssyncset.done $0x0  }
.LBB2_2:
0x316: {  	[sflag:s4] =	ssyncadd.s32 $0xFFFFC000  }
0x317: {  	_ =	sfence.sel $0x180000  }
0x318: {  	[bflag:$0x0] =	sbarrier.arrive $0xFFFF  }
0x319: {  	_ =	strace $0x90000047  }
0x31a: {  	s0 =	stileid.u32;
	[bflag:$0x2] =	sbarrier.arrive $0xFFFF  }
0x31b: {  	p0 =	sne.s32 s0, $0x0;
	s0 =	rddreg [dreg:$0x2]  }
0x31c: {  	s0 =	sadd.s32 @!p0 $0x100000, s0  }
0x31d: {  	[sflag:s0] =	ssyncadd.tile.s32 @!p0 $0x1;
	_ =	shalt  }
.Lfunc_end2:
_tile_overlayer_lowered:
.L_overlay_start_2:
0x31e: {  	(tag) =	ssettag $0x2  }
0x31f: {  	s0 =	rddreg [dreg:$0x0];
	s2 =	stileid.u32  }
0x320: {  	s1 =	rddreg [dreg:$0x1];
	p0 =	sne.s32 s2, $0x0  }
0x321: {  	s3 =	rddreg [dreg:$0x2];
	[bflag:$0x3] =	sbarrier.arrive $0xFFFF;
	s2 =	simm.s32 @!p0 $0x1C02  }
0x322: {  	[timem:s3], [sflag:s2] =	dma.local @!p0 [hbm:s0], s1  }
0x323: {  	s0 =	simm.s32 @!p0 $0x2  }
0x324: {  	_ =	swait.ge @!p0 [sflag:s0], s1  }
0x325: {  	s1 =	ssub.s32 @!p0 $0x0, s1;
	[sflag:s0] =	ssyncset.done @!p0 $0x0  }
0x326: {  	[sflag:s0] =	ssyncadd.s32 @!p0 s1  }
0x327: {  	[bflag:$0x3] =	sbarrier.arrive $0xFFFF  }
0x328: {  	_ =	shalt  }

</sc_bundles>
